<compile_context>
chip_gen: v7x
topology: tpu7x:2x2x1
jax: 0.10.2.dev20260603
libtpu: 0.0.44.dev20260713+nightly
codegen_flags: <defaults>
</compile_context>

<pallas_src>
import functools

import jax
import jax.numpy as jnp
from jax import lax
from jax.experimental import pallas as pl
from jax.experimental.pallas import tpu as pltpu
from jax.experimental.pallas import tpu_sc as plsc

VOCAB = 1000000
EMBED = 64
B, L = 4096, 200
N = B * L
NC = 2
NS = 16
NW = NC * NS
BPW = N // NW
CH = 128
NCH = BPW // CH

_mesh = plsc.VectorSubcoreMesh(core_axis_name="c", subcore_axis_name="s")
_params = pltpu.CompilerParams(
    use_tc_tiling_on_sc=True, needs_layout_passes=False)


@functools.partial(
    pl.kernel,
    mesh=_mesh,
    out_type=jax.ShapeDtypeStruct((N, EMBED), jnp.float32),
    scratch_types=[
        pltpu.VMEM((NCH, CH), jnp.int32),
        pltpu.VMEM((CH,), jnp.int32),
        pltpu.VMEM((CH,), jnp.int32),
        pltpu.VMEM((CH, 1, 2 * EMBED), jnp.float32),
        pltpu.VMEM((CH, 1, 2 * EMBED), jnp.float32),
        pltpu.VMEM((CH, EMBED), jnp.float32),
        pltpu.SemaphoreType.DMA,
        pltpu.SemaphoreType.DMA,
        pltpu.SemaphoreType.DMA,
    ],
    compiler_params=_params,
)
def _gather_rows(idx_hbm, t3_hbm, out_hbm, idx_v, h0, h1, p0, p1, rows_v,
                 gsem0, gsem1, wsem):
    wid = lax.axis_index("s") * NC + lax.axis_index("c")
    base = wid * BPW
    hs = (h0, h1)
    ps = (p0, p1)
    gsems = (gsem0, gsem1)
    pltpu.sync_copy(idx_hbm.at[wid], idx_v)

    def _start_gather(j, buf_i):
        for cc in range(8):
            raw = idx_v[j, pl.ds(cc * 16, 16)]
            hs[buf_i][pl.ds(cc * 16, 16)] = jax.lax.shift_right_logical(raw, 1)
        pltpu.async_copy(t3_hbm.at[hs[buf_i]], ps[buf_i], gsems[buf_i])

    _start_gather(0, 0)

    def body(j2, carry):
        for t in range(2):
            j = j2 * 2 + t

            @pl.when(j + 1 < NCH)
            def _():
                _start_gather(j + 1, 1 - t)

            pltpu.make_async_copy(t3_hbm.at[hs[t]], ps[t], gsems[t]).wait()
            slabs = ps[t]

            @pl.when(j >= 1)
            def _():
                pltpu.make_async_copy(
                    rows_v, out_hbm.at[pl.ds(0, CH)], wsem).wait()

            @plsc.parallel_loop(0, CH // 16, unroll=4)
            def sel(g):
                hv = jax.lax.shift_left(
                    jax.lax.bitwise_and(idx_v[j, pl.ds(g * 16, 16)], 1), 6)
                for i in range(16):
                    c = g * 16 + i
                    h64 = hv[i]
                    for m in range(4):
                        rows_v[c, pl.ds(m * 16, 16)] = (
                            slabs[c, 0, pl.ds(h64 + m * 16, 16)])

            pltpu.async_copy(
                rows_v, out_hbm.at[pl.ds(base + j * CH, CH)], wsem)

        return carry

    lax.fori_loop(0, NCH // 2, body, 0)
    pltpu.make_async_copy(rows_v, out_hbm.at[pl.ds(0, CH)], wsem).wait()


def kernel(x, table):
    t3 = table.reshape(VOCAB // 2, 1, 2 * EMBED)
    idx3 = x.astype(jnp.int32).reshape(NW, NCH, CH)
    out = _gather_rows(idx3, t3)
    return out.reshape(B, L, EMBED)

# --- scband reference (transcript-rebuilt; emitter-appended) ---
"""Pipeline reference for scband-token-embedding-1365799600363 (READ-ONLY COPY).

The authoritative reference and input builder live on the scoring server;
editing this copy changes nothing except your own understanding.
"""

import jax, jax.numpy as jnp
import numpy as np

VOCAB = 1000000
EMBED = 64
B, L = 4096, 200

def setup_inputs(seed: int = 0) -> dict:
    key = jax.random.key(seed)
    k1, k2 = jax.random.split(key)
    x = jax.random.randint(k1, (B, L), 0, VOCAB, dtype=jnp.int64 if jax.config.jax_enable_x64 else jnp.int32)
    table = jax.random.normal(k2, (VOCAB, EMBED), dtype=jnp.float32)
    return {"x": x, "table": table}

def reference(x, table):
    # nn.Embedding forward: gather rows of the embedding table
    return jnp.take(table, x, axis=0)

if __name__ == "__main__":
    import jax
    _d = setup_inputs()
    print(jax.jit(kernel)(*tuple(_d.values())))

</pallas_src>

<mosaic_0001>
#map = affine_map<(d0, d1) -> (0, 0, 0)>
#map1 = affine_map<(d0, d1) -> (0, 0)>
module attributes {stable_mosaic.version = 14 : i64} {
  func.func @_gather_rows(%arg0: i32, %arg1: i32, %arg2: memref<32x200x128xi32, #tpu.memory_space<hbm>>, %arg3: memref<500000x1x128xf32, #tpu.memory_space<hbm>>, %arg4: memref<819200x64xf32, #tpu.memory_space<hbm>>, %arg5: memref<200x128xi32, #tpu.memory_space<vmem>>, %arg6: memref<128xi32, #tpu.memory_space<vmem>>, %arg7: memref<128xi32, #tpu.memory_space<vmem>>, %arg8: memref<128x1x128xf32, #tpu.memory_space<vmem>>, %arg9: memref<128x1x128xf32, #tpu.memory_space<vmem>>, %arg10: memref<128x64xf32, #tpu.memory_space<vmem>>, %arg11: memref<!tpu.dma_semaphore, #tpu.memory_space<semaphore_mem>>, %arg12: memref<!tpu.dma_semaphore, #tpu.memory_space<semaphore_mem>>, %arg13: memref<!tpu.dma_semaphore, #tpu.memory_space<semaphore_mem>>) attributes {dimension_semantics = [#tpu.dimension_semantics<core_parallel>, #tpu.dimension_semantics<subcore_parallel>], iteration_bounds = array<i64: 2, 16>, scalar_prefetch = 0 : i64, scratch_operands = 9 : i64, tpu.core_type = #tpu.core_type<sc_vector_subcore>, window_params = [{transform_indices = #map}, {transform_indices = #map}, {transform_indices = #map1}]} {
    %mul3A = arith.constant 2 : i32
    %mul3A_0 = arith.muli %arg1, %mul3A : i32
    %add3A = arith.addi %mul3A_0, %arg0 : i32
    %mul3A_1 = arith.constant 25600 : i32
    %mul3A_2 = arith.muli %add3A, %mul3A_1 : i32
    "tpu.region"() ({
      %run_scoped3A = tpu.sem_alloc : memref<!tpu.dma_semaphore, #tpu.memory_space<semaphore_mem>>
      %dma_start3A_85 = arith.constant 0 : i32
      %dma_start3A_86 = arith.constant 0 : i32
      %dma_start3A_87 = tpu.memref_slice %arg2[%add3A, %dma_start3A_85, %dma_start3A_86] : memref<32x200x128xi32, #tpu.memory_space<hbm>> -> memref<1x200x128xi32, #tpu.memory_space<hbm>>
      %dma_start3A_88 = tpu.memref_squeeze %dma_start3A_87 : memref<1x200x128xi32, #tpu.memory_space<hbm>> -> memref<200x128xi32, #tpu.memory_space<hbm>>
      %dma_start3A_89 = arith.constant 0 : i32
      %dma_start3A_90 = arith.constant 0 : i32
      %dma_start3A_91 = tpu.memref_slice %arg2[%add3A, %dma_start3A_89, %dma_start3A_90] : memref<32x200x128xi32, #tpu.memory_space<hbm>> -> memref<1x200x128xi32, #tpu.memory_space<hbm>>
      %dma_start3A_92 = tpu.memref_squeeze %dma_start3A_91 : memref<1x200x128xi32, #tpu.memory_space<hbm>> -> memref<200x128xi32, #tpu.memory_space<hbm>>
      tpu.enqueue_dma source(%dma_start3A_92 : memref<200x128xi32, #tpu.memory_space<hbm>>) target(%arg5 : memref<200x128xi32, #tpu.memory_space<vmem>>) target_semaphore(%run_scoped3A : memref<!tpu.dma_semaphore, #tpu.memory_space<semaphore_mem>>)
      %dma_wait3A_93 = arith.constant 0 : i32
      %dma_wait3A_94 = arith.constant 0 : i32
      %dma_wait3A_95 = tpu.memref_slice %arg2[%add3A, %dma_wait3A_93, %dma_wait3A_94] : memref<32x200x128xi32, #tpu.memory_space<hbm>> -> memref<1x200x128xi32, #tpu.memory_space<hbm>>
      %dma_wait3A_96 = tpu.memref_squeeze %dma_wait3A_95 : memref<1x200x128xi32, #tpu.memory_space<hbm>> -> memref<200x128xi32, #tpu.memory_space<hbm>>
      %dma_wait3A_97 = arith.constant 0 : i32
      %dma_wait3A_98 = arith.constant 0 : i32
      %dma_wait3A_99 = tpu.memref_slice %arg2[%add3A, %dma_wait3A_97, %dma_wait3A_98] : memref<32x200x128xi32, #tpu.memory_space<hbm>> -> memref<1x200x128xi32, #tpu.memory_space<hbm>>
      %dma_wait3A_100 = tpu.memref_squeeze %dma_wait3A_99 : memref<1x200x128xi32, #tpu.memory_space<hbm>> -> memref<200x128xi32, #tpu.memory_space<hbm>>
      tpu.wait_dma2 semaphore(%run_scoped3A : memref<!tpu.dma_semaphore, #tpu.memory_space<semaphore_mem>>) src(%dma_wait3A_100 : memref<200x128xi32, #tpu.memory_space<hbm>>) dst(%arg5 : memref<200x128xi32, #tpu.memory_space<vmem>>)
      tpu.yield
    }) : () -> ()
    %get3A = arith.constant 0 : i32
    %get3A_3 = arith.index_cast %get3A : i32 to index
    %get3A_4 = arith.constant 0 : index
    %get3A_5 = tpu.vector_load %arg5[%get3A_3, %get3A_4] {strides = array<i32>} : memref<200x128xi32, #tpu.memory_space<vmem>>, vector<16xi32>,
    %shift_right_logical3A = arith.constant 1 : i32
    %shift_right_logical3A_6 = vector.broadcast %shift_right_logical3A : i32 to vector<16xi32>
    %shift_right_logical3A_7 = arith.shrui %get3A_5, %shift_right_logical3A_6 : vector<16xi32>
    %swap3A = arith.constant 0 : index
    %swap3A_8 = tpu.vector_load %arg6[%swap3A] {strides = array<i32>} : memref<128xi32, #tpu.memory_space<vmem>>, vector<16xi32>,
    tpu.vector_store %arg6[%swap3A], %shift_right_logical3A_7 {strides = array<i32>} : memref<128xi32, #tpu.memory_space<vmem>>, vector<16xi32>,
    %get3A_9 = arith.constant 0 : i32
    %get3A_10 = arith.index_cast %get3A_9 : i32 to index
    %get3A_11 = arith.constant 16 : index
    %get3A_12 = tpu.vector_load %arg5[%get3A_10, %get3A_11] {strides = array<i32>} : memref<200x128xi32, #tpu.memory_space<vmem>>, vector<16xi32>,
    %shift_right_logical3A_13 = arith.constant 1 : i32
    %shift_right_logical3A_14 = vector.broadcast %shift_right_logical3A_13 : i32 to vector<16xi32>
    %shift_right_logical3A_15 = arith.shrui %get3A_12, %shift_right_logical3A_14 : vector<16xi32>
    %swap3A_16 = arith.constant 16 : index
    %swap3A_17 = tpu.vector_load %arg6[%swap3A_16] {strides = array<i32>} : memref<128xi32, #tpu.memory_space<vmem>>, vector<16xi32>,
    tpu.vector_store %arg6[%swap3A_16], %shift_right_logical3A_15 {strides = array<i32>} : memref<128xi32, #tpu.memory_space<vmem>>, vector<16xi32>,
    %get3A_18 = arith.constant 0 : i32
    %get3A_19 = arith.index_cast %get3A_18 : i32 to index
    %get3A_20 = arith.constant 32 : index
    %get3A_21 = tpu.vector_load %arg5[%get3A_19, %get3A_20] {strides = array<i32>} : memref<200x128xi32, #tpu.memory_space<vmem>>, vector<16xi32>,
    %shift_right_logical3A_22 = arith.constant 1 : i32
    %shift_right_logical3A_23 = vector.broadcast %shift_right_logical3A_22 : i32 to vector<16xi32>
    %shift_right_logical3A_24 = arith.shrui %get3A_21, %shift_right_logical3A_23 : vector<16xi32>
    %swap3A_25 = arith.constant 32 : index
    %swap3A_26 = tpu.vector_load %arg6[%swap3A_25] {strides = array<i32>} : memref<128xi32, #tpu.memory_space<vmem>>, vector<16xi32>,
    tpu.vector_store %arg6[%swap3A_25], %shift_right_logical3A_24 {strides = array<i32>} : memref<128xi32, #tpu.memory_space<vmem>>, vector<16xi32>,
    %get3A_27 = arith.constant 0 : i32
    %get3A_28 = arith.index_cast %get3A_27 : i32 to index
    %get3A_29 = arith.constant 48 : index
    %get3A_30 = tpu.vector_load %arg5[%get3A_28, %get3A_29] {strides = array<i32>} : memref<200x128xi32, #tpu.memory_space<vmem>>, vector<16xi32>,
    %shift_right_logical3A_31 = arith.constant 1 : i32
    %shift_right_logical3A_32 = vector.broadcast %shift_right_logical3A_31 : i32 to vector<16xi32>
    %shift_right_logical3A_33 = arith.shrui %get3A_30, %shift_right_logical3A_32 : vector<16xi32>
    %swap3A_34 = arith.constant 48 : index
    %swap3A_35 = tpu.vector_load %arg6[%swap3A_34] {strides = array<i32>} : memref<128xi32, #tpu.memory_space<vmem>>, vector<16xi32>,
    tpu.vector_store %arg6[%swap3A_34], %shift_right_logical3A_33 {strides = array<i32>} : memref<128xi32, #tpu.memory_space<vmem>>, vector<16xi32>,
    %get3A_36 = arith.constant 0 : i32
    %get3A_37 = arith.index_cast %get3A_36 : i32 to index
    %get3A_38 = arith.constant 64 : index
    %get3A_39 = tpu.vector_load %arg5[%get3A_37, %get3A_38] {strides = array<i32>} : memref<200x128xi32, #tpu.memory_space<vmem>>, vector<16xi32>,
    %shift_right_logical3A_40 = arith.constant 1 : i32
    %shift_right_logical3A_41 = vector.broadcast %shift_right_logical3A_40 : i32 to vector<16xi32>
    %shift_right_logical3A_42 = arith.shrui %get3A_39, %shift_right_logical3A_41 : vector<16xi32>
    %swap3A_43 = arith.constant 64 : index
    %swap3A_44 = tpu.vector_load %arg6[%swap3A_43] {strides = array<i32>} : memref<128xi32, #tpu.memory_space<vmem>>, vector<16xi32>,
    tpu.vector_store %arg6[%swap3A_43], %shift_right_logical3A_42 {strides = array<i32>} : memref<128xi32, #tpu.memory_space<vmem>>, vector<16xi32>,
    %get3A_45 = arith.constant 0 : i32
    %get3A_46 = arith.index_cast %get3A_45 : i32 to index
    %get3A_47 = arith.constant 80 : index
    %get3A_48 = tpu.vector_load %arg5[%get3A_46, %get3A_47] {strides = array<i32>} : memref<200x128xi32, #tpu.memory_space<vmem>>, vector<16xi32>,
    %shift_right_logical3A_49 = arith.constant 1 : i32
    %shift_right_logical3A_50 = vector.broadcast %shift_right_logical3A_49 : i32 to vector<16xi32>
    %shift_right_logical3A_51 = arith.shrui %get3A_48, %shift_right_logical3A_50 : vector<16xi32>
    %swap3A_52 = arith.constant 80 : index
    %swap3A_53 = tpu.vector_load %arg6[%swap3A_52] {strides = array<i32>} : memref<128xi32, #tpu.memory_space<vmem>>, vector<16xi32>,
    tpu.vector_store %arg6[%swap3A_52], %shift_right_logical3A_51 {strides = array<i32>} : memref<128xi32, #tpu.memory_space<vmem>>, vector<16xi32>,
    %get3A_54 = arith.constant 0 : i32
    %get3A_55 = arith.index_cast %get3A_54 : i32 to index
    %get3A_56 = arith.constant 96 : index
    %get3A_57 = tpu.vector_load %arg5[%get3A_55, %get3A_56] {strides = array<i32>} : memref<200x128xi32, #tpu.memory_space<vmem>>, vector<16xi32>,
    %shift_right_logical3A_58 = arith.constant 1 : i32
    %shift_right_logical3A_59 = vector.broadcast %shift_right_logical3A_58 : i32 to vector<16xi32>
    %shift_right_logical3A_60 = arith.shrui %get3A_57, %shift_right_logical3A_59 : vector<16xi32>
    %swap3A_61 = arith.constant 96 : index
    %swap3A_62 = tpu.vector_load %arg6[%swap3A_61] {strides = array<i32>} : memref<128xi32, #tpu.memory_space<vmem>>, vector<16xi32>,
    tpu.vector_store %arg6[%swap3A_61], %shift_right_logical3A_60 {strides = array<i32>} : memref<128xi32, #tpu.memory_space<vmem>>, vector<16xi32>,
    %get3A_63 = arith.constant 0 : i32
    %get3A_64 = arith.index_cast %get3A_63 : i32 to index
    %get3A_65 = arith.constant 112 : index
    %get3A_66 = tpu.vector_load %arg5[%get3A_64, %get3A_65] {strides = array<i32>} : memref<200x128xi32, #tpu.memory_space<vmem>>, vector<16xi32>,
    %shift_right_logical3A_67 = arith.constant 1 : i32
    %shift_right_logical3A_68 = vector.broadcast %shift_right_logical3A_67 : i32 to vector<16xi32>
    %shift_right_logical3A_69 = arith.shrui %get3A_66, %shift_right_logical3A_68 : vector<16xi32>
    %swap3A_70 = arith.constant 112 : index
    %swap3A_71 = tpu.vector_load %arg6[%swap3A_70] {strides = array<i32>} : memref<128xi32, #tpu.memory_space<vmem>>, vector<16xi32>,
    tpu.vector_store %arg6[%swap3A_70], %shift_right_logical3A_69 {strides = array<i32>} : memref<128xi32, #tpu.memory_space<vmem>>, vector<16xi32>,
    %dma_start3A = arith.constant 0 : i32
    %dma_start3A_72 = arith.constant 0 : i32
    %dma_start3A_73 = arith.constant 0 : i32
    %dma_start3A_74 = tpu.memref_slice %arg3[%dma_start3A, %dma_start3A_72, %dma_start3A_73] : memref<500000x1x128xf32, #tpu.memory_space<hbm>> -> memref<500000x1x128xf32, #tpu.memory_space<hbm>>
    tpu.enqueue_indirect_dma source(%dma_start3A_74 : memref<500000x1x128xf32, #tpu.memory_space<hbm>>) target(%arg8 : memref<128x1x128xf32, #tpu.memory_space<vmem>>) offsets(%arg6 : memref<128xi32, #tpu.memory_space<vmem>>) semaphore(%arg11 : memref<!tpu.dma_semaphore, #tpu.memory_space<semaphore_mem>>)
    %scan3A = arith.constant 0 : i32
    %scan3A_75 = arith.constant 0 : i32
    %scan3A_76 = arith.constant 100 : i32
    %scan3A_77 = arith.addi %scan3A_75, %scan3A_76 : i32
    %scan3A_78 = arith.constant 1 : i32
    scf.for %scan3A_85 = %scan3A_75 to %scan3A_77 step %scan3A_78  : i32 {
      %mul3A_86 = arith.constant 2 : i32
      %mul3A_87 = arith.muli %scan3A_85, %mul3A_86 : i32
      %add3A_88 = arith.constant 0 : i32
      %add3A_89 = arith.addi %mul3A_87, %add3A_88 : i32
      %add3A_90 = arith.constant 1 : i32
      %add3A_91 = arith.addi %add3A_89, %add3A_90 : i32
      %lt3A = arith.constant 200 : i32
      %lt3A_92 = arith.cmpi slt, %add3A_91, %lt3A : i32
      %convert_element_type3A = arith.extui %lt3A_92 : i1 to i32
      %cond3A = arith.constant 0 : i32
      %cond3A_93 = arith.cmpi ne, %convert_element_type3A, %cond3A : i32
      scf.if %cond3A_93 {
        %add3A_141 = arith.constant 1 : i32
        %add3A_142 = arith.addi %add3A_89, %add3A_141 : i32
        %get3A_143 = arith.index_cast %add3A_142 : i32 to index
        %get3A_144 = arith.constant 0 : index
        %get3A_145 = tpu.vector_load %arg5[%get3A_143, %get3A_144] {strides = array<i32>} : memref<200x128xi32, #tpu.memory_space<vmem>>, vector<16xi32>,
        %shift_right_logical3A_146 = arith.constant 1 : i32
        %shift_right_logical3A_147 = vector.broadcast %shift_right_logical3A_146 : i32 to vector<16xi32>
        %shift_right_logical3A_148 = arith.shrui %get3A_145, %shift_right_logical3A_147 : vector<16xi32>
        %swap3A_149 = arith.constant 0 : index
        %swap3A_150 = tpu.vector_load %arg7[%swap3A_149] {strides = array<i32>} : memref<128xi32, #tpu.memory_space<vmem>>, vector<16xi32>,
        tpu.vector_store %arg7[%swap3A_149], %shift_right_logical3A_148 {strides = array<i32>} : memref<128xi32, #tpu.memory_space<vmem>>, vector<16xi32>,
        %get3A_151 = arith.index_cast %add3A_142 : i32 to index
        %get3A_152 = arith.constant 16 : index
        %get3A_153 = tpu.vector_load %arg5[%get3A_151, %get3A_152] {strides = array<i32>} : memref<200x128xi32, #tpu.memory_space<vmem>>, vector<16xi32>,
        %shift_right_logical3A_154 = arith.constant 1 : i32
        %shift_right_logical3A_155 = vector.broadcast %shift_right_logical3A_154 : i32 to vector<16xi32>
        %shift_right_logical3A_156 = arith.shrui %get3A_153, %shift_right_logical3A_155 : vector<16xi32>
        %swap3A_157 = arith.constant 16 : index
        %swap3A_158 = tpu.vector_load %arg7[%swap3A_157] {strides = array<i32>} : memref<128xi32, #tpu.memory_space<vmem>>, vector<16xi32>,
        tpu.vector_store %arg7[%swap3A_157], %shift_right_logical3A_156 {strides = array<i32>} : memref<128xi32, #tpu.memory_space<vmem>>, vector<16xi32>,
        %get3A_159 = arith.index_cast %add3A_142 : i32 to index
        %get3A_160 = arith.constant 32 : index
        %get3A_161 = tpu.vector_load %arg5[%get3A_159, %get3A_160] {strides = array<i32>} : memref<200x128xi32, #tpu.memory_space<vmem>>, vector<16xi32>,
        %shift_right_logical3A_162 = arith.constant 1 : i32
        %shift_right_logical3A_163 = vector.broadcast %shift_right_logical3A_162 : i32 to vector<16xi32>
        %shift_right_logical3A_164 = arith.shrui %get3A_161, %shift_right_logical3A_163 : vector<16xi32>
        %swap3A_165 = arith.constant 32 : index
        %swap3A_166 = tpu.vector_load %arg7[%swap3A_165] {strides = array<i32>} : memref<128xi32, #tpu.memory_space<vmem>>, vector<16xi32>,
        tpu.vector_store %arg7[%swap3A_165], %shift_right_logical3A_164 {strides = array<i32>} : memref<128xi32, #tpu.memory_space<vmem>>, vector<16xi32>,
        %get3A_167 = arith.index_cast %add3A_142 : i32 to index
        %get3A_168 = arith.constant 48 : index
        %get3A_169 = tpu.vector_load %arg5[%get3A_167, %get3A_168] {strides = array<i32>} : memref<200x128xi32, #tpu.memory_space<vmem>>, vector<16xi32>,
        %shift_right_logical3A_170 = arith.constant 1 : i32
        %shift_right_logical3A_171 = vector.broadcast %shift_right_logical3A_170 : i32 to vector<16xi32>
        %shift_right_logical3A_172 = arith.shrui %get3A_169, %shift_right_logical3A_171 : vector<16xi32>
        %swap3A_173 = arith.constant 48 : index
        %swap3A_174 = tpu.vector_load %arg7[%swap3A_173] {strides = array<i32>} : memref<128xi32, #tpu.memory_space<vmem>>, vector<16xi32>,
        tpu.vector_store %arg7[%swap3A_173], %shift_right_logical3A_172 {strides = array<i32>} : memref<128xi32, #tpu.memory_space<vmem>>, vector<16xi32>,
        %get3A_175 = arith.index_cast %add3A_142 : i32 to index
        %get3A_176 = arith.constant 64 : index
        %get3A_177 = tpu.vector_load %arg5[%get3A_175, %get3A_176] {strides = array<i32>} : memref<200x128xi32, #tpu.memory_space<vmem>>, vector<16xi32>,
        %shift_right_logical3A_178 = arith.constant 1 : i32
        %shift_right_logical3A_179 = vector.broadcast %shift_right_logical3A_178 : i32 to vector<16xi32>
        %shift_right_logical3A_180 = arith.shrui %get3A_177, %shift_right_logical3A_179 : vector<16xi32>
        %swap3A_181 = arith.constant 64 : index
        %swap3A_182 = tpu.vector_load %arg7[%swap3A_181] {strides = array<i32>} : memref<128xi32, #tpu.memory_space<vmem>>, vector<16xi32>,
        tpu.vector_store %arg7[%swap3A_181], %shift_right_logical3A_180 {strides = array<i32>} : memref<128xi32, #tpu.memory_space<vmem>>, vector<16xi32>,
        %get3A_183 = arith.index_cast %add3A_142 : i32 to index
        %get3A_184 = arith.constant 80 : index
        %get3A_185 = tpu.vector_load %arg5[%get3A_183, %get3A_184] {strides = array<i32>} : memref<200x128xi32, #tpu.memory_space<vmem>>, vector<16xi32>,
        %shift_right_logical3A_186 = arith.constant 1 : i32
        %shift_right_logical3A_187 = vector.broadcast %shift_right_logical3A_186 : i32 to vector<16xi32>
        %shift_right_logical3A_188 = arith.shrui %get3A_185, %shift_right_logical3A_187 : vector<16xi32>
        %swap3A_189 = arith.constant 80 : index
        %swap3A_190 = tpu.vector_load %arg7[%swap3A_189] {strides = array<i32>} : memref<128xi32, #tpu.memory_space<vmem>>, vector<16xi32>,
        tpu.vector_store %arg7[%swap3A_189], %shift_right_logical3A_188 {strides = array<i32>} : memref<128xi32, #tpu.memory_space<vmem>>, vector<16xi32>,
        %get3A_191 = arith.index_cast %add3A_142 : i32 to index
        %get3A_192 = arith.constant 96 : index
        %get3A_193 = tpu.vector_load %arg5[%get3A_191, %get3A_192] {strides = array<i32>} : memref<200x128xi32, #tpu.memory_space<vmem>>, vector<16xi32>,
        %shift_right_logical3A_194 = arith.constant 1 : i32
        %shift_right_logical3A_195 = vector.broadcast %shift_right_logical3A_194 : i32 to vector<16xi32>
        %shift_right_logical3A_196 = arith.shrui %get3A_193, %shift_right_logical3A_195 : vector<16xi32>
        %swap3A_197 = arith.constant 96 : index
        %swap3A_198 = tpu.vector_load %arg7[%swap3A_197] {strides = array<i32>} : memref<128xi32, #tpu.memory_space<vmem>>, vector<16xi32>,
        tpu.vector_store %arg7[%swap3A_197], %shift_right_logical3A_196 {strides = array<i32>} : memref<128xi32, #tpu.memory_space<vmem>>, vector<16xi32>,
        %get3A_199 = arith.index_cast %add3A_142 : i32 to index
        %get3A_200 = arith.constant 112 : index
        %get3A_201 = tpu.vector_load %arg5[%get3A_199, %get3A_200] {strides = array<i32>} : memref<200x128xi32, #tpu.memory_space<vmem>>, vector<16xi32>,
        %shift_right_logical3A_202 = arith.constant 1 : i32
        %shift_right_logical3A_203 = vector.broadcast %shift_right_logical3A_202 : i32 to vector<16xi32>
        %shift_right_logical3A_204 = arith.shrui %get3A_201, %shift_right_logical3A_203 : vector<16xi32>
        %swap3A_205 = arith.constant 112 : index
        %swap3A_206 = tpu.vector_load %arg7[%swap3A_205] {strides = array<i32>} : memref<128xi32, #tpu.memory_space<vmem>>, vector<16xi32>,
        tpu.vector_store %arg7[%swap3A_205], %shift_right_logical3A_204 {strides = array<i32>} : memref<128xi32, #tpu.memory_space<vmem>>, vector<16xi32>,
        %dma_start3A_207 = arith.constant 0 : i32
        %dma_start3A_208 = arith.constant 0 : i32
        %dma_start3A_209 = arith.constant 0 : i32
        %dma_start3A_210 = tpu.memref_slice %arg3[%dma_start3A_207, %dma_start3A_208, %dma_start3A_209] : memref<500000x1x128xf32, #tpu.memory_space<hbm>> -> memref<500000x1x128xf32, #tpu.memory_space<hbm>>
        tpu.enqueue_indirect_dma source(%dma_start3A_210 : memref<500000x1x128xf32, #tpu.memory_space<hbm>>) target(%arg9 : memref<128x1x128xf32, #tpu.memory_space<vmem>>) offsets(%arg7 : memref<128xi32, #tpu.memory_space<vmem>>) semaphore(%arg12 : memref<!tpu.dma_semaphore, #tpu.memory_space<semaphore_mem>>)
      } else {
      }
      %dma_wait3A_94 = arith.constant 0 : i32
      %dma_wait3A_95 = arith.constant 0 : i32
      %dma_wait3A_96 = arith.constant 0 : i32
      %dma_wait3A_97 = tpu.memref_slice %arg3[%dma_wait3A_94, %dma_wait3A_95, %dma_wait3A_96] : memref<500000x1x128xf32, #tpu.memory_space<hbm>> -> memref<500000x1x128xf32, #tpu.memory_space<hbm>>
      tpu.wait_indirect_dma semaphore(%arg11 : memref<!tpu.dma_semaphore, #tpu.memory_space<semaphore_mem>>) src(%dma_wait3A_97 : memref<500000x1x128xf32, #tpu.memory_space<hbm>>) dst(%arg8 : memref<128x1x128xf32, #tpu.memory_space<vmem>>)
      %ge3A = arith.constant 1 : i32
      %ge3A_98 = arith.cmpi sge, %add3A_89, %ge3A : i32
      %convert_element_type3A_99 = arith.extui %ge3A_98 : i1 to i32
      %cond3A_100 = arith.constant 0 : i32
      %cond3A_101 = arith.cmpi ne, %convert_element_type3A_99, %cond3A_100 : i32
      scf.if %cond3A_101 {
        %dma_wait3A_141 = arith.constant 0 : i32
        %dma_wait3A_142 = arith.constant 0 : i32
        %dma_wait3A_143 = tpu.memref_slice %arg4[%dma_wait3A_141, %dma_wait3A_142] : memref<819200x64xf32, #tpu.memory_space<hbm>> -> memref<128x64xf32, #tpu.memory_space<hbm>>
        %dma_wait3A_144 = arith.constant 0 : i32
        %dma_wait3A_145 = arith.constant 0 : i32
        %dma_wait3A_146 = tpu.memref_slice %arg4[%dma_wait3A_144, %dma_wait3A_145] : memref<819200x64xf32, #tpu.memory_space<hbm>> -> memref<128x64xf32, #tpu.memory_space<hbm>>
        tpu.wait_dma2 semaphore(%arg13 : memref<!tpu.dma_semaphore, #tpu.memory_space<semaphore_mem>>) src(%arg10 : memref<128x64xf32, #tpu.memory_space<vmem>>) dst(%dma_wait3A_146 : memref<128x64xf32, #tpu.memory_space<hbm>>)
      } else {
      }
      %parallel_loop3A = arith.constant 0 : i32
      %parallel_loop3A_102 = arith.constant 8 : i32
      %parallel_loop3A_103 = arith.constant 1 : i32
      scf.for %parallel_loop3A_141 = %parallel_loop3A to %parallel_loop3A_102 step %parallel_loop3A_103  : i32 {
        %parallel_loop3A_142 = arith.constant 16 : i32
        %parallel_loop3A_143 = arith.muli %parallel_loop3A_141, %parallel_loop3A_142 : i32
        %parallel_loop3A_144 = arith.index_cast %add3A_89 : i32 to index
        %parallel_loop3A_145 = arith.index_cast %parallel_loop3A_143 : i32 to index
        %parallel_loop3A_146 = tpu.vector_load %arg5[%parallel_loop3A_144, %parallel_loop3A_145] {strides = array<i32>} : memref<200x128xi32, #tpu.memory_space<vmem>>, vector<16xi32>,
        %parallel_loop3A_147 = arith.constant 1 : i32
        %parallel_loop3A_148 = vector.broadcast %parallel_loop3A_147 : i32 to vector<16xi32>
        %parallel_loop3A_149 = arith.andi %parallel_loop3A_146, %parallel_loop3A_148 : vector<16xi32>
        %parallel_loop3A_150 = arith.constant 6 : i32
        %parallel_loop3A_151 = vector.broadcast %parallel_loop3A_150 : i32 to vector<16xi32>
        %parallel_loop3A_152 = arith.shli %parallel_loop3A_149, %parallel_loop3A_151 : vector<16xi32>
        %parallel_loop3A_153 = arith.constant 16 : i32
        %parallel_loop3A_154 = arith.muli %parallel_loop3A_141, %parallel_loop3A_153 : i32
        %parallel_loop3A_155 = arith.constant 0 : i32
        %parallel_loop3A_156 = arith.addi %parallel_loop3A_154, %parallel_loop3A_155 : i32
        %parallel_loop3A_157 = vector.extract_strided_slice %parallel_loop3A_152 {offsets = [0], sizes = [1], strides = [1]} : vector<16xi32> to vector<1xi32>
        %parallel_loop3A_158 = vector.extract %parallel_loop3A_157[0] : i32 from vector<1xi32>
        %parallel_loop3A_159 = arith.constant 0 : i32
        %parallel_loop3A_160 = arith.addi %parallel_loop3A_158, %parallel_loop3A_159 : i32
        %parallel_loop3A_161 = arith.constant 0 : i32
        %parallel_loop3A_162 = arith.index_cast %parallel_loop3A_156 : i32 to index
        %parallel_loop3A_163 = arith.index_cast %parallel_loop3A_161 : i32 to index
        %parallel_loop3A_164 = arith.index_cast %parallel_loop3A_160 : i32 to index
        %parallel_loop3A_165 = tpu.vector_load %arg8[%parallel_loop3A_162, %parallel_loop3A_163, %parallel_loop3A_164] {strides = array<i32>} : memref<128x1x128xf32, #tpu.memory_space<vmem>>, vector<16xf32>,
        %parallel_loop3A_166 = arith.index_cast %parallel_loop3A_156 : i32 to index
        %parallel_loop3A_167 = arith.constant 0 : index
        %parallel_loop3A_168 = tpu.vector_load %arg10[%parallel_loop3A_166, %parallel_loop3A_167] {strides = array<i32>} : memref<128x64xf32, #tpu.memory_space<vmem>>, vector<16xf32>,
        tpu.vector_store %arg10[%parallel_loop3A_166, %parallel_loop3A_167], %parallel_loop3A_165 {strides = array<i32>} : memref<128x64xf32, #tpu.memory_space<vmem>>, vector<16xf32>,
        %parallel_loop3A_169 = arith.constant 16 : i32
        %parallel_loop3A_170 = arith.addi %parallel_loop3A_158, %parallel_loop3A_169 : i32
        %parallel_loop3A_171 = arith.constant 0 : i32
        %parallel_loop3A_172 = arith.index_cast %parallel_loop3A_156 : i32 to index
        %parallel_loop3A_173 = arith.index_cast %parallel_loop3A_171 : i32 to index
        %parallel_loop3A_174 = arith.index_cast %parallel_loop3A_170 : i32 to index
        %parallel_loop3A_175 = tpu.vector_load %arg8[%parallel_loop3A_172, %parallel_loop3A_173, %parallel_loop3A_174] {strides = array<i32>} : memref<128x1x128xf32, #tpu.memory_space<vmem>>, vector<16xf32>,
        %parallel_loop3A_176 = arith.index_cast %parallel_loop3A_156 : i32 to index
        %parallel_loop3A_177 = arith.constant 16 : index
        %parallel_loop3A_178 = tpu.vector_load %arg10[%parallel_loop3A_176, %parallel_loop3A_177] {strides = array<i32>} : memref<128x64xf32, #tpu.memory_space<vmem>>, vector<16xf32>,
        tpu.vector_store %arg10[%parallel_loop3A_176, %parallel_loop3A_177], %parallel_loop3A_175 {strides = array<i32>} : memref<128x64xf32, #tpu.memory_space<vmem>>, vector<16xf32>,
        %parallel_loop3A_179 = arith.constant 32 : i32
        %parallel_loop3A_180 = arith.addi %parallel_loop3A_158, %parallel_loop3A_179 : i32
        %parallel_loop3A_181 = arith.constant 0 : i32
        %parallel_loop3A_182 = arith.index_cast %parallel_loop3A_156 : i32 to index
        %parallel_loop3A_183 = arith.index_cast %parallel_loop3A_181 : i32 to index
        %parallel_loop3A_184 = arith.index_cast %parallel_loop3A_180 : i32 to index
        %parallel_loop3A_185 = tpu.vector_load %arg8[%parallel_loop3A_182, %parallel_loop3A_183, %parallel_loop3A_184] {strides = array<i32>} : memref<128x1x128xf32, #tpu.memory_space<vmem>>, vector<16xf32>,
        %parallel_loop3A_186 = arith.index_cast %parallel_loop3A_156 : i32 to index
        %parallel_loop3A_187 = arith.constant 32 : index
        %parallel_loop3A_188 = tpu.vector_load %arg10[%parallel_loop3A_186, %parallel_loop3A_187] {strides = array<i32>} : memref<128x64xf32, #tpu.memory_space<vmem>>, vector<16xf32>,
        tpu.vector_store %arg10[%parallel_loop3A_186, %parallel_loop3A_187], %parallel_loop3A_185 {strides = array<i32>} : memref<128x64xf32, #tpu.memory_space<vmem>>, vector<16xf32>,
        %parallel_loop3A_189 = arith.constant 48 : i32
        %parallel_loop3A_190 = arith.addi %parallel_loop3A_158, %parallel_loop3A_189 : i32
        %parallel_loop3A_191 = arith.constant 0 : i32
        %parallel_loop3A_192 = arith.index_cast %parallel_loop3A_156 : i32 to index
        %parallel_loop3A_193 = arith.index_cast %parallel_loop3A_191 : i32 to index
        %parallel_loop3A_194 = arith.index_cast %parallel_loop3A_190 : i32 to index
        %parallel_loop3A_195 = tpu.vector_load %arg8[%parallel_loop3A_192, %parallel_loop3A_193, %parallel_loop3A_194] {strides = array<i32>} : memref<128x1x128xf32, #tpu.memory_space<vmem>>, vector<16xf32>,
        %parallel_loop3A_196 = arith.index_cast %parallel_loop3A_156 : i32 to index
        %parallel_loop3A_197 = arith.constant 48 : index
        %parallel_loop3A_198 = tpu.vector_load %arg10[%parallel_loop3A_196, %parallel_loop3A_197] {strides = array<i32>} : memref<128x64xf32, #tpu.memory_space<vmem>>, vector<16xf32>,
        tpu.vector_store %arg10[%parallel_loop3A_196, %parallel_loop3A_197], %parallel_loop3A_195 {strides = array<i32>} : memref<128x64xf32, #tpu.memory_space<vmem>>, vector<16xf32>,
        %parallel_loop3A_199 = arith.constant 16 : i32
        %parallel_loop3A_200 = arith.muli %parallel_loop3A_141, %parallel_loop3A_199 : i32
        %parallel_loop3A_201 = arith.constant 1 : i32
        %parallel_loop3A_202 = arith.addi %parallel_loop3A_200, %parallel_loop3A_201 : i32
        %parallel_loop3A_203 = vector.extract_strided_slice %parallel_loop3A_152 {offsets = [1], sizes = [1], strides = [1]} : vector<16xi32> to vector<1xi32>
        %parallel_loop3A_204 = vector.extract %parallel_loop3A_203[0] : i32 from vector<1xi32>
        %parallel_loop3A_205 = arith.constant 0 : i32
        %parallel_loop3A_206 = arith.addi %parallel_loop3A_204, %parallel_loop3A_205 : i32
        %parallel_loop3A_207 = arith.constant 0 : i32
        %parallel_loop3A_208 = arith.index_cast %parallel_loop3A_202 : i32 to index
        %parallel_loop3A_209 = arith.index_cast %parallel_loop3A_207 : i32 to index
        %parallel_loop3A_210 = arith.index_cast %parallel_loop3A_206 : i32 to index
        %parallel_loop3A_211 = tpu.vector_load %arg8[%parallel_loop3A_208, %parallel_loop3A_209, %parallel_loop3A_210] {strides = array<i32>} : memref<128x1x128xf32, #tpu.memory_space<vmem>>, vector<16xf32>,
        %parallel_loop3A_212 = arith.index_cast %parallel_loop3A_202 : i32 to index
        %parallel_loop3A_213 = arith.constant 0 : index
        %parallel_loop3A_214 = tpu.vector_load %arg10[%parallel_loop3A_212, %parallel_loop3A_213] {strides = array<i32>} : memref<128x64xf32, #tpu.memory_space<vmem>>, vector<16xf32>,
        tpu.vector_store %arg10[%parallel_loop3A_212, %parallel_loop3A_213], %parallel_loop3A_211 {strides = array<i32>} : memref<128x64xf32, #tpu.memory_space<vmem>>, vector<16xf32>,
        %parallel_loop3A_215 = arith.constant 16 : i32
        %parallel_loop3A_216 = arith.addi %parallel_loop3A_204, %parallel_loop3A_215 : i32
        %parallel_loop3A_217 = arith.constant 0 : i32
        %parallel_loop3A_218 = arith.index_cast %parallel_loop3A_202 : i32 to index
        %parallel_loop3A_219 = arith.index_cast %parallel_loop3A_217 : i32 to index
        %parallel_loop3A_220 = arith.index_cast %parallel_loop3A_216 : i32 to index
        %parallel_loop3A_221 = tpu.vector_load %arg8[%parallel_loop3A_218, %parallel_loop3A_219, %parallel_loop3A_220] {strides = array<i32>} : memref<128x1x128xf32, #tpu.memory_space<vmem>>, vector<16xf32>,
        %parallel_loop3A_222 = arith.index_cast %parallel_loop3A_202 : i32 to index
        %parallel_loop3A_223 = arith.constant 16 : index
        %parallel_loop3A_224 = tpu.vector_load %arg10[%parallel_loop3A_222, %parallel_loop3A_223] {strides = array<i32>} : memref<128x64xf32, #tpu.memory_space<vmem>>, vector<16xf32>,
        tpu.vector_store %arg10[%parallel_loop3A_222, %parallel_loop3A_223], %parallel_loop3A_221 {strides = array<i32>} : memref<128x64xf32, #tpu.memory_space<vmem>>, vector<16xf32>,
        %parallel_loop3A_225 = arith.constant 32 : i32
        %parallel_loop3A_226 = arith.addi %parallel_loop3A_204, %parallel_loop3A_225 : i32
        %parallel_loop3A_227 = arith.constant 0 : i32
        %parallel_loop3A_228 = arith.index_cast %parallel_loop3A_202 : i32 to index
        %parallel_loop3A_229 = arith.index_cast %parallel_loop3A_227 : i32 to index
        %parallel_loop3A_230 = arith.index_cast %parallel_loop3A_226 : i32 to index
        %parallel_loop3A_231 = tpu.vector_load %arg8[%parallel_loop3A_228, %parallel_loop3A_229, %parallel_loop3A_230] {strides = array<i32>} : memref<128x1x128xf32, #tpu.memory_space<vmem>>, vector<16xf32>,
        %parallel_loop3A_232 = arith.index_cast %parallel_loop3A_202 : i32 to index
        %parallel_loop3A_233 = arith.constant 32 : index
        %parallel_loop3A_234 = tpu.vector_load %arg10[%parallel_loop3A_232, %parallel_loop3A_233] {strides = array<i32>} : memref<128x64xf32, #tpu.memory_space<vmem>>, vector<16xf32>,
        tpu.vector_store %arg10[%parallel_loop3A_232, %parallel_loop3A_233], %parallel_loop3A_231 {strides = array<i32>} : memref<128x64xf32, #tpu.memory_space<vmem>>, vector<16xf32>,
        %parallel_loop3A_235 = arith.constant 48 : i32
        %parallel_loop3A_236 = arith.addi %parallel_loop3A_204, %parallel_loop3A_235 : i32
        %parallel_loop3A_237 = arith.constant 0 : i32
        %parallel_loop3A_238 = arith.index_cast %parallel_loop3A_202 : i32 to index
        %parallel_loop3A_239 = arith.index_cast %parallel_loop3A_237 : i32 to index
        %parallel_loop3A_240 = arith.index_cast %parallel_loop3A_236 : i32 to index
        %parallel_loop3A_241 = tpu.vector_load %arg8[%parallel_loop3A_238, %parallel_loop3A_239, %parallel_loop3A_240] {strides = array<i32>} : memref<128x1x128xf32, #tpu.memory_space<vmem>>, vector<16xf32>,
        %parallel_loop3A_242 = arith.index_cast %parallel_loop3A_202 : i32 to index
        %parallel_loop3A_243 = arith.constant 48 : index
        %parallel_loop3A_244 = tpu.vector_load %arg10[%parallel_loop3A_242, %parallel_loop3A_243] {strides = array<i32>} : memref<128x64xf32, #tpu.memory_space<vmem>>, vector<16xf32>,
        tpu.vector_store %arg10[%parallel_loop3A_242, %parallel_loop3A_243], %parallel_loop3A_241 {strides = array<i32>} : memref<128x64xf32, #tpu.memory_space<vmem>>, vector<16xf32>,
        %parallel_loop3A_245 = arith.constant 16 : i32
        %parallel_loop3A_246 = arith.muli %parallel_loop3A_141, %parallel_loop3A_245 : i32
        %parallel_loop3A_247 = arith.constant 2 : i32
        %parallel_loop3A_248 = arith.addi %parallel_loop3A_246, %parallel_loop3A_247 : i32
        %parallel_loop3A_249 = vector.extract_strided_slice %parallel_loop3A_152 {offsets = [2], sizes = [1], strides = [1]} : vector<16xi32> to vector<1xi32>
        %parallel_loop3A_250 = vector.extract %parallel_loop3A_249[0] : i32 from vector<1xi32>
        %parallel_loop3A_251 = arith.constant 0 : i32
        %parallel_loop3A_252 = arith.addi %parallel_loop3A_250, %parallel_loop3A_251 : i32
        %parallel_loop3A_253 = arith.constant 0 : i32
        %parallel_loop3A_254 = arith.index_cast %parallel_loop3A_248 : i32 to index
        %parallel_loop3A_255 = arith.index_cast %parallel_loop3A_253 : i32 to index
        %parallel_loop3A_256 = arith.index_cast %parallel_loop3A_252 : i32 to index
        %parallel_loop3A_257 = tpu.vector_load %arg8[%parallel_loop3A_254, %parallel_loop3A_255, %parallel_loop3A_256] {strides = array<i32>} : memref<128x1x128xf32, #tpu.memory_space<vmem>>, vector<16xf32>,
        %parallel_loop3A_258 = arith.index_cast %parallel_loop3A_248 : i32 to index
        %parallel_loop3A_259 = arith.constant 0 : index
        %parallel_loop3A_260 = tpu.vector_load %arg10[%parallel_loop3A_258, %parallel_loop3A_259] {strides = array<i32>} : memref<128x64xf32, #tpu.memory_space<vmem>>, vector<16xf32>,
        tpu.vector_store %arg10[%parallel_loop3A_258, %parallel_loop3A_259], %parallel_loop3A_257 {strides = array<i32>} : memref<128x64xf32, #tpu.memory_space<vmem>>, vector<16xf32>,
        %parallel_loop3A_261 = arith.constant 16 : i32
        %parallel_loop3A_262 = arith.addi %parallel_loop3A_250, %parallel_loop3A_261 : i32
        %parallel_loop3A_263 = arith.constant 0 : i32
        %parallel_loop3A_264 = arith.index_cast %parallel_loop3A_248 : i32 to index
        %parallel_loop3A_265 = arith.index_cast %parallel_loop3A_263 : i32 to index
        %parallel_loop3A_266 = arith.index_cast %parallel_loop3A_262 : i32 to index
        %parallel_loop3A_267 = tpu.vector_load %arg8[%parallel_loop3A_264, %parallel_loop3A_265, %parallel_loop3A_266] {strides = array<i32>} : memref<128x1x128xf32, #tpu.memory_space<vmem>>, vector<16xf32>,
        %parallel_loop3A_268 = arith.index_cast %parallel_loop3A_248 : i32 to index
        %parallel_loop3A_269 = arith.constant 16 : index
        %parallel_loop3A_270 = tpu.vector_load %arg10[%parallel_loop3A_268, %parallel_loop3A_269] {strides = array<i32>} : memref<128x64xf32, #tpu.memory_space<vmem>>, vector<16xf32>,
        tpu.vector_store %arg10[%parallel_loop3A_268, %parallel_loop3A_269], %parallel_loop3A_267 {strides = array<i32>} : memref<128x64xf32, #tpu.memory_space<vmem>>, vector<16xf32>,
        %parallel_loop3A_271 = arith.constant 32 : i32
        %parallel_loop3A_272 = arith.addi %parallel_loop3A_250, %parallel_loop3A_271 : i32
        %parallel_loop3A_273 = arith.constant 0 : i32
        %parallel_loop3A_274 = arith.index_cast %parallel_loop3A_248 : i32 to index
        %parallel_loop3A_275 = arith.index_cast %parallel_loop3A_273 : i32 to index
        %parallel_loop3A_276 = arith.index_cast %parallel_loop3A_272 : i32 to index
        %parallel_loop3A_277 = tpu.vector_load %arg8[%parallel_loop3A_274, %parallel_loop3A_275, %parallel_loop3A_276] {strides = array<i32>} : memref<128x1x128xf32, #tpu.memory_space<vmem>>, vector<16xf32>,
        %parallel_loop3A_278 = arith.index_cast %parallel_loop3A_248 : i32 to index
        %parallel_loop3A_279 = arith.constant 32 : index
        %parallel_loop3A_280 = tpu.vector_load %arg10[%parallel_loop3A_278, %parallel_loop3A_279] {strides = array<i32>} : memref<128x64xf32, #tpu.memory_space<vmem>>, vector<16xf32>,
        tpu.vector_store %arg10[%parallel_loop3A_278, %parallel_loop3A_279], %parallel_loop3A_277 {strides = array<i32>} : memref<128x64xf32, #tpu.memory_space<vmem>>, vector<16xf32>,
        %parallel_loop3A_281 = arith.constant 48 : i32
        %parallel_loop3A_282 = arith.addi %parallel_loop3A_250, %parallel_loop3A_281 : i32
        %parallel_loop3A_283 = arith.constant 0 : i32
        %parallel_loop3A_284 = arith.index_cast %parallel_loop3A_248 : i32 to index
        %parallel_loop3A_285 = arith.index_cast %parallel_loop3A_283 : i32 to index
        %parallel_loop3A_286 = arith.index_cast %parallel_loop3A_282 : i32 to index
        %parallel_loop3A_287 = tpu.vector_load %arg8[%parallel_loop3A_284, %parallel_loop3A_285, %parallel_loop3A_286] {strides = array<i32>} : memref<128x1x128xf32, #tpu.memory_space<vmem>>, vector<16xf32>,
        %parallel_loop3A_288 = arith.index_cast %parallel_loop3A_248 : i32 to index
        %parallel_loop3A_289 = arith.constant 48 : index
        %parallel_loop3A_290 = tpu.vector_load %arg10[%parallel_loop3A_288, %parallel_loop3A_289] {strides = array<i32>} : memref<128x64xf32, #tpu.memory_space<vmem>>, vector<16xf32>,
        tpu.vector_store %arg10[%parallel_loop3A_288, %parallel_loop3A_289], %parallel_loop3A_287 {strides = array<i32>} : memref<128x64xf32, #tpu.memory_space<vmem>>, vector<16xf32>,
        %parallel_loop3A_291 = arith.constant 16 : i32
        %parallel_loop3A_292 = arith.muli %parallel_loop3A_141, %parallel_loop3A_291 : i32
        %parallel_loop3A_293 = arith.constant 3 : i32
        %parallel_loop3A_294 = arith.addi %parallel_loop3A_292, %parallel_loop3A_293 : i32
        %parallel_loop3A_295 = vector.extract_strided_slice %parallel_loop3A_152 {offsets = [3], sizes = [1], strides = [1]} : vector<16xi32> to vector<1xi32>
        %parallel_loop3A_296 = vector.extract %parallel_loop3A_295[0] : i32 from vector<1xi32>
        %parallel_loop3A_297 = arith.constant 0 : i32
        %parallel_loop3A_298 = arith.addi %parallel_loop3A_296, %parallel_loop3A_297 : i32
        %parallel_loop3A_299 = arith.constant 0 : i32
        %parallel_loop3A_300 = arith.index_cast %parallel_loop3A_294 : i32 to index
        %parallel_loop3A_301 = arith.index_cast %parallel_loop3A_299 : i32 to index
        %parallel_loop3A_302 = arith.index_cast %parallel_loop3A_298 : i32 to index
        %parallel_loop3A_303 = tpu.vector_load %arg8[%parallel_loop3A_300, %parallel_loop3A_301, %parallel_loop3A_302] {strides = array<i32>} : memref<128x1x128xf32, #tpu.memory_space<vmem>>, vector<16xf32>,
        %parallel_loop3A_304 = arith.index_cast %parallel_loop3A_294 : i32 to index
        %parallel_loop3A_305 = arith.constant 0 : index
        %parallel_loop3A_306 = tpu.vector_load %arg10[%parallel_loop3A_304, %parallel_loop3A_305] {strides = array<i32>} : memref<128x64xf32, #tpu.memory_space<vmem>>, vector<16xf32>,
        tpu.vector_store %arg10[%parallel_loop3A_304, %parallel_loop3A_305], %parallel_loop3A_303 {strides = array<i32>} : memref<128x64xf32, #tpu.memory_space<vmem>>, vector<16xf32>,
        %parallel_loop3A_307 = arith.constant 16 : i32
        %parallel_loop3A_308 = arith.addi %parallel_loop3A_296, %parallel_loop3A_307 : i32
        %parallel_loop3A_309 = arith.constant 0 : i32
        %parallel_loop3A_310 = arith.index_cast %parallel_loop3A_294 : i32 to index
        %parallel_loop3A_311 = arith.index_cast %parallel_loop3A_309 : i32 to index
        %parallel_loop3A_312 = arith.index_cast %parallel_loop3A_308 : i32 to index
        %parallel_loop3A_313 = tpu.vector_load %arg8[%parallel_loop3A_310, %parallel_loop3A_311, %parallel_loop3A_312] {strides = array<i32>} : memref<128x1x128xf32, #tpu.memory_space<vmem>>, vector<16xf32>,
        %parallel_loop3A_314 = arith.index_cast %parallel_loop3A_294 : i32 to index
        %parallel_loop3A_315 = arith.constant 16 : index
        %parallel_loop3A_316 = tpu.vector_load %arg10[%parallel_loop3A_314, %parallel_loop3A_315] {strides = array<i32>} : memref<128x64xf32, #tpu.memory_space<vmem>>, vector<16xf32>,
        tpu.vector_store %arg10[%parallel_loop3A_314, %parallel_loop3A_315], %parallel_loop3A_313 {strides = array<i32>} : memref<128x64xf32, #tpu.memory_space<vmem>>, vector<16xf32>,
        %parallel_loop3A_317 = arith.constant 32 : i32
        %parallel_loop3A_318 = arith.addi %parallel_loop3A_296, %parallel_loop3A_317 : i32
        %parallel_loop3A_319 = arith.constant 0 : i32
        %parallel_loop3A_320 = arith.index_cast %parallel_loop3A_294 : i32 to index
        %parallel_loop3A_321 = arith.index_cast %parallel_loop3A_319 : i32 to index
        %parallel_loop3A_322 = arith.index_cast %parallel_loop3A_318 : i32 to index
        %parallel_loop3A_323 = tpu.vector_load %arg8[%parallel_loop3A_320, %parallel_loop3A_321, %parallel_loop3A_322] {strides = array<i32>} : memref<128x1x128xf32, #tpu.memory_space<vmem>>, vector<16xf32>,
        %parallel_loop3A_324 = arith.index_cast %parallel_loop3A_294 : i32 to index
        %parallel_loop3A_325 = arith.constant 32 : index
        %parallel_loop3A_326 = tpu.vector_load %arg10[%parallel_loop3A_324, %parallel_loop3A_325] {strides = array<i32>} : memref<128x64xf32, #tpu.memory_space<vmem>>, vector<16xf32>,
        tpu.vector_store %arg10[%parallel_loop3A_324, %parallel_loop3A_325], %parallel_loop3A_323 {strides = array<i32>} : memref<128x64xf32, #tpu.memory_space<vmem>>, vector<16xf32>,
        %parallel_loop3A_327 = arith.constant 48 : i32
        %parallel_loop3A_328 = arith.addi %parallel_loop3A_296, %parallel_loop3A_327 : i32
        %parallel_loop3A_329 = arith.constant 0 : i32
        %parallel_loop3A_330 = arith.index_cast %parallel_loop3A_294 : i32 to index
        %parallel_loop3A_331 = arith.index_cast %parallel_loop3A_329 : i32 to index
        %parallel_loop3A_332 = arith.index_cast %parallel_loop3A_328 : i32 to index
        %parallel_loop3A_333 = tpu.vector_load %arg8[%parallel_loop3A_330, %parallel_loop3A_331, %parallel_loop3A_332] {strides = array<i32>} : memref<128x1x128xf32, #tpu.memory_space<vmem>>, vector<16xf32>,
        %parallel_loop3A_334 = arith.index_cast %parallel_loop3A_294 : i32 to index
        %parallel_loop3A_335 = arith.constant 48 : index
        %parallel_loop3A_336 = tpu.vector_load %arg10[%parallel_loop3A_334, %parallel_loop3A_335] {strides = array<i32>} : memref<128x64xf32, #tpu.memory_space<vmem>>, vector<16xf32>,
        tpu.vector_store %arg10[%parallel_loop3A_334, %parallel_loop3A_335], %parallel_loop3A_333 {strides = array<i32>} : memref<128x64xf32, #tpu.memory_space<vmem>>, vector<16xf32>,
        %parallel_loop3A_337 = arith.constant 16 : i32
        %parallel_loop3A_338 = arith.muli %parallel_loop3A_141, %parallel_loop3A_337 : i32
        %parallel_loop3A_339 = arith.constant 4 : i32
        %parallel_loop3A_340 = arith.addi %parallel_loop3A_338, %parallel_loop3A_339 : i32
        %parallel_loop3A_341 = vector.extract_strided_slice %parallel_loop3A_152 {offsets = [4], sizes = [1], strides = [1]} : vector<16xi32> to vector<1xi32>
        %parallel_loop3A_342 = vector.extract %parallel_loop3A_341[0] : i32 from vector<1xi32>
        %parallel_loop3A_343 = arith.constant 0 : i32
        %parallel_loop3A_344 = arith.addi %parallel_loop3A_342, %parallel_loop3A_343 : i32
        %parallel_loop3A_345 = arith.constant 0 : i32
        %parallel_loop3A_346 = arith.index_cast %parallel_loop3A_340 : i32 to index
        %parallel_loop3A_347 = arith.index_cast %parallel_loop3A_345 : i32 to index
        %parallel_loop3A_348 = arith.index_cast %parallel_loop3A_344 : i32 to index
        %parallel_loop3A_349 = tpu.vector_load %arg8[%parallel_loop3A_346, %parallel_loop3A_347, %parallel_loop3A_348] {strides = array<i32>} : memref<128x1x128xf32, #tpu.memory_space<vmem>>, vector<16xf32>,
        %parallel_loop3A_350 = arith.index_cast %parallel_loop3A_340 : i32 to index
        %parallel_loop3A_351 = arith.constant 0 : index
        %parallel_loop3A_352 = tpu.vector_load %arg10[%parallel_loop3A_350, %parallel_loop3A_351] {strides = array<i32>} : memref<128x64xf32, #tpu.memory_space<vmem>>, vector<16xf32>,
        tpu.vector_store %arg10[%parallel_loop3A_350, %parallel_loop3A_351], %parallel_loop3A_349 {strides = array<i32>} : memref<128x64xf32, #tpu.memory_space<vmem>>, vector<16xf32>,
        %parallel_loop3A_353 = arith.constant 16 : i32
        %parallel_loop3A_354 = arith.addi %parallel_loop3A_342, %parallel_loop3A_353 : i32
        %parallel_loop3A_355 = arith.constant 0 : i32
        %parallel_loop3A_356 = arith.index_cast %parallel_loop3A_340 : i32 to index
        %parallel_loop3A_357 = arith.index_cast %parallel_loop3A_355 : i32 to index
        %parallel_loop3A_358 = arith.index_cast %parallel_loop3A_354 : i32 to index
        %parallel_loop3A_359 = tpu.vector_load %arg8[%parallel_loop3A_356, %parallel_loop3A_357, %parallel_loop3A_358] {strides = array<i32>} : memref<128x1x128xf32, #tpu.memory_space<vmem>>, vector<16xf32>,
        %parallel_loop3A_360 = arith.index_cast %parallel_loop3A_340 : i32 to index
        %parallel_loop3A_361 = arith.constant 16 : index
        %parallel_loop3A_362 = tpu.vector_load %arg10[%parallel_loop3A_360, %parallel_loop3A_361] {strides = array<i32>} : memref<128x64xf32, #tpu.memory_space<vmem>>, vector<16xf32>,
        tpu.vector_store %arg10[%parallel_loop3A_360, %parallel_loop3A_361], %parallel_loop3A_359 {strides = array<i32>} : memref<128x64xf32, #tpu.memory_space<vmem>>, vector<16xf32>,
        %parallel_loop3A_363 = arith.constant 32 : i32
        %parallel_loop3A_364 = arith.addi %parallel_loop3A_342, %parallel_loop3A_363 : i32
        %parallel_loop3A_365 = arith.constant 0 : i32
        %parallel_loop3A_366 = arith.index_cast %parallel_loop3A_340 : i32 to index
        %parallel_loop3A_367 = arith.index_cast %parallel_loop3A_365 : i32 to index
        %parallel_loop3A_368 = arith.index_cast %parallel_loop3A_364 : i32 to index
        %parallel_loop3A_369 = tpu.vector_load %arg8[%parallel_loop3A_366, %parallel_loop3A_367, %parallel_loop3A_368] {strides = array<i32>} : memref<128x1x128xf32, #tpu.memory_space<vmem>>, vector<16xf32>,
        %parallel_loop3A_370 = arith.index_cast %parallel_loop3A_340 : i32 to index
        %parallel_loop3A_371 = arith.constant 32 : index
        %parallel_loop3A_372 = tpu.vector_load %arg10[%parallel_loop3A_370, %parallel_loop3A_371] {strides = array<i32>} : memref<128x64xf32, #tpu.memory_space<vmem>>, vector<16xf32>,
        tpu.vector_store %arg10[%parallel_loop3A_370, %parallel_loop3A_371], %parallel_loop3A_369 {strides = array<i32>} : memref<128x64xf32, #tpu.memory_space<vmem>>, vector<16xf32>,
        %parallel_loop3A_373 = arith.constant 48 : i32
        %parallel_loop3A_374 = arith.addi %parallel_loop3A_342, %parallel_loop3A_373 : i32
        %parallel_loop3A_375 = arith.constant 0 : i32
        %parallel_loop3A_376 = arith.index_cast %parallel_loop3A_340 : i32 to index
        %parallel_loop3A_377 = arith.index_cast %parallel_loop3A_375 : i32 to index
        %parallel_loop3A_378 = arith.index_cast %parallel_loop3A_374 : i32 to index
        %parallel_loop3A_379 = tpu.vector_load %arg8[%parallel_loop3A_376, %parallel_loop3A_377, %parallel_loop3A_378] {strides = array<i32>} : memref<128x1x128xf32, #tpu.memory_space<vmem>>, vector<16xf32>,
        %parallel_loop3A_380 = arith.index_cast %parallel_loop3A_340 : i32 to index
        %parallel_loop3A_381 = arith.constant 48 : index
        %parallel_loop3A_382 = tpu.vector_load %arg10[%parallel_loop3A_380, %parallel_loop3A_381] {strides = array<i32>} : memref<128x64xf32, #tpu.memory_space<vmem>>, vector<16xf32>,
        tpu.vector_store %arg10[%parallel_loop3A_380, %parallel_loop3A_381], %parallel_loop3A_379 {strides = array<i32>} : memref<128x64xf32, #tpu.memory_space<vmem>>, vector<16xf32>,
        %parallel_loop3A_383 = arith.constant 16 : i32
        %parallel_loop3A_384 = arith.muli %parallel_loop3A_141, %parallel_loop3A_383 : i32
        %parallel_loop3A_385 = arith.constant 5 : i32
        %parallel_loop3A_386 = arith.addi %parallel_loop3A_384, %parallel_loop3A_385 : i32
        %parallel_loop3A_387 = vector.extract_strided_slice %parallel_loop3A_152 {offsets = [5], sizes = [1], strides = [1]} : vector<16xi32> to vector<1xi32>
        %parallel_loop3A_388 = vector.extract %parallel_loop3A_387[0] : i32 from vector<1xi32>
        %parallel_loop3A_389 = arith.constant 0 : i32
        %parallel_loop3A_390 = arith.addi %parallel_loop3A_388, %parallel_loop3A_389 : i32
        %parallel_loop3A_391 = arith.constant 0 : i32
        %parallel_loop3A_392 = arith.index_cast %parallel_loop3A_386 : i32 to index
        %parallel_loop3A_393 = arith.index_cast %parallel_loop3A_391 : i32 to index
        %parallel_loop3A_394 = arith.index_cast %parallel_loop3A_390 : i32 to index
        %parallel_loop3A_395 = tpu.vector_load %arg8[%parallel_loop3A_392, %parallel_loop3A_393, %parallel_loop3A_394] {strides = array<i32>} : memref<128x1x128xf32, #tpu.memory_space<vmem>>, vector<16xf32>,
        %parallel_loop3A_396 = arith.index_cast %parallel_loop3A_386 : i32 to index
        %parallel_loop3A_397 = arith.constant 0 : index
        %parallel_loop3A_398 = tpu.vector_load %arg10[%parallel_loop3A_396, %parallel_loop3A_397] {strides = array<i32>} : memref<128x64xf32, #tpu.memory_space<vmem>>, vector<16xf32>,
        tpu.vector_store %arg10[%parallel_loop3A_396, %parallel_loop3A_397], %parallel_loop3A_395 {strides = array<i32>} : memref<128x64xf32, #tpu.memory_space<vmem>>, vector<16xf32>,
        %parallel_loop3A_399 = arith.constant 16 : i32
        %parallel_loop3A_400 = arith.addi %parallel_loop3A_388, %parallel_loop3A_399 : i32
        %parallel_loop3A_401 = arith.constant 0 : i32
        %parallel_loop3A_402 = arith.index_cast %parallel_loop3A_386 : i32 to index
        %parallel_loop3A_403 = arith.index_cast %parallel_loop3A_401 : i32 to index
        %parallel_loop3A_404 = arith.index_cast %parallel_loop3A_400 : i32 to index
        %parallel_loop3A_405 = tpu.vector_load %arg8[%parallel_loop3A_402, %parallel_loop3A_403, %parallel_loop3A_404] {strides = array<i32>} : memref<128x1x128xf32, #tpu.memory_space<vmem>>, vector<16xf32>,
        %parallel_loop3A_406 = arith.index_cast %parallel_loop3A_386 : i32 to index
        %parallel_loop3A_407 = arith.constant 16 : index
        %parallel_loop3A_408 = tpu.vector_load %arg10[%parallel_loop3A_406, %parallel_loop3A_407] {strides = array<i32>} : memref<128x64xf32, #tpu.memory_space<vmem>>, vector<16xf32>,
        tpu.vector_store %arg10[%parallel_loop3A_406, %parallel_loop3A_407], %parallel_loop3A_405 {strides = array<i32>} : memref<128x64xf32, #tpu.memory_space<vmem>>, vector<16xf32>,
        %parallel_loop3A_409 = arith.constant 32 : i32
        %parallel_loop3A_410 = arith.addi %parallel_loop3A_388, %parallel_loop3A_409 : i32
        %parallel_loop3A_411 = arith.constant 0 : i32
        %parallel_loop3A_412 = arith.index_cast %parallel_loop3A_386 : i32 to index
        %parallel_loop3A_413 = arith.index_cast %parallel_loop3A_411 : i32 to index
        %parallel_loop3A_414 = arith.index_cast %parallel_loop3A_410 : i32 to index
        %parallel_loop3A_415 = tpu.vector_load %arg8[%parallel_loop3A_412, %parallel_loop3A_413, %parallel_loop3A_414] {strides = array<i32>} : memref<128x1x128xf32, #tpu.memory_space<vmem>>, vector<16xf32>,
        %parallel_loop3A_416 = arith.index_cast %parallel_loop3A_386 : i32 to index
        %parallel_loop3A_417 = arith.constant 32 : index
        %parallel_loop3A_418 = tpu.vector_load %arg10[%parallel_loop3A_416, %parallel_loop3A_417] {strides = array<i32>} : memref<128x64xf32, #tpu.memory_space<vmem>>, vector<16xf32>,
        tpu.vector_store %arg10[%parallel_loop3A_416, %parallel_loop3A_417], %parallel_loop3A_415 {strides = array<i32>} : memref<128x64xf32, #tpu.memory_space<vmem>>, vector<16xf32>,
        %parallel_loop3A_419 = arith.constant 48 : i32
        %parallel_loop3A_420 = arith.addi %parallel_loop3A_388, %parallel_loop3A_419 : i32
        %parallel_loop3A_421 = arith.constant 0 : i32
        %parallel_loop3A_422 = arith.index_cast %parallel_loop3A_386 : i32 to index
        %parallel_loop3A_423 = arith.index_cast %parallel_loop3A_421 : i32 to index
        %parallel_loop3A_424 = arith.index_cast %parallel_loop3A_420 : i32 to index
        %parallel_loop3A_425 = tpu.vector_load %arg8[%parallel_loop3A_422, %parallel_loop3A_423, %parallel_loop3A_424] {strides = array<i32>} : memref<128x1x128xf32, #tpu.memory_space<vmem>>, vector<16xf32>,
        %parallel_loop3A_426 = arith.index_cast %parallel_loop3A_386 : i32 to index
        %parallel_loop3A_427 = arith.constant 48 : index
        %parallel_loop3A_428 = tpu.vector_load %arg10[%parallel_loop3A_426, %parallel_loop3A_427] {strides = array<i32>} : memref<128x64xf32, #tpu.memory_space<vmem>>, vector<16xf32>,
        tpu.vector_store %arg10[%parallel_loop3A_426, %parallel_loop3A_427], %parallel_loop3A_425 {strides = array<i32>} : memref<128x64xf32, #tpu.memory_space<vmem>>, vector<16xf32>,
        %parallel_loop3A_429 = arith.constant 16 : i32
        %parallel_loop3A_430 = arith.muli %parallel_loop3A_141, %parallel_loop3A_429 : i32
        %parallel_loop3A_431 = arith.constant 6 : i32
        %parallel_loop3A_432 = arith.addi %parallel_loop3A_430, %parallel_loop3A_431 : i32
        %parallel_loop3A_433 = vector.extract_strided_slice %parallel_loop3A_152 {offsets = [6], sizes = [1], strides = [1]} : vector<16xi32> to vector<1xi32>
        %parallel_loop3A_434 = vector.extract %parallel_loop3A_433[0] : i32 from vector<1xi32>
        %parallel_loop3A_435 = arith.constant 0 : i32
        %parallel_loop3A_436 = arith.addi %parallel_loop3A_434, %parallel_loop3A_435 : i32
        %parallel_loop3A_437 = arith.constant 0 : i32
        %parallel_loop3A_438 = arith.index_cast %parallel_loop3A_432 : i32 to index
        %parallel_loop3A_439 = arith.index_cast %parallel_loop3A_437 : i32 to index
        %parallel_loop3A_440 = arith.index_cast %parallel_loop3A_436 : i32 to index
        %parallel_loop3A_441 = tpu.vector_load %arg8[%parallel_loop3A_438, %parallel_loop3A_439, %parallel_loop3A_440] {strides = array<i32>} : memref<128x1x128xf32, #tpu.memory_space<vmem>>, vector<16xf32>,
        %parallel_loop3A_442 = arith.index_cast %parallel_loop3A_432 : i32 to index
        %parallel_loop3A_443 = arith.constant 0 : index
        %parallel_loop3A_444 = tpu.vector_load %arg10[%parallel_loop3A_442, %parallel_loop3A_443] {strides = array<i32>} : memref<128x64xf32, #tpu.memory_space<vmem>>, vector<16xf32>,
        tpu.vector_store %arg10[%parallel_loop3A_442, %parallel_loop3A_443], %parallel_loop3A_441 {strides = array<i32>} : memref<128x64xf32, #tpu.memory_space<vmem>>, vector<16xf32>,
        %parallel_loop3A_445 = arith.constant 16 : i32
        %parallel_loop3A_446 = arith.addi %parallel_loop3A_434, %parallel_loop3A_445 : i32
        %parallel_loop3A_447 = arith.constant 0 : i32
        %parallel_loop3A_448 = arith.index_cast %parallel_loop3A_432 : i32 to index
        %parallel_loop3A_449 = arith.index_cast %parallel_loop3A_447 : i32 to index
        %parallel_loop3A_450 = arith.index_cast %parallel_loop3A_446 : i32 to index
        %parallel_loop3A_451 = tpu.vector_load %arg8[%parallel_loop3A_448, %parallel_loop3A_449, %parallel_loop3A_450] {strides = array<i32>} : memref<128x1x128xf32, #tpu.memory_space<vmem>>, vector<16xf32>,
        %parallel_loop3A_452 = arith.index_cast %parallel_loop3A_432 : i32 to index
        %parallel_loop3A_453 = arith.constant 16 : index
        %parallel_loop3A_454 = tpu.vector_load %arg10[%parallel_loop3A_452, %parallel_loop3A_453] {strides = array<i32>} : memref<128x64xf32, #tpu.memory_space<vmem>>, vector<16xf32>,
        tpu.vector_store %arg10[%parallel_loop3A_452, %parallel_loop3A_453], %parallel_loop3A_451 {strides = array<i32>} : memref<128x64xf32, #tpu.memory_space<vmem>>, vector<16xf32>,
        %parallel_loop3A_455 = arith.constant 32 : i32
        %parallel_loop3A_456 = arith.addi %parallel_loop3A_434, %parallel_loop3A_455 : i32
        %parallel_loop3A_457 = arith.constant 0 : i32
        %parallel_loop3A_458 = arith.index_cast %parallel_loop3A_432 : i32 to index
        %parallel_loop3A_459 = arith.index_cast %parallel_loop3A_457 : i32 to index
        %parallel_loop3A_460 = arith.index_cast %parallel_loop3A_456 : i32 to index
        %parallel_loop3A_461 = tpu.vector_load %arg8[%parallel_loop3A_458, %parallel_loop3A_459, %parallel_loop3A_460] {strides = array<i32>} : memref<128x1x128xf32, #tpu.memory_space<vmem>>, vector<16xf32>,
        %parallel_loop3A_462 = arith.index_cast %parallel_loop3A_432 : i32 to index
        %parallel_loop3A_463 = arith.constant 32 : index
        %parallel_loop3A_464 = tpu.vector_load %arg10[%parallel_loop3A_462, %parallel_loop3A_463] {strides = array<i32>} : memref<128x64xf32, #tpu.memory_space<vmem>>, vector<16xf32>,
        tpu.vector_store %arg10[%parallel_loop3A_462, %parallel_loop3A_463], %parallel_loop3A_461 {strides = array<i32>} : memref<128x64xf32, #tpu.memory_space<vmem>>, vector<16xf32>,
        %parallel_loop3A_465 = arith.constant 48 : i32
        %parallel_loop3A_466 = arith.addi %parallel_loop3A_434, %parallel_loop3A_465 : i32
        %parallel_loop3A_467 = arith.constant 0 : i32
        %parallel_loop3A_468 = arith.index_cast %parallel_loop3A_432 : i32 to index
        %parallel_loop3A_469 = arith.index_cast %parallel_loop3A_467 : i32 to index
        %parallel_loop3A_470 = arith.index_cast %parallel_loop3A_466 : i32 to index
        %parallel_loop3A_471 = tpu.vector_load %arg8[%parallel_loop3A_468, %parallel_loop3A_469, %parallel_loop3A_470] {strides = array<i32>} : memref<128x1x128xf32, #tpu.memory_space<vmem>>, vector<16xf32>,
        %parallel_loop3A_472 = arith.index_cast %parallel_loop3A_432 : i32 to index
        %parallel_loop3A_473 = arith.constant 48 : index
        %parallel_loop3A_474 = tpu.vector_load %arg10[%parallel_loop3A_472, %parallel_loop3A_473] {strides = array<i32>} : memref<128x64xf32, #tpu.memory_space<vmem>>, vector<16xf32>,
        tpu.vector_store %arg10[%parallel_loop3A_472, %parallel_loop3A_473], %parallel_loop3A_471 {strides = array<i32>} : memref<128x64xf32, #tpu.memory_space<vmem>>, vector<16xf32>,
        %parallel_loop3A_475 = arith.constant 16 : i32
        %parallel_loop3A_476 = arith.muli %parallel_loop3A_141, %parallel_loop3A_475 : i32
        %parallel_loop3A_477 = arith.constant 7 : i32
        %parallel_loop3A_478 = arith.addi %parallel_loop3A_476, %parallel_loop3A_477 : i32
        %parallel_loop3A_479 = vector.extract_strided_slice %parallel_loop3A_152 {offsets = [7], sizes = [1], strides = [1]} : vector<16xi32> to vector<1xi32>
        %parallel_loop3A_480 = vector.extract %parallel_loop3A_479[0] : i32 from vector<1xi32>
        %parallel_loop3A_481 = arith.constant 0 : i32
        %parallel_loop3A_482 = arith.addi %parallel_loop3A_480, %parallel_loop3A_481 : i32
        %parallel_loop3A_483 = arith.constant 0 : i32
        %parallel_loop3A_484 = arith.index_cast %parallel_loop3A_478 : i32 to index
        %parallel_loop3A_485 = arith.index_cast %parallel_loop3A_483 : i32 to index
        %parallel_loop3A_486 = arith.index_cast %parallel_loop3A_482 : i32 to index
        %parallel_loop3A_487 = tpu.vector_load %arg8[%parallel_loop3A_484, %parallel_loop3A_485, %parallel_loop3A_486] {strides = array<i32>} : memref<128x1x128xf32, #tpu.memory_space<vmem>>, vector<16xf32>,
        %parallel_loop3A_488 = arith.index_cast %parallel_loop3A_478 : i32 to index
        %parallel_loop3A_489 = arith.constant 0 : index
        %parallel_loop3A_490 = tpu.vector_load %arg10[%parallel_loop3A_488, %parallel_loop3A_489] {strides = array<i32>} : memref<128x64xf32, #tpu.memory_space<vmem>>, vector<16xf32>,
        tpu.vector_store %arg10[%parallel_loop3A_488, %parallel_loop3A_489], %parallel_loop3A_487 {strides = array<i32>} : memref<128x64xf32, #tpu.memory_space<vmem>>, vector<16xf32>,
        %parallel_loop3A_491 = arith.constant 16 : i32
        %parallel_loop3A_492 = arith.addi %parallel_loop3A_480, %parallel_loop3A_491 : i32
        %parallel_loop3A_493 = arith.constant 0 : i32
        %parallel_loop3A_494 = arith.index_cast %parallel_loop3A_478 : i32 to index
        %parallel_loop3A_495 = arith.index_cast %parallel_loop3A_493 : i32 to index
        %parallel_loop3A_496 = arith.index_cast %parallel_loop3A_492 : i32 to index
        %parallel_loop3A_497 = tpu.vector_load %arg8[%parallel_loop3A_494, %parallel_loop3A_495, %parallel_loop3A_496] {strides = array<i32>} : memref<128x1x128xf32, #tpu.memory_space<vmem>>, vector<16xf32>,
        %parallel_loop3A_498 = arith.index_cast %parallel_loop3A_478 : i32 to index
        %parallel_loop3A_499 = arith.constant 16 : index
        %parallel_loop3A_500 = tpu.vector_load %arg10[%parallel_loop3A_498, %parallel_loop3A_499] {strides = array<i32>} : memref<128x64xf32, #tpu.memory_space<vmem>>, vector<16xf32>,
        tpu.vector_store %arg10[%parallel_loop3A_498, %parallel_loop3A_499], %parallel_loop3A_497 {strides = array<i32>} : memref<128x64xf32, #tpu.memory_space<vmem>>, vector<16xf32>,
        %parallel_loop3A_501 = arith.constant 32 : i32
        %parallel_loop3A_502 = arith.addi %parallel_loop3A_480, %parallel_loop3A_501 : i32
        %parallel_loop3A_503 = arith.constant 0 : i32
        %parallel_loop3A_504 = arith.index_cast %parallel_loop3A_478 : i32 to index
        %parallel_loop3A_505 = arith.index_cast %parallel_loop3A_503 : i32 to index
        %parallel_loop3A_506 = arith.index_cast %parallel_loop3A_502 : i32 to index
        %parallel_loop3A_507 = tpu.vector_load %arg8[%parallel_loop3A_504, %parallel_loop3A_505, %parallel_loop3A_506] {strides = array<i32>} : memref<128x1x128xf32, #tpu.memory_space<vmem>>, vector<16xf32>,
        %parallel_loop3A_508 = arith.index_cast %parallel_loop3A_478 : i32 to index
        %parallel_loop3A_509 = arith.constant 32 : index
        %parallel_loop3A_510 = tpu.vector_load %arg10[%parallel_loop3A_508, %parallel_loop3A_509] {strides = array<i32>} : memref<128x64xf32, #tpu.memory_space<vmem>>, vector<16xf32>,
        tpu.vector_store %arg10[%parallel_loop3A_508, %parallel_loop3A_509], %parallel_loop3A_507 {strides = array<i32>} : memref<128x64xf32, #tpu.memory_space<vmem>>, vector<16xf32>,
        %parallel_loop3A_511 = arith.constant 48 : i32
        %parallel_loop3A_512 = arith.addi %parallel_loop3A_480, %parallel_loop3A_511 : i32
        %parallel_loop3A_513 = arith.constant 0 : i32
        %parallel_loop3A_514 = arith.index_cast %parallel_loop3A_478 : i32 to index
        %parallel_loop3A_515 = arith.index_cast %parallel_loop3A_513 : i32 to index
        %parallel_loop3A_516 = arith.index_cast %parallel_loop3A_512 : i32 to index
        %parallel_loop3A_517 = tpu.vector_load %arg8[%parallel_loop3A_514, %parallel_loop3A_515, %parallel_loop3A_516] {strides = array<i32>} : memref<128x1x128xf32, #tpu.memory_space<vmem>>, vector<16xf32>,
        %parallel_loop3A_518 = arith.index_cast %parallel_loop3A_478 : i32 to index
        %parallel_loop3A_519 = arith.constant 48 : index
        %parallel_loop3A_520 = tpu.vector_load %arg10[%parallel_loop3A_518, %parallel_loop3A_519] {strides = array<i32>} : memref<128x64xf32, #tpu.memory_space<vmem>>, vector<16xf32>,
        tpu.vector_store %arg10[%parallel_loop3A_518, %parallel_loop3A_519], %parallel_loop3A_517 {strides = array<i32>} : memref<128x64xf32, #tpu.memory_space<vmem>>, vector<16xf32>,
        %parallel_loop3A_521 = arith.constant 16 : i32
        %parallel_loop3A_522 = arith.muli %parallel_loop3A_141, %parallel_loop3A_521 : i32
        %parallel_loop3A_523 = arith.constant 8 : i32
        %parallel_loop3A_524 = arith.addi %parallel_loop3A_522, %parallel_loop3A_523 : i32
        %parallel_loop3A_525 = vector.extract_strided_slice %parallel_loop3A_152 {offsets = [8], sizes = [1], strides = [1]} : vector<16xi32> to vector<1xi32>
        %parallel_loop3A_526 = vector.extract %parallel_loop3A_525[0] : i32 from vector<1xi32>
        %parallel_loop3A_527 = arith.constant 0 : i32
        %parallel_loop3A_528 = arith.addi %parallel_loop3A_526, %parallel_loop3A_527 : i32
        %parallel_loop3A_529 = arith.constant 0 : i32
        %parallel_loop3A_530 = arith.index_cast %parallel_loop3A_524 : i32 to index
        %parallel_loop3A_531 = arith.index_cast %parallel_loop3A_529 : i32 to index
        %parallel_loop3A_532 = arith.index_cast %parallel_loop3A_528 : i32 to index
        %parallel_loop3A_533 = tpu.vector_load %arg8[%parallel_loop3A_530, %parallel_loop3A_531, %parallel_loop3A_532] {strides = array<i32>} : memref<128x1x128xf32, #tpu.memory_space<vmem>>, vector<16xf32>,
        %parallel_loop3A_534 = arith.index_cast %parallel_loop3A_524 : i32 to index
        %parallel_loop3A_535 = arith.constant 0 : index
        %parallel_loop3A_536 = tpu.vector_load %arg10[%parallel_loop3A_534, %parallel_loop3A_535] {strides = array<i32>} : memref<128x64xf32, #tpu.memory_space<vmem>>, vector<16xf32>,
        tpu.vector_store %arg10[%parallel_loop3A_534, %parallel_loop3A_535], %parallel_loop3A_533 {strides = array<i32>} : memref<128x64xf32, #tpu.memory_space<vmem>>, vector<16xf32>,
        %parallel_loop3A_537 = arith.constant 16 : i32
        %parallel_loop3A_538 = arith.addi %parallel_loop3A_526, %parallel_loop3A_537 : i32
        %parallel_loop3A_539 = arith.constant 0 : i32
        %parallel_loop3A_540 = arith.index_cast %parallel_loop3A_524 : i32 to index
        %parallel_loop3A_541 = arith.index_cast %parallel_loop3A_539 : i32 to index
        %parallel_loop3A_542 = arith.index_cast %parallel_loop3A_538 : i32 to index
        %parallel_loop3A_543 = tpu.vector_load %arg8[%parallel_loop3A_540, %parallel_loop3A_541, %parallel_loop3A_542] {strides = array<i32>} : memref<128x1x128xf32, #tpu.memory_space<vmem>>, vector<16xf32>,
        %parallel_loop3A_544 = arith.index_cast %parallel_loop3A_524 : i32 to index
        %parallel_loop3A_545 = arith.constant 16 : index
        %parallel_loop3A_546 = tpu.vector_load %arg10[%parallel_loop3A_544, %parallel_loop3A_545] {strides = array<i32>} : memref<128x64xf32, #tpu.memory_space<vmem>>, vector<16xf32>,
        tpu.vector_store %arg10[%parallel_loop3A_544, %parallel_loop3A_545], %parallel_loop3A_543 {strides = array<i32>} : memref<128x64xf32, #tpu.memory_space<vmem>>, vector<16xf32>,
        %parallel_loop3A_547 = arith.constant 32 : i32
        %parallel_loop3A_548 = arith.addi %parallel_loop3A_526, %parallel_loop3A_547 : i32
        %parallel_loop3A_549 = arith.constant 0 : i32
        %parallel_loop3A_550 = arith.index_cast %parallel_loop3A_524 : i32 to index
        %parallel_loop3A_551 = arith.index_cast %parallel_loop3A_549 : i32 to index
        %parallel_loop3A_552 = arith.index_cast %parallel_loop3A_548 : i32 to index
        %parallel_loop3A_553 = tpu.vector_load %arg8[%parallel_loop3A_550, %parallel_loop3A_551, %parallel_loop3A_552] {strides = array<i32>} : memref<128x1x128xf32, #tpu.memory_space<vmem>>, vector<16xf32>,
        %parallel_loop3A_554 = arith.index_cast %parallel_loop3A_524 : i32 to index
        %parallel_loop3A_555 = arith.constant 32 : index
        %parallel_loop3A_556 = tpu.vector_load %arg10[%parallel_loop3A_554, %parallel_loop3A_555] {strides = array<i32>} : memref<128x64xf32, #tpu.memory_space<vmem>>, vector<16xf32>,
        tpu.vector_store %arg10[%parallel_loop3A_554, %parallel_loop3A_555], %parallel_loop3A_553 {strides = array<i32>} : memref<128x64xf32, #tpu.memory_space<vmem>>, vector<16xf32>,
        %parallel_loop3A_557 = arith.constant 48 : i32
        %parallel_loop3A_558 = arith.addi %parallel_loop3A_526, %parallel_loop3A_557 : i32
        %parallel_loop3A_559 = arith.constant 0 : i32
        %parallel_loop3A_560 = arith.index_cast %parallel_loop3A_524 : i32 to index
        %parallel_loop3A_561 = arith.index_cast %parallel_loop3A_559 : i32 to index
        %parallel_loop3A_562 = arith.index_cast %parallel_loop3A_558 : i32 to index
        %parallel_loop3A_563 = tpu.vector_load %arg8[%parallel_loop3A_560, %parallel_loop3A_561, %parallel_loop3A_562] {strides = array<i32>} : memref<128x1x128xf32, #tpu.memory_space<vmem>>, vector<16xf32>,
        %parallel_loop3A_564 = arith.index_cast %parallel_loop3A_524 : i32 to index
        %parallel_loop3A_565 = arith.constant 48 : index
        %parallel_loop3A_566 = tpu.vector_load %arg10[%parallel_loop3A_564, %parallel_loop3A_565] {strides = array<i32>} : memref<128x64xf32, #tpu.memory_space<vmem>>, vector<16xf32>,
        tpu.vector_store %arg10[%parallel_loop3A_564, %parallel_loop3A_565], %parallel_loop3A_563 {strides = array<i32>} : memref<128x64xf32, #tpu.memory_space<vmem>>, vector<16xf32>,
        %parallel_loop3A_567 = arith.constant 16 : i32
        %parallel_loop3A_568 = arith.muli %parallel_loop3A_141, %parallel_loop3A_567 : i32
        %parallel_loop3A_569 = arith.constant 9 : i32
        %parallel_loop3A_570 = arith.addi %parallel_loop3A_568, %parallel_loop3A_569 : i32
        %parallel_loop3A_571 = vector.extract_strided_slice %parallel_loop3A_152 {offsets = [9], sizes = [1], strides = [1]} : vector<16xi32> to vector<1xi32>
        %parallel_loop3A_572 = vector.extract %parallel_loop3A_571[0] : i32 from vector<1xi32>
        %parallel_loop3A_573 = arith.constant 0 : i32
        %parallel_loop3A_574 = arith.addi %parallel_loop3A_572, %parallel_loop3A_573 : i32
        %parallel_loop3A_575 = arith.constant 0 : i32
        %parallel_loop3A_576 = arith.index_cast %parallel_loop3A_570 : i32 to index
        %parallel_loop3A_577 = arith.index_cast %parallel_loop3A_575 : i32 to index
        %parallel_loop3A_578 = arith.index_cast %parallel_loop3A_574 : i32 to index
        %parallel_loop3A_579 = tpu.vector_load %arg8[%parallel_loop3A_576, %parallel_loop3A_577, %parallel_loop3A_578] {strides = array<i32>} : memref<128x1x128xf32, #tpu.memory_space<vmem>>, vector<16xf32>,
        %parallel_loop3A_580 = arith.index_cast %parallel_loop3A_570 : i32 to index
        %parallel_loop3A_581 = arith.constant 0 : index
        %parallel_loop3A_582 = tpu.vector_load %arg10[%parallel_loop3A_580, %parallel_loop3A_581] {strides = array<i32>} : memref<128x64xf32, #tpu.memory_space<vmem>>, vector<16xf32>,
        tpu.vector_store %arg10[%parallel_loop3A_580, %parallel_loop3A_581], %parallel_loop3A_579 {strides = array<i32>} : memref<128x64xf32, #tpu.memory_space<vmem>>, vector<16xf32>,
        %parallel_loop3A_583 = arith.constant 16 : i32
        %parallel_loop3A_584 = arith.addi %parallel_loop3A_572, %parallel_loop3A_583 : i32
        %parallel_loop3A_585 = arith.constant 0 : i32
        %parallel_loop3A_586 = arith.index_cast %parallel_loop3A_570 : i32 to index
        %parallel_loop3A_587 = arith.index_cast %parallel_loop3A_585 : i32 to index
        %parallel_loop3A_588 = arith.index_cast %parallel_loop3A_584 : i32 to index
        %parallel_loop3A_589 = tpu.vector_load %arg8[%parallel_loop3A_586, %parallel_loop3A_587, %parallel_loop3A_588] {strides = array<i32>} : memref<128x1x128xf32, #tpu.memory_space<vmem>>, vector<16xf32>,
        %parallel_loop3A_590 = arith.index_cast %parallel_loop3A_570 : i32 to index
        %parallel_loop3A_591 = arith.constant 16 : index
        %parallel_loop3A_592 = tpu.vector_load %arg10[%parallel_loop3A_590, %parallel_loop3A_591] {strides = array<i32>} : memref<128x64xf32, #tpu.memory_space<vmem>>, vector<16xf32>,
        tpu.vector_store %arg10[%parallel_loop3A_590, %parallel_loop3A_591], %parallel_loop3A_589 {strides = array<i32>} : memref<128x64xf32, #tpu.memory_space<vmem>>, vector<16xf32>,
        %parallel_loop3A_593 = arith.constant 32 : i32
        %parallel_loop3A_594 = arith.addi %parallel_loop3A_572, %parallel_loop3A_593 : i32
        %parallel_loop3A_595 = arith.constant 0 : i32
        %parallel_loop3A_596 = arith.index_cast %parallel_loop3A_570 : i32 to index
        %parallel_loop3A_597 = arith.index_cast %parallel_loop3A_595 : i32 to index
        %parallel_loop3A_598 = arith.index_cast %parallel_loop3A_594 : i32 to index
        %parallel_loop3A_599 = tpu.vector_load %arg8[%parallel_loop3A_596, %parallel_loop3A_597, %parallel_loop3A_598] {strides = array<i32>} : memref<128x1x128xf32, #tpu.memory_space<vmem>>, vector<16xf32>,
        %parallel_loop3A_600 = arith.index_cast %parallel_loop3A_570 : i32 to index
        %parallel_loop3A_601 = arith.constant 32 : index
        %parallel_loop3A_602 = tpu.vector_load %arg10[%parallel_loop3A_600, %parallel_loop3A_601] {strides = array<i32>} : memref<128x64xf32, #tpu.memory_space<vmem>>, vector<16xf32>,
        tpu.vector_store %arg10[%parallel_loop3A_600, %parallel_loop3A_601], %parallel_loop3A_599 {strides = array<i32>} : memref<128x64xf32, #tpu.memory_space<vmem>>, vector<16xf32>,
        %parallel_loop3A_603 = arith.constant 48 : i32
        %parallel_loop3A_604 = arith.addi %parallel_loop3A_572, %parallel_loop3A_603 : i32
        %parallel_loop3A_605 = arith.constant 0 : i32
        %parallel_loop3A_606 = arith.index_cast %parallel_loop3A_570 : i32 to index
        %parallel_loop3A_607 = arith.index_cast %parallel_loop3A_605 : i32 to index
        %parallel_loop3A_608 = arith.index_cast %parallel_loop3A_604 : i32 to index
        %parallel_loop3A_609 = tpu.vector_load %arg8[%parallel_loop3A_606, %parallel_loop3A_607, %parallel_loop3A_608] {strides = array<i32>} : memref<128x1x128xf32, #tpu.memory_space<vmem>>, vector<16xf32>,
        %parallel_loop3A_610 = arith.index_cast %parallel_loop3A_570 : i32 to index
        %parallel_loop3A_611 = arith.constant 48 : index
        %parallel_loop3A_612 = tpu.vector_load %arg10[%parallel_loop3A_610, %parallel_loop3A_611] {strides = array<i32>} : memref<128x64xf32, #tpu.memory_space<vmem>>, vector<16xf32>,
        tpu.vector_store %arg10[%parallel_loop3A_610, %parallel_loop3A_611], %parallel_loop3A_609 {strides = array<i32>} : memref<128x64xf32, #tpu.memory_space<vmem>>, vector<16xf32>,
        %parallel_loop3A_613 = arith.constant 16 : i32
        %parallel_loop3A_614 = arith.muli %parallel_loop3A_141, %parallel_loop3A_613 : i32
        %parallel_loop3A_615 = arith.constant 10 : i32
        %parallel_loop3A_616 = arith.addi %parallel_loop3A_614, %parallel_loop3A_615 : i32
        %parallel_loop3A_617 = vector.extract_strided_slice %parallel_loop3A_152 {offsets = [10], sizes = [1], strides = [1]} : vector<16xi32> to vector<1xi32>
        %parallel_loop3A_618 = vector.extract %parallel_loop3A_617[0] : i32 from vector<1xi32>
        %parallel_loop3A_619 = arith.constant 0 : i32
        %parallel_loop3A_620 = arith.addi %parallel_loop3A_618, %parallel_loop3A_619 : i32
        %parallel_loop3A_621 = arith.constant 0 : i32
        %parallel_loop3A_622 = arith.index_cast %parallel_loop3A_616 : i32 to index
        %parallel_loop3A_623 = arith.index_cast %parallel_loop3A_621 : i32 to index
        %parallel_loop3A_624 = arith.index_cast %parallel_loop3A_620 : i32 to index
        %parallel_loop3A_625 = tpu.vector_load %arg8[%parallel_loop3A_622, %parallel_loop3A_623, %parallel_loop3A_624] {strides = array<i32>} : memref<128x1x128xf32, #tpu.memory_space<vmem>>, vector<16xf32>,
        %parallel_loop3A_626 = arith.index_cast %parallel_loop3A_616 : i32 to index
        %parallel_loop3A_627 = arith.constant 0 : index
        %parallel_loop3A_628 = tpu.vector_load %arg10[%parallel_loop3A_626, %parallel_loop3A_627] {strides = array<i32>} : memref<128x64xf32, #tpu.memory_space<vmem>>, vector<16xf32>,
        tpu.vector_store %arg10[%parallel_loop3A_626, %parallel_loop3A_627], %parallel_loop3A_625 {strides = array<i32>} : memref<128x64xf32, #tpu.memory_space<vmem>>, vector<16xf32>,
        %parallel_loop3A_629 = arith.constant 16 : i32
        %parallel_loop3A_630 = arith.addi %parallel_loop3A_618, %parallel_loop3A_629 : i32
        %parallel_loop3A_631 = arith.constant 0 : i32
        %parallel_loop3A_632 = arith.index_cast %parallel_loop3A_616 : i32 to index
        %parallel_loop3A_633 = arith.index_cast %parallel_loop3A_631 : i32 to index
        %parallel_loop3A_634 = arith.index_cast %parallel_loop3A_630 : i32 to index
        %parallel_loop3A_635 = tpu.vector_load %arg8[%parallel_loop3A_632, %parallel_loop3A_633, %parallel_loop3A_634] {strides = array<i32>} : memref<128x1x128xf32, #tpu.memory_space<vmem>>, vector<16xf32>,
        %parallel_loop3A_636 = arith.index_cast %parallel_loop3A_616 : i32 to index
        %parallel_loop3A_637 = arith.constant 16 : index
        %parallel_loop3A_638 = tpu.vector_load %arg10[%parallel_loop3A_636, %parallel_loop3A_637] {strides = array<i32>} : memref<128x64xf32, #tpu.memory_space<vmem>>, vector<16xf32>,
        tpu.vector_store %arg10[%parallel_loop3A_636, %parallel_loop3A_637], %parallel_loop3A_635 {strides = array<i32>} : memref<128x64xf32, #tpu.memory_space<vmem>>, vector<16xf32>,
        %parallel_loop3A_639 = arith.constant 32 : i32
        %parallel_loop3A_640 = arith.addi %parallel_loop3A_618, %parallel_loop3A_639 : i32
        %parallel_loop3A_641 = arith.constant 0 : i32
        %parallel_loop3A_642 = arith.index_cast %parallel_loop3A_616 : i32 to index
        %parallel_loop3A_643 = arith.index_cast %parallel_loop3A_641 : i32 to index
        %parallel_loop3A_644 = arith.index_cast %parallel_loop3A_640 : i32 to index
        %parallel_loop3A_645 = tpu.vector_load %arg8[%parallel_loop3A_642, %parallel_loop3A_643, %parallel_loop3A_644] {strides = array<i32>} : memref<128x1x128xf32, #tpu.memory_space<vmem>>, vector<16xf32>,
        %parallel_loop3A_646 = arith.index_cast %parallel_loop3A_616 : i32 to index
        %parallel_loop3A_647 = arith.constant 32 : index
        %parallel_loop3A_648 = tpu.vector_load %arg10[%parallel_loop3A_646, %parallel_loop3A_647] {strides = array<i32>} : memref<128x64xf32, #tpu.memory_space<vmem>>, vector<16xf32>,
        tpu.vector_store %arg10[%parallel_loop3A_646, %parallel_loop3A_647], %parallel_loop3A_645 {strides = array<i32>} : memref<128x64xf32, #tpu.memory_space<vmem>>, vector<16xf32>,
        %parallel_loop3A_649 = arith.constant 48 : i32
        %parallel_loop3A_650 = arith.addi %parallel_loop3A_618, %parallel_loop3A_649 : i32
        %parallel_loop3A_651 = arith.constant 0 : i32
        %parallel_loop3A_652 = arith.index_cast %parallel_loop3A_616 : i32 to index
        %parallel_loop3A_653 = arith.index_cast %parallel_loop3A_651 : i32 to index
        %parallel_loop3A_654 = arith.index_cast %parallel_loop3A_650 : i32 to index
        %parallel_loop3A_655 = tpu.vector_load %arg8[%parallel_loop3A_652, %parallel_loop3A_653, %parallel_loop3A_654] {strides = array<i32>} : memref<128x1x128xf32, #tpu.memory_space<vmem>>, vector<16xf32>,
        %parallel_loop3A_656 = arith.index_cast %parallel_loop3A_616 : i32 to index
        %parallel_loop3A_657 = arith.constant 48 : index
        %parallel_loop3A_658 = tpu.vector_load %arg10[%parallel_loop3A_656, %parallel_loop3A_657] {strides = array<i32>} : memref<128x64xf32, #tpu.memory_space<vmem>>, vector<16xf32>,
        tpu.vector_store %arg10[%parallel_loop3A_656, %parallel_loop3A_657], %parallel_loop3A_655 {strides = array<i32>} : memref<128x64xf32, #tpu.memory_space<vmem>>, vector<16xf32>,
        %parallel_loop3A_659 = arith.constant 16 : i32
        %parallel_loop3A_660 = arith.muli %parallel_loop3A_141, %parallel_loop3A_659 : i32
        %parallel_loop3A_661 = arith.constant 11 : i32
        %parallel_loop3A_662 = arith.addi %parallel_loop3A_660, %parallel_loop3A_661 : i32
        %parallel_loop3A_663 = vector.extract_strided_slice %parallel_loop3A_152 {offsets = [11], sizes = [1], strides = [1]} : vector<16xi32> to vector<1xi32>
        %parallel_loop3A_664 = vector.extract %parallel_loop3A_663[0] : i32 from vector<1xi32>
        %parallel_loop3A_665 = arith.constant 0 : i32
        %parallel_loop3A_666 = arith.addi %parallel_loop3A_664, %parallel_loop3A_665 : i32
        %parallel_loop3A_667 = arith.constant 0 : i32
        %parallel_loop3A_668 = arith.index_cast %parallel_loop3A_662 : i32 to index
        %parallel_loop3A_669 = arith.index_cast %parallel_loop3A_667 : i32 to index
        %parallel_loop3A_670 = arith.index_cast %parallel_loop3A_666 : i32 to index
        %parallel_loop3A_671 = tpu.vector_load %arg8[%parallel_loop3A_668, %parallel_loop3A_669, %parallel_loop3A_670] {strides = array<i32>} : memref<128x1x128xf32, #tpu.memory_space<vmem>>, vector<16xf32>,
        %parallel_loop3A_672 = arith.index_cast %parallel_loop3A_662 : i32 to index
        %parallel_loop3A_673 = arith.constant 0 : index
        %parallel_loop3A_674 = tpu.vector_load %arg10[%parallel_loop3A_672, %parallel_loop3A_673] {strides = array<i32>} : memref<128x64xf32, #tpu.memory_space<vmem>>, vector<16xf32>,
        tpu.vector_store %arg10[%parallel_loop3A_672, %parallel_loop3A_673], %parallel_loop3A_671 {strides = array<i32>} : memref<128x64xf32, #tpu.memory_space<vmem>>, vector<16xf32>,
        %parallel_loop3A_675 = arith.constant 16 : i32
        %parallel_loop3A_676 = arith.addi %parallel_loop3A_664, %parallel_loop3A_675 : i32
        %parallel_loop3A_677 = arith.constant 0 : i32
        %parallel_loop3A_678 = arith.index_cast %parallel_loop3A_662 : i32 to index
        %parallel_loop3A_679 = arith.index_cast %parallel_loop3A_677 : i32 to index
        %parallel_loop3A_680 = arith.index_cast %parallel_loop3A_676 : i32 to index
        %parallel_loop3A_681 = tpu.vector_load %arg8[%parallel_loop3A_678, %parallel_loop3A_679, %parallel_loop3A_680] {strides = array<i32>} : memref<128x1x128xf32, #tpu.memory_space<vmem>>, vector<16xf32>,
        %parallel_loop3A_682 = arith.index_cast %parallel_loop3A_662 : i32 to index
        %parallel_loop3A_683 = arith.constant 16 : index
        %parallel_loop3A_684 = tpu.vector_load %arg10[%parallel_loop3A_682, %parallel_loop3A_683] {strides = array<i32>} : memref<128x64xf32, #tpu.memory_space<vmem>>, vector<16xf32>,
        tpu.vector_store %arg10[%parallel_loop3A_682, %parallel_loop3A_683], %parallel_loop3A_681 {strides = array<i32>} : memref<128x64xf32, #tpu.memory_space<vmem>>, vector<16xf32>,
        %parallel_loop3A_685 = arith.constant 32 : i32
        %parallel_loop3A_686 = arith.addi %parallel_loop3A_664, %parallel_loop3A_685 : i32
        %parallel_loop3A_687 = arith.constant 0 : i32
        %parallel_loop3A_688 = arith.index_cast %parallel_loop3A_662 : i32 to index
        %parallel_loop3A_689 = arith.index_cast %parallel_loop3A_687 : i32 to index
        %parallel_loop3A_690 = arith.index_cast %parallel_loop3A_686 : i32 to index
        %parallel_loop3A_691 = tpu.vector_load %arg8[%parallel_loop3A_688, %parallel_loop3A_689, %parallel_loop3A_690] {strides = array<i32>} : memref<128x1x128xf32, #tpu.memory_space<vmem>>, vector<16xf32>,
        %parallel_loop3A_692 = arith.index_cast %parallel_loop3A_662 : i32 to index
        %parallel_loop3A_693 = arith.constant 32 : index
        %parallel_loop3A_694 = tpu.vector_load %arg10[%parallel_loop3A_692, %parallel_loop3A_693] {strides = array<i32>} : memref<128x64xf32, #tpu.memory_space<vmem>>, vector<16xf32>,
        tpu.vector_store %arg10[%parallel_loop3A_692, %parallel_loop3A_693], %parallel_loop3A_691 {strides = array<i32>} : memref<128x64xf32, #tpu.memory_space<vmem>>, vector<16xf32>,
        %parallel_loop3A_695 = arith.constant 48 : i32
        %parallel_loop3A_696 = arith.addi %parallel_loop3A_664, %parallel_loop3A_695 : i32
        %parallel_loop3A_697 = arith.constant 0 : i32
        %parallel_loop3A_698 = arith.index_cast %parallel_loop3A_662 : i32 to index
        %parallel_loop3A_699 = arith.index_cast %parallel_loop3A_697 : i32 to index
        %parallel_loop3A_700 = arith.index_cast %parallel_loop3A_696 : i32 to index
        %parallel_loop3A_701 = tpu.vector_load %arg8[%parallel_loop3A_698, %parallel_loop3A_699, %parallel_loop3A_700] {strides = array<i32>} : memref<128x1x128xf32, #tpu.memory_space<vmem>>, vector<16xf32>,
        %parallel_loop3A_702 = arith.index_cast %parallel_loop3A_662 : i32 to index
        %parallel_loop3A_703 = arith.constant 48 : index
        %parallel_loop3A_704 = tpu.vector_load %arg10[%parallel_loop3A_702, %parallel_loop3A_703] {strides = array<i32>} : memref<128x64xf32, #tpu.memory_space<vmem>>, vector<16xf32>,
        tpu.vector_store %arg10[%parallel_loop3A_702, %parallel_loop3A_703], %parallel_loop3A_701 {strides = array<i32>} : memref<128x64xf32, #tpu.memory_space<vmem>>, vector<16xf32>,
        %parallel_loop3A_705 = arith.constant 16 : i32
        %parallel_loop3A_706 = arith.muli %parallel_loop3A_141, %parallel_loop3A_705 : i32
        %parallel_loop3A_707 = arith.constant 12 : i32
        %parallel_loop3A_708 = arith.addi %parallel_loop3A_706, %parallel_loop3A_707 : i32
        %parallel_loop3A_709 = vector.extract_strided_slice %parallel_loop3A_152 {offsets = [12], sizes = [1], strides = [1]} : vector<16xi32> to vector<1xi32>
        %parallel_loop3A_710 = vector.extract %parallel_loop3A_709[0] : i32 from vector<1xi32>
        %parallel_loop3A_711 = arith.constant 0 : i32
        %parallel_loop3A_712 = arith.addi %parallel_loop3A_710, %parallel_loop3A_711 : i32
        %parallel_loop3A_713 = arith.constant 0 : i32
        %parallel_loop3A_714 = arith.index_cast %parallel_loop3A_708 : i32 to index
        %parallel_loop3A_715 = arith.index_cast %parallel_loop3A_713 : i32 to index
        %parallel_loop3A_716 = arith.index_cast %parallel_loop3A_712 : i32 to index
        %parallel_loop3A_717 = tpu.vector_load %arg8[%parallel_loop3A_714, %parallel_loop3A_715, %parallel_loop3A_716] {strides = array<i32>} : memref<128x1x128xf32, #tpu.memory_space<vmem>>, vector<16xf32>,
        %parallel_loop3A_718 = arith.index_cast %parallel_loop3A_708 : i32 to index
        %parallel_loop3A_719 = arith.constant 0 : index
        %parallel_loop3A_720 = tpu.vector_load %arg10[%parallel_loop3A_718, %parallel_loop3A_719] {strides = array<i32>} : memref<128x64xf32, #tpu.memory_space<vmem>>, vector<16xf32>,
        tpu.vector_store %arg10[%parallel_loop3A_718, %parallel_loop3A_719], %parallel_loop3A_717 {strides = array<i32>} : memref<128x64xf32, #tpu.memory_space<vmem>>, vector<16xf32>,
        %parallel_loop3A_721 = arith.constant 16 : i32
        %parallel_loop3A_722 = arith.addi %parallel_loop3A_710, %parallel_loop3A_721 : i32
        %parallel_loop3A_723 = arith.constant 0 : i32
        %parallel_loop3A_724 = arith.index_cast %parallel_loop3A_708 : i32 to index
        %parallel_loop3A_725 = arith.index_cast %parallel_loop3A_723 : i32 to index
        %parallel_loop3A_726 = arith.index_cast %parallel_loop3A_722 : i32 to index
        %parallel_loop3A_727 = tpu.vector_load %arg8[%parallel_loop3A_724, %parallel_loop3A_725, %parallel_loop3A_726] {strides = array<i32>} : memref<128x1x128xf32, #tpu.memory_space<vmem>>, vector<16xf32>,
        %parallel_loop3A_728 = arith.index_cast %parallel_loop3A_708 : i32 to index
        %parallel_loop3A_729 = arith.constant 16 : index
        %parallel_loop3A_730 = tpu.vector_load %arg10[%parallel_loop3A_728, %parallel_loop3A_729] {strides = array<i32>} : memref<128x64xf32, #tpu.memory_space<vmem>>, vector<16xf32>,
        tpu.vector_store %arg10[%parallel_loop3A_728, %parallel_loop3A_729], %parallel_loop3A_727 {strides = array<i32>} : memref<128x64xf32, #tpu.memory_space<vmem>>, vector<16xf32>,
        %parallel_loop3A_731 = arith.constant 32 : i32
        %parallel_loop3A_732 = arith.addi %parallel_loop3A_710, %parallel_loop3A_731 : i32
        %parallel_loop3A_733 = arith.constant 0 : i32
        %parallel_loop3A_734 = arith.index_cast %parallel_loop3A_708 : i32 to index
        %parallel_loop3A_735 = arith.index_cast %parallel_loop3A_733 : i32 to index
        %parallel_loop3A_736 = arith.index_cast %parallel_loop3A_732 : i32 to index
        %parallel_loop3A_737 = tpu.vector_load %arg8[%parallel_loop3A_734, %parallel_loop3A_735, %parallel_loop3A_736] {strides = array<i32>} : memref<128x1x128xf32, #tpu.memory_space<vmem>>, vector<16xf32>,
        %parallel_loop3A_738 = arith.index_cast %parallel_loop3A_708 : i32 to index
        %parallel_loop3A_739 = arith.constant 32 : index
        %parallel_loop3A_740 = tpu.vector_load %arg10[%parallel_loop3A_738, %parallel_loop3A_739] {strides = array<i32>} : memref<128x64xf32, #tpu.memory_space<vmem>>, vector<16xf32>,
        tpu.vector_store %arg10[%parallel_loop3A_738, %parallel_loop3A_739], %parallel_loop3A_737 {strides = array<i32>} : memref<128x64xf32, #tpu.memory_space<vmem>>, vector<16xf32>,
        %parallel_loop3A_741 = arith.constant 48 : i32
        %parallel_loop3A_742 = arith.addi %parallel_loop3A_710, %parallel_loop3A_741 : i32
        %parallel_loop3A_743 = arith.constant 0 : i32
        %parallel_loop3A_744 = arith.index_cast %parallel_loop3A_708 : i32 to index
        %parallel_loop3A_745 = arith.index_cast %parallel_loop3A_743 : i32 to index
        %parallel_loop3A_746 = arith.index_cast %parallel_loop3A_742 : i32 to index
        %parallel_loop3A_747 = tpu.vector_load %arg8[%parallel_loop3A_744, %parallel_loop3A_745, %parallel_loop3A_746] {strides = array<i32>} : memref<128x1x128xf32, #tpu.memory_space<vmem>>, vector<16xf32>,
        %parallel_loop3A_748 = arith.index_cast %parallel_loop3A_708 : i32 to index
        %parallel_loop3A_749 = arith.constant 48 : index
        %parallel_loop3A_750 = tpu.vector_load %arg10[%parallel_loop3A_748, %parallel_loop3A_749] {strides = array<i32>} : memref<128x64xf32, #tpu.memory_space<vmem>>, vector<16xf32>,
        tpu.vector_store %arg10[%parallel_loop3A_748, %parallel_loop3A_749], %parallel_loop3A_747 {strides = array<i32>} : memref<128x64xf32, #tpu.memory_space<vmem>>, vector<16xf32>,
        %parallel_loop3A_751 = arith.constant 16 : i32
        %parallel_loop3A_752 = arith.muli %parallel_loop3A_141, %parallel_loop3A_751 : i32
        %parallel_loop3A_753 = arith.constant 13 : i32
        %parallel_loop3A_754 = arith.addi %parallel_loop3A_752, %parallel_loop3A_753 : i32
        %parallel_loop3A_755 = vector.extract_strided_slice %parallel_loop3A_152 {offsets = [13], sizes = [1], strides = [1]} : vector<16xi32> to vector<1xi32>
        %parallel_loop3A_756 = vector.extract %parallel_loop3A_755[0] : i32 from vector<1xi32>
        %parallel_loop3A_757 = arith.constant 0 : i32
        %parallel_loop3A_758 = arith.addi %parallel_loop3A_756, %parallel_loop3A_757 : i32
        %parallel_loop3A_759 = arith.constant 0 : i32
        %parallel_loop3A_760 = arith.index_cast %parallel_loop3A_754 : i32 to index
        %parallel_loop3A_761 = arith.index_cast %parallel_loop3A_759 : i32 to index
        %parallel_loop3A_762 = arith.index_cast %parallel_loop3A_758 : i32 to index
        %parallel_loop3A_763 = tpu.vector_load %arg8[%parallel_loop3A_760, %parallel_loop3A_761, %parallel_loop3A_762] {strides = array<i32>} : memref<128x1x128xf32, #tpu.memory_space<vmem>>, vector<16xf32>,
        %parallel_loop3A_764 = arith.index_cast %parallel_loop3A_754 : i32 to index
        %parallel_loop3A_765 = arith.constant 0 : index
        %parallel_loop3A_766 = tpu.vector_load %arg10[%parallel_loop3A_764, %parallel_loop3A_765] {strides = array<i32>} : memref<128x64xf32, #tpu.memory_space<vmem>>, vector<16xf32>,
        tpu.vector_store %arg10[%parallel_loop3A_764, %parallel_loop3A_765], %parallel_loop3A_763 {strides = array<i32>} : memref<128x64xf32, #tpu.memory_space<vmem>>, vector<16xf32>,
        %parallel_loop3A_767 = arith.constant 16 : i32
        %parallel_loop3A_768 = arith.addi %parallel_loop3A_756, %parallel_loop3A_767 : i32
        %parallel_loop3A_769 = arith.constant 0 : i32
        %parallel_loop3A_770 = arith.index_cast %parallel_loop3A_754 : i32 to index
        %parallel_loop3A_771 = arith.index_cast %parallel_loop3A_769 : i32 to index
        %parallel_loop3A_772 = arith.index_cast %parallel_loop3A_768 : i32 to index
        %parallel_loop3A_773 = tpu.vector_load %arg8[%parallel_loop3A_770, %parallel_loop3A_771, %parallel_loop3A_772] {strides = array<i32>} : memref<128x1x128xf32, #tpu.memory_space<vmem>>, vector<16xf32>,
        %parallel_loop3A_774 = arith.index_cast %parallel_loop3A_754 : i32 to index
        %parallel_loop3A_775 = arith.constant 16 : index
        %parallel_loop3A_776 = tpu.vector_load %arg10[%parallel_loop3A_774, %parallel_loop3A_775] {strides = array<i32>} : memref<128x64xf32, #tpu.memory_space<vmem>>, vector<16xf32>,
        tpu.vector_store %arg10[%parallel_loop3A_774, %parallel_loop3A_775], %parallel_loop3A_773 {strides = array<i32>} : memref<128x64xf32, #tpu.memory_space<vmem>>, vector<16xf32>,
        %parallel_loop3A_777 = arith.constant 32 : i32
        %parallel_loop3A_778 = arith.addi %parallel_loop3A_756, %parallel_loop3A_777 : i32
        %parallel_loop3A_779 = arith.constant 0 : i32
        %parallel_loop3A_780 = arith.index_cast %parallel_loop3A_754 : i32 to index
        %parallel_loop3A_781 = arith.index_cast %parallel_loop3A_779 : i32 to index
        %parallel_loop3A_782 = arith.index_cast %parallel_loop3A_778 : i32 to index
        %parallel_loop3A_783 = tpu.vector_load %arg8[%parallel_loop3A_780, %parallel_loop3A_781, %parallel_loop3A_782] {strides = array<i32>} : memref<128x1x128xf32, #tpu.memory_space<vmem>>, vector<16xf32>,
        %parallel_loop3A_784 = arith.index_cast %parallel_loop3A_754 : i32 to index
        %parallel_loop3A_785 = arith.constant 32 : index
        %parallel_loop3A_786 = tpu.vector_load %arg10[%parallel_loop3A_784, %parallel_loop3A_785] {strides = array<i32>} : memref<128x64xf32, #tpu.memory_space<vmem>>, vector<16xf32>,
        tpu.vector_store %arg10[%parallel_loop3A_784, %parallel_loop3A_785], %parallel_loop3A_783 {strides = array<i32>} : memref<128x64xf32, #tpu.memory_space<vmem>>, vector<16xf32>,
        %parallel_loop3A_787 = arith.constant 48 : i32
        %parallel_loop3A_788 = arith.addi %parallel_loop3A_756, %parallel_loop3A_787 : i32
        %parallel_loop3A_789 = arith.constant 0 : i32
        %parallel_loop3A_790 = arith.index_cast %parallel_loop3A_754 : i32 to index
        %parallel_loop3A_791 = arith.index_cast %parallel_loop3A_789 : i32 to index
        %parallel_loop3A_792 = arith.index_cast %parallel_loop3A_788 : i32 to index
        %parallel_loop3A_793 = tpu.vector_load %arg8[%parallel_loop3A_790, %parallel_loop3A_791, %parallel_loop3A_792] {strides = array<i32>} : memref<128x1x128xf32, #tpu.memory_space<vmem>>, vector<16xf32>,
        %parallel_loop3A_794 = arith.index_cast %parallel_loop3A_754 : i32 to index
        %parallel_loop3A_795 = arith.constant 48 : index
        %parallel_loop3A_796 = tpu.vector_load %arg10[%parallel_loop3A_794, %parallel_loop3A_795] {strides = array<i32>} : memref<128x64xf32, #tpu.memory_space<vmem>>, vector<16xf32>,
        tpu.vector_store %arg10[%parallel_loop3A_794, %parallel_loop3A_795], %parallel_loop3A_793 {strides = array<i32>} : memref<128x64xf32, #tpu.memory_space<vmem>>, vector<16xf32>,
        %parallel_loop3A_797 = arith.constant 16 : i32
        %parallel_loop3A_798 = arith.muli %parallel_loop3A_141, %parallel_loop3A_797 : i32
        %parallel_loop3A_799 = arith.constant 14 : i32
        %parallel_loop3A_800 = arith.addi %parallel_loop3A_798, %parallel_loop3A_799 : i32
        %parallel_loop3A_801 = vector.extract_strided_slice %parallel_loop3A_152 {offsets = [14], sizes = [1], strides = [1]} : vector<16xi32> to vector<1xi32>
        %parallel_loop3A_802 = vector.extract %parallel_loop3A_801[0] : i32 from vector<1xi32>
        %parallel_loop3A_803 = arith.constant 0 : i32
        %parallel_loop3A_804 = arith.addi %parallel_loop3A_802, %parallel_loop3A_803 : i32
        %parallel_loop3A_805 = arith.constant 0 : i32
        %parallel_loop3A_806 = arith.index_cast %parallel_loop3A_800 : i32 to index
        %parallel_loop3A_807 = arith.index_cast %parallel_loop3A_805 : i32 to index
        %parallel_loop3A_808 = arith.index_cast %parallel_loop3A_804 : i32 to index
        %parallel_loop3A_809 = tpu.vector_load %arg8[%parallel_loop3A_806, %parallel_loop3A_807, %parallel_loop3A_808] {strides = array<i32>} : memref<128x1x128xf32, #tpu.memory_space<vmem>>, vector<16xf32>,
        %parallel_loop3A_810 = arith.index_cast %parallel_loop3A_800 : i32 to index
        %parallel_loop3A_811 = arith.constant 0 : index
        %parallel_loop3A_812 = tpu.vector_load %arg10[%parallel_loop3A_810, %parallel_loop3A_811] {strides = array<i32>} : memref<128x64xf32, #tpu.memory_space<vmem>>, vector<16xf32>,
        tpu.vector_store %arg10[%parallel_loop3A_810, %parallel_loop3A_811], %parallel_loop3A_809 {strides = array<i32>} : memref<128x64xf32, #tpu.memory_space<vmem>>, vector<16xf32>,
        %parallel_loop3A_813 = arith.constant 16 : i32
        %parallel_loop3A_814 = arith.addi %parallel_loop3A_802, %parallel_loop3A_813 : i32
        %parallel_loop3A_815 = arith.constant 0 : i32
        %parallel_loop3A_816 = arith.index_cast %parallel_loop3A_800 : i32 to index
        %parallel_loop3A_817 = arith.index_cast %parallel_loop3A_815 : i32 to index
        %parallel_loop3A_818 = arith.index_cast %parallel_loop3A_814 : i32 to index
        %parallel_loop3A_819 = tpu.vector_load %arg8[%parallel_loop3A_816, %parallel_loop3A_817, %parallel_loop3A_818] {strides = array<i32>} : memref<128x1x128xf32, #tpu.memory_space<vmem>>, vector<16xf32>,
        %parallel_loop3A_820 = arith.index_cast %parallel_loop3A_800 : i32 to index
        %parallel_loop3A_821 = arith.constant 16 : index
        %parallel_loop3A_822 = tpu.vector_load %arg10[%parallel_loop3A_820, %parallel_loop3A_821] {strides = array<i32>} : memref<128x64xf32, #tpu.memory_space<vmem>>, vector<16xf32>,
        tpu.vector_store %arg10[%parallel_loop3A_820, %parallel_loop3A_821], %parallel_loop3A_819 {strides = array<i32>} : memref<128x64xf32, #tpu.memory_space<vmem>>, vector<16xf32>,
        %parallel_loop3A_823 = arith.constant 32 : i32
        %parallel_loop3A_824 = arith.addi %parallel_loop3A_802, %parallel_loop3A_823 : i32
        %parallel_loop3A_825 = arith.constant 0 : i32
        %parallel_loop3A_826 = arith.index_cast %parallel_loop3A_800 : i32 to index
        %parallel_loop3A_827 = arith.index_cast %parallel_loop3A_825 : i32 to index
        %parallel_loop3A_828 = arith.index_cast %parallel_loop3A_824 : i32 to index
        %parallel_loop3A_829 = tpu.vector_load %arg8[%parallel_loop3A_826, %parallel_loop3A_827, %parallel_loop3A_828] {strides = array<i32>} : memref<128x1x128xf32, #tpu.memory_space<vmem>>, vector<16xf32>,
        %parallel_loop3A_830 = arith.index_cast %parallel_loop3A_800 : i32 to index
        %parallel_loop3A_831 = arith.constant 32 : index
        %parallel_loop3A_832 = tpu.vector_load %arg10[%parallel_loop3A_830, %parallel_loop3A_831] {strides = array<i32>} : memref<128x64xf32, #tpu.memory_space<vmem>>, vector<16xf32>,
        tpu.vector_store %arg10[%parallel_loop3A_830, %parallel_loop3A_831], %parallel_loop3A_829 {strides = array<i32>} : memref<128x64xf32, #tpu.memory_space<vmem>>, vector<16xf32>,
        %parallel_loop3A_833 = arith.constant 48 : i32
        %parallel_loop3A_834 = arith.addi %parallel_loop3A_802, %parallel_loop3A_833 : i32
        %parallel_loop3A_835 = arith.constant 0 : i32
        %parallel_loop3A_836 = arith.index_cast %parallel_loop3A_800 : i32 to index
        %parallel_loop3A_837 = arith.index_cast %parallel_loop3A_835 : i32 to index
        %parallel_loop3A_838 = arith.index_cast %parallel_loop3A_834 : i32 to index
        %parallel_loop3A_839 = tpu.vector_load %arg8[%parallel_loop3A_836, %parallel_loop3A_837, %parallel_loop3A_838] {strides = array<i32>} : memref<128x1x128xf32, #tpu.memory_space<vmem>>, vector<16xf32>,
        %parallel_loop3A_840 = arith.index_cast %parallel_loop3A_800 : i32 to index
        %parallel_loop3A_841 = arith.constant 48 : index
        %parallel_loop3A_842 = tpu.vector_load %arg10[%parallel_loop3A_840, %parallel_loop3A_841] {strides = array<i32>} : memref<128x64xf32, #tpu.memory_space<vmem>>, vector<16xf32>,
        tpu.vector_store %arg10[%parallel_loop3A_840, %parallel_loop3A_841], %parallel_loop3A_839 {strides = array<i32>} : memref<128x64xf32, #tpu.memory_space<vmem>>, vector<16xf32>,
        %parallel_loop3A_843 = arith.constant 16 : i32
        %parallel_loop3A_844 = arith.muli %parallel_loop3A_141, %parallel_loop3A_843 : i32
        %parallel_loop3A_845 = arith.constant 15 : i32
        %parallel_loop3A_846 = arith.addi %parallel_loop3A_844, %parallel_loop3A_845 : i32
        %parallel_loop3A_847 = vector.extract_strided_slice %parallel_loop3A_152 {offsets = [15], sizes = [1], strides = [1]} : vector<16xi32> to vector<1xi32>
        %parallel_loop3A_848 = vector.extract %parallel_loop3A_847[0] : i32 from vector<1xi32>
        %parallel_loop3A_849 = arith.constant 0 : i32
        %parallel_loop3A_850 = arith.addi %parallel_loop3A_848, %parallel_loop3A_849 : i32
        %parallel_loop3A_851 = arith.constant 0 : i32
        %parallel_loop3A_852 = arith.index_cast %parallel_loop3A_846 : i32 to index
        %parallel_loop3A_853 = arith.index_cast %parallel_loop3A_851 : i32 to index
        %parallel_loop3A_854 = arith.index_cast %parallel_loop3A_850 : i32 to index
        %parallel_loop3A_855 = tpu.vector_load %arg8[%parallel_loop3A_852, %parallel_loop3A_853, %parallel_loop3A_854] {strides = array<i32>} : memref<128x1x128xf32, #tpu.memory_space<vmem>>, vector<16xf32>,
        %parallel_loop3A_856 = arith.index_cast %parallel_loop3A_846 : i32 to index
        %parallel_loop3A_857 = arith.constant 0 : index
        %parallel_loop3A_858 = tpu.vector_load %arg10[%parallel_loop3A_856, %parallel_loop3A_857] {strides = array<i32>} : memref<128x64xf32, #tpu.memory_space<vmem>>, vector<16xf32>,
        tpu.vector_store %arg10[%parallel_loop3A_856, %parallel_loop3A_857], %parallel_loop3A_855 {strides = array<i32>} : memref<128x64xf32, #tpu.memory_space<vmem>>, vector<16xf32>,
        %parallel_loop3A_859 = arith.constant 16 : i32
        %parallel_loop3A_860 = arith.addi %parallel_loop3A_848, %parallel_loop3A_859 : i32
        %parallel_loop3A_861 = arith.constant 0 : i32
        %parallel_loop3A_862 = arith.index_cast %parallel_loop3A_846 : i32 to index
        %parallel_loop3A_863 = arith.index_cast %parallel_loop3A_861 : i32 to index
        %parallel_loop3A_864 = arith.index_cast %parallel_loop3A_860 : i32 to index
        %parallel_loop3A_865 = tpu.vector_load %arg8[%parallel_loop3A_862, %parallel_loop3A_863, %parallel_loop3A_864] {strides = array<i32>} : memref<128x1x128xf32, #tpu.memory_space<vmem>>, vector<16xf32>,
        %parallel_loop3A_866 = arith.index_cast %parallel_loop3A_846 : i32 to index
        %parallel_loop3A_867 = arith.constant 16 : index
        %parallel_loop3A_868 = tpu.vector_load %arg10[%parallel_loop3A_866, %parallel_loop3A_867] {strides = array<i32>} : memref<128x64xf32, #tpu.memory_space<vmem>>, vector<16xf32>,
        tpu.vector_store %arg10[%parallel_loop3A_866, %parallel_loop3A_867], %parallel_loop3A_865 {strides = array<i32>} : memref<128x64xf32, #tpu.memory_space<vmem>>, vector<16xf32>,
        %parallel_loop3A_869 = arith.constant 32 : i32
        %parallel_loop3A_870 = arith.addi %parallel_loop3A_848, %parallel_loop3A_869 : i32
        %parallel_loop3A_871 = arith.constant 0 : i32
        %parallel_loop3A_872 = arith.index_cast %parallel_loop3A_846 : i32 to index
        %parallel_loop3A_873 = arith.index_cast %parallel_loop3A_871 : i32 to index
        %parallel_loop3A_874 = arith.index_cast %parallel_loop3A_870 : i32 to index
        %parallel_loop3A_875 = tpu.vector_load %arg8[%parallel_loop3A_872, %parallel_loop3A_873, %parallel_loop3A_874] {strides = array<i32>} : memref<128x1x128xf32, #tpu.memory_space<vmem>>, vector<16xf32>,
        %parallel_loop3A_876 = arith.index_cast %parallel_loop3A_846 : i32 to index
        %parallel_loop3A_877 = arith.constant 32 : index
        %parallel_loop3A_878 = tpu.vector_load %arg10[%parallel_loop3A_876, %parallel_loop3A_877] {strides = array<i32>} : memref<128x64xf32, #tpu.memory_space<vmem>>, vector<16xf32>,
        tpu.vector_store %arg10[%parallel_loop3A_876, %parallel_loop3A_877], %parallel_loop3A_875 {strides = array<i32>} : memref<128x64xf32, #tpu.memory_space<vmem>>, vector<16xf32>,
        %parallel_loop3A_879 = arith.constant 48 : i32
        %parallel_loop3A_880 = arith.addi %parallel_loop3A_848, %parallel_loop3A_879 : i32
        %parallel_loop3A_881 = arith.constant 0 : i32
        %parallel_loop3A_882 = arith.index_cast %parallel_loop3A_846 : i32 to index
        %parallel_loop3A_883 = arith.index_cast %parallel_loop3A_881 : i32 to index
        %parallel_loop3A_884 = arith.index_cast %parallel_loop3A_880 : i32 to index
        %parallel_loop3A_885 = tpu.vector_load %arg8[%parallel_loop3A_882, %parallel_loop3A_883, %parallel_loop3A_884] {strides = array<i32>} : memref<128x1x128xf32, #tpu.memory_space<vmem>>, vector<16xf32>,
        %parallel_loop3A_886 = arith.index_cast %parallel_loop3A_846 : i32 to index
        %parallel_loop3A_887 = arith.constant 48 : index
        %parallel_loop3A_888 = tpu.vector_load %arg10[%parallel_loop3A_886, %parallel_loop3A_887] {strides = array<i32>} : memref<128x64xf32, #tpu.memory_space<vmem>>, vector<16xf32>,
        tpu.vector_store %arg10[%parallel_loop3A_886, %parallel_loop3A_887], %parallel_loop3A_885 {strides = array<i32>} : memref<128x64xf32, #tpu.memory_space<vmem>>, vector<16xf32>,
      } {sc.loop_unroll_factor = 4 : i64, sc.parallel_access}
      %mul3A_104 = arith.constant 128 : i32
      %mul3A_105 = arith.muli %add3A_89, %mul3A_104 : i32
      %add3A_106 = arith.addi %mul3A_2, %mul3A_105 : i32
      %dma_start3A_107 = arith.constant 0 : i32
      %dma_start3A_108 = tpu.memref_slice %arg4[%add3A_106, %dma_start3A_107] : memref<819200x64xf32, #tpu.memory_space<hbm>> -> memref<128x64xf32, #tpu.memory_space<hbm>>
      %dma_start3A_109 = arith.constant 0 : i32
      %dma_start3A_110 = tpu.memref_slice %arg4[%add3A_106, %dma_start3A_109] : memref<819200x64xf32, #tpu.memory_space<hbm>> -> memref<128x64xf32, #tpu.memory_space<hbm>>
      tpu.enqueue_dma source(%arg10 : memref<128x64xf32, #tpu.memory_space<vmem>>) target(%dma_start3A_110 : memref<128x64xf32, #tpu.memory_space<hbm>>) target_semaphore(%arg13 : memref<!tpu.dma_semaphore, #tpu.memory_space<semaphore_mem>>)
      %mul3A_111 = arith.constant 2 : i32
      %mul3A_112 = arith.muli %scan3A_85, %mul3A_111 : i32
      %add3A_113 = arith.constant 1 : i32
      %add3A_114 = arith.addi %mul3A_112, %add3A_113 : i32
      %add3A_115 = arith.constant 1 : i32
      %add3A_116 = arith.addi %add3A_114, %add3A_115 : i32
      %lt3A_117 = arith.constant 200 : i32
      %lt3A_118 = arith.cmpi slt, %add3A_116, %lt3A_117 : i32
      %convert_element_type3A_119 = arith.extui %lt3A_118 : i1 to i32
      %cond3A_120 = arith.constant 0 : i32
      %cond3A_121 = arith.cmpi ne, %convert_element_type3A_119, %cond3A_120 : i32
      scf.if %cond3A_121 {
        %add3A_141 = arith.constant 1 : i32
        %add3A_142 = arith.addi %add3A_114, %add3A_141 : i32
        %get3A_143 = arith.index_cast %add3A_142 : i32 to index
        %get3A_144 = arith.constant 0 : index
        %get3A_145 = tpu.vector_load %arg5[%get3A_143, %get3A_144] {strides = array<i32>} : memref<200x128xi32, #tpu.memory_space<vmem>>, vector<16xi32>,
        %shift_right_logical3A_146 = arith.constant 1 : i32
        %shift_right_logical3A_147 = vector.broadcast %shift_right_logical3A_146 : i32 to vector<16xi32>
        %shift_right_logical3A_148 = arith.shrui %get3A_145, %shift_right_logical3A_147 : vector<16xi32>
        %swap3A_149 = arith.constant 0 : index
        %swap3A_150 = tpu.vector_load %arg6[%swap3A_149] {strides = array<i32>} : memref<128xi32, #tpu.memory_space<vmem>>, vector<16xi32>,
        tpu.vector_store %arg6[%swap3A_149], %shift_right_logical3A_148 {strides = array<i32>} : memref<128xi32, #tpu.memory_space<vmem>>, vector<16xi32>,
        %get3A_151 = arith.index_cast %add3A_142 : i32 to index
        %get3A_152 = arith.constant 16 : index
        %get3A_153 = tpu.vector_load %arg5[%get3A_151, %get3A_152] {strides = array<i32>} : memref<200x128xi32, #tpu.memory_space<vmem>>, vector<16xi32>,
        %shift_right_logical3A_154 = arith.constant 1 : i32
        %shift_right_logical3A_155 = vector.broadcast %shift_right_logical3A_154 : i32 to vector<16xi32>
        %shift_right_logical3A_156 = arith.shrui %get3A_153, %shift_right_logical3A_155 : vector<16xi32>
        %swap3A_157 = arith.constant 16 : index
        %swap3A_158 = tpu.vector_load %arg6[%swap3A_157] {strides = array<i32>} : memref<128xi32, #tpu.memory_space<vmem>>, vector<16xi32>,
        tpu.vector_store %arg6[%swap3A_157], %shift_right_logical3A_156 {strides = array<i32>} : memref<128xi32, #tpu.memory_space<vmem>>, vector<16xi32>,
        %get3A_159 = arith.index_cast %add3A_142 : i32 to index
        %get3A_160 = arith.constant 32 : index
        %get3A_161 = tpu.vector_load %arg5[%get3A_159, %get3A_160] {strides = array<i32>} : memref<200x128xi32, #tpu.memory_space<vmem>>, vector<16xi32>,
        %shift_right_logical3A_162 = arith.constant 1 : i32
        %shift_right_logical3A_163 = vector.broadcast %shift_right_logical3A_162 : i32 to vector<16xi32>
        %shift_right_logical3A_164 = arith.shrui %get3A_161, %shift_right_logical3A_163 : vector<16xi32>
        %swap3A_165 = arith.constant 32 : index
        %swap3A_166 = tpu.vector_load %arg6[%swap3A_165] {strides = array<i32>} : memref<128xi32, #tpu.memory_space<vmem>>, vector<16xi32>,
        tpu.vector_store %arg6[%swap3A_165], %shift_right_logical3A_164 {strides = array<i32>} : memref<128xi32, #tpu.memory_space<vmem>>, vector<16xi32>,
        %get3A_167 = arith.index_cast %add3A_142 : i32 to index
        %get3A_168 = arith.constant 48 : index
        %get3A_169 = tpu.vector_load %arg5[%get3A_167, %get3A_168] {strides = array<i32>} : memref<200x128xi32, #tpu.memory_space<vmem>>, vector<16xi32>,
        %shift_right_logical3A_170 = arith.constant 1 : i32
        %shift_right_logical3A_171 = vector.broadcast %shift_right_logical3A_170 : i32 to vector<16xi32>
        %shift_right_logical3A_172 = arith.shrui %get3A_169, %shift_right_logical3A_171 : vector<16xi32>
        %swap3A_173 = arith.constant 48 : index
        %swap3A_174 = tpu.vector_load %arg6[%swap3A_173] {strides = array<i32>} : memref<128xi32, #tpu.memory_space<vmem>>, vector<16xi32>,
        tpu.vector_store %arg6[%swap3A_173], %shift_right_logical3A_172 {strides = array<i32>} : memref<128xi32, #tpu.memory_space<vmem>>, vector<16xi32>,
        %get3A_175 = arith.index_cast %add3A_142 : i32 to index
        %get3A_176 = arith.constant 64 : index
        %get3A_177 = tpu.vector_load %arg5[%get3A_175, %get3A_176] {strides = array<i32>} : memref<200x128xi32, #tpu.memory_space<vmem>>, vector<16xi32>,
        %shift_right_logical3A_178 = arith.constant 1 : i32
        %shift_right_logical3A_179 = vector.broadcast %shift_right_logical3A_178 : i32 to vector<16xi32>
        %shift_right_logical3A_180 = arith.shrui %get3A_177, %shift_right_logical3A_179 : vector<16xi32>
        %swap3A_181 = arith.constant 64 : index
        %swap3A_182 = tpu.vector_load %arg6[%swap3A_181] {strides = array<i32>} : memref<128xi32, #tpu.memory_space<vmem>>, vector<16xi32>,
        tpu.vector_store %arg6[%swap3A_181], %shift_right_logical3A_180 {strides = array<i32>} : memref<128xi32, #tpu.memory_space<vmem>>, vector<16xi32>,
        %get3A_183 = arith.index_cast %add3A_142 : i32 to index
        %get3A_184 = arith.constant 80 : index
        %get3A_185 = tpu.vector_load %arg5[%get3A_183, %get3A_184] {strides = array<i32>} : memref<200x128xi32, #tpu.memory_space<vmem>>, vector<16xi32>,
        %shift_right_logical3A_186 = arith.constant 1 : i32
        %shift_right_logical3A_187 = vector.broadcast %shift_right_logical3A_186 : i32 to vector<16xi32>
        %shift_right_logical3A_188 = arith.shrui %get3A_185, %shift_right_logical3A_187 : vector<16xi32>
        %swap3A_189 = arith.constant 80 : index
        %swap3A_190 = tpu.vector_load %arg6[%swap3A_189] {strides = array<i32>} : memref<128xi32, #tpu.memory_space<vmem>>, vector<16xi32>,
        tpu.vector_store %arg6[%swap3A_189], %shift_right_logical3A_188 {strides = array<i32>} : memref<128xi32, #tpu.memory_space<vmem>>, vector<16xi32>,
        %get3A_191 = arith.index_cast %add3A_142 : i32 to index
        %get3A_192 = arith.constant 96 : index
        %get3A_193 = tpu.vector_load %arg5[%get3A_191, %get3A_192] {strides = array<i32>} : memref<200x128xi32, #tpu.memory_space<vmem>>, vector<16xi32>,
        %shift_right_logical3A_194 = arith.constant 1 : i32
        %shift_right_logical3A_195 = vector.broadcast %shift_right_logical3A_194 : i32 to vector<16xi32>
        %shift_right_logical3A_196 = arith.shrui %get3A_193, %shift_right_logical3A_195 : vector<16xi32>
        %swap3A_197 = arith.constant 96 : index
        %swap3A_198 = tpu.vector_load %arg6[%swap3A_197] {strides = array<i32>} : memref<128xi32, #tpu.memory_space<vmem>>, vector<16xi32>,
        tpu.vector_store %arg6[%swap3A_197], %shift_right_logical3A_196 {strides = array<i32>} : memref<128xi32, #tpu.memory_space<vmem>>, vector<16xi32>,
        %get3A_199 = arith.index_cast %add3A_142 : i32 to index
        %get3A_200 = arith.constant 112 : index
        %get3A_201 = tpu.vector_load %arg5[%get3A_199, %get3A_200] {strides = array<i32>} : memref<200x128xi32, #tpu.memory_space<vmem>>, vector<16xi32>,
        %shift_right_logical3A_202 = arith.constant 1 : i32
        %shift_right_logical3A_203 = vector.broadcast %shift_right_logical3A_202 : i32 to vector<16xi32>
        %shift_right_logical3A_204 = arith.shrui %get3A_201, %shift_right_logical3A_203 : vector<16xi32>
        %swap3A_205 = arith.constant 112 : index
        %swap3A_206 = tpu.vector_load %arg6[%swap3A_205] {strides = array<i32>} : memref<128xi32, #tpu.memory_space<vmem>>, vector<16xi32>,
        tpu.vector_store %arg6[%swap3A_205], %shift_right_logical3A_204 {strides = array<i32>} : memref<128xi32, #tpu.memory_space<vmem>>, vector<16xi32>,
        %dma_start3A_207 = arith.constant 0 : i32
        %dma_start3A_208 = arith.constant 0 : i32
        %dma_start3A_209 = arith.constant 0 : i32
        %dma_start3A_210 = tpu.memref_slice %arg3[%dma_start3A_207, %dma_start3A_208, %dma_start3A_209] : memref<500000x1x128xf32, #tpu.memory_space<hbm>> -> memref<500000x1x128xf32, #tpu.memory_space<hbm>>
        tpu.enqueue_indirect_dma source(%dma_start3A_210 : memref<500000x1x128xf32, #tpu.memory_space<hbm>>) target(%arg8 : memref<128x1x128xf32, #tpu.memory_space<vmem>>) offsets(%arg6 : memref<128xi32, #tpu.memory_space<vmem>>) semaphore(%arg11 : memref<!tpu.dma_semaphore, #tpu.memory_space<semaphore_mem>>)
      } else {
      }
      %dma_wait3A_122 = arith.constant 0 : i32
      %dma_wait3A_123 = arith.constant 0 : i32
      %dma_wait3A_124 = arith.constant 0 : i32
      %dma_wait3A_125 = tpu.memref_slice %arg3[%dma_wait3A_122, %dma_wait3A_123, %dma_wait3A_124] : memref<500000x1x128xf32, #tpu.memory_space<hbm>> -> memref<500000x1x128xf32, #tpu.memory_space<hbm>>
      tpu.wait_indirect_dma semaphore(%arg12 : memref<!tpu.dma_semaphore, #tpu.memory_space<semaphore_mem>>) src(%dma_wait3A_125 : memref<500000x1x128xf32, #tpu.memory_space<hbm>>) dst(%arg9 : memref<128x1x128xf32, #tpu.memory_space<vmem>>)
      %ge3A_126 = arith.constant 1 : i32
      %ge3A_127 = arith.cmpi sge, %add3A_114, %ge3A_126 : i32
      %convert_element_type3A_128 = arith.extui %ge3A_127 : i1 to i32
      %cond3A_129 = arith.constant 0 : i32
      %cond3A_130 = arith.cmpi ne, %convert_element_type3A_128, %cond3A_129 : i32
      scf.if %cond3A_130 {
        %dma_wait3A_141 = arith.constant 0 : i32
        %dma_wait3A_142 = arith.constant 0 : i32
        %dma_wait3A_143 = tpu.memref_slice %arg4[%dma_wait3A_141, %dma_wait3A_142] : memref<819200x64xf32, #tpu.memory_space<hbm>> -> memref<128x64xf32, #tpu.memory_space<hbm>>
        %dma_wait3A_144 = arith.constant 0 : i32
        %dma_wait3A_145 = arith.constant 0 : i32
        %dma_wait3A_146 = tpu.memref_slice %arg4[%dma_wait3A_144, %dma_wait3A_145] : memref<819200x64xf32, #tpu.memory_space<hbm>> -> memref<128x64xf32, #tpu.memory_space<hbm>>
        tpu.wait_dma2 semaphore(%arg13 : memref<!tpu.dma_semaphore, #tpu.memory_space<semaphore_mem>>) src(%arg10 : memref<128x64xf32, #tpu.memory_space<vmem>>) dst(%dma_wait3A_146 : memref<128x64xf32, #tpu.memory_space<hbm>>)
      } else {
      }
      %parallel_loop3A_131 = arith.constant 0 : i32
      %parallel_loop3A_132 = arith.constant 8 : i32
      %parallel_loop3A_133 = arith.constant 1 : i32
      scf.for %parallel_loop3A_141 = %parallel_loop3A_131 to %parallel_loop3A_132 step %parallel_loop3A_133  : i32 {
        %parallel_loop3A_142 = arith.constant 16 : i32
        %parallel_loop3A_143 = arith.muli %parallel_loop3A_141, %parallel_loop3A_142 : i32
        %parallel_loop3A_144 = arith.index_cast %add3A_114 : i32 to index
        %parallel_loop3A_145 = arith.index_cast %parallel_loop3A_143 : i32 to index
        %parallel_loop3A_146 = tpu.vector_load %arg5[%parallel_loop3A_144, %parallel_loop3A_145] {strides = array<i32>} : memref<200x128xi32, #tpu.memory_space<vmem>>, vector<16xi32>,
        %parallel_loop3A_147 = arith.constant 1 : i32
        %parallel_loop3A_148 = vector.broadcast %parallel_loop3A_147 : i32 to vector<16xi32>
        %parallel_loop3A_149 = arith.andi %parallel_loop3A_146, %parallel_loop3A_148 : vector<16xi32>
        %parallel_loop3A_150 = arith.constant 6 : i32
        %parallel_loop3A_151 = vector.broadcast %parallel_loop3A_150 : i32 to vector<16xi32>
        %parallel_loop3A_152 = arith.shli %parallel_loop3A_149, %parallel_loop3A_151 : vector<16xi32>
        %parallel_loop3A_153 = arith.constant 16 : i32
        %parallel_loop3A_154 = arith.muli %parallel_loop3A_141, %parallel_loop3A_153 : i32
        %parallel_loop3A_155 = arith.constant 0 : i32
        %parallel_loop3A_156 = arith.addi %parallel_loop3A_154, %parallel_loop3A_155 : i32
        %parallel_loop3A_157 = vector.extract_strided_slice %parallel_loop3A_152 {offsets = [0], sizes = [1], strides = [1]} : vector<16xi32> to vector<1xi32>
        %parallel_loop3A_158 = vector.extract %parallel_loop3A_157[0] : i32 from vector<1xi32>
        %parallel_loop3A_159 = arith.constant 0 : i32
        %parallel_loop3A_160 = arith.addi %parallel_loop3A_158, %parallel_loop3A_159 : i32
        %parallel_loop3A_161 = arith.constant 0 : i32
        %parallel_loop3A_162 = arith.index_cast %parallel_loop3A_156 : i32 to index
        %parallel_loop3A_163 = arith.index_cast %parallel_loop3A_161 : i32 to index
        %parallel_loop3A_164 = arith.index_cast %parallel_loop3A_160 : i32 to index
        %parallel_loop3A_165 = tpu.vector_load %arg9[%parallel_loop3A_162, %parallel_loop3A_163, %parallel_loop3A_164] {strides = array<i32>} : memref<128x1x128xf32, #tpu.memory_space<vmem>>, vector<16xf32>,
        %parallel_loop3A_166 = arith.index_cast %parallel_loop3A_156 : i32 to index
        %parallel_loop3A_167 = arith.constant 0 : index
        %parallel_loop3A_168 = tpu.vector_load %arg10[%parallel_loop3A_166, %parallel_loop3A_167] {strides = array<i32>} : memref<128x64xf32, #tpu.memory_space<vmem>>, vector<16xf32>,
        tpu.vector_store %arg10[%parallel_loop3A_166, %parallel_loop3A_167], %parallel_loop3A_165 {strides = array<i32>} : memref<128x64xf32, #tpu.memory_space<vmem>>, vector<16xf32>,
        %parallel_loop3A_169 = arith.constant 16 : i32
        %parallel_loop3A_170 = arith.addi %parallel_loop3A_158, %parallel_loop3A_169 : i32
        %parallel_loop3A_171 = arith.constant 0 : i32
        %parallel_loop3A_172 = arith.index_cast %parallel_loop3A_156 : i32 to index
        %parallel_loop3A_173 = arith.index_cast %parallel_loop3A_171 : i32 to index
        %parallel_loop3A_174 = arith.index_cast %parallel_loop3A_170 : i32 to index
        %parallel_loop3A_175 = tpu.vector_load %arg9[%parallel_loop3A_172, %parallel_loop3A_173, %parallel_loop3A_174] {strides = array<i32>} : memref<128x1x128xf32, #tpu.memory_space<vmem>>, vector<16xf32>,
        %parallel_loop3A_176 = arith.index_cast %parallel_loop3A_156 : i32 to index
        %parallel_loop3A_177 = arith.constant 16 : index
        %parallel_loop3A_178 = tpu.vector_load %arg10[%parallel_loop3A_176, %parallel_loop3A_177] {strides = array<i32>} : memref<128x64xf32, #tpu.memory_space<vmem>>, vector<16xf32>,
        tpu.vector_store %arg10[%parallel_loop3A_176, %parallel_loop3A_177], %parallel_loop3A_175 {strides = array<i32>} : memref<128x64xf32, #tpu.memory_space<vmem>>, vector<16xf32>,
        %parallel_loop3A_179 = arith.constant 32 : i32
        %parallel_loop3A_180 = arith.addi %parallel_loop3A_158, %parallel_loop3A_179 : i32
        %parallel_loop3A_181 = arith.constant 0 : i32
        %parallel_loop3A_182 = arith.index_cast %parallel_loop3A_156 : i32 to index
        %parallel_loop3A_183 = arith.index_cast %parallel_loop3A_181 : i32 to index
        %parallel_loop3A_184 = arith.index_cast %parallel_loop3A_180 : i32 to index
        %parallel_loop3A_185 = tpu.vector_load %arg9[%parallel_loop3A_182, %parallel_loop3A_183, %parallel_loop3A_184] {strides = array<i32>} : memref<128x1x128xf32, #tpu.memory_space<vmem>>, vector<16xf32>,
        %parallel_loop3A_186 = arith.index_cast %parallel_loop3A_156 : i32 to index
        %parallel_loop3A_187 = arith.constant 32 : index
        %parallel_loop3A_188 = tpu.vector_load %arg10[%parallel_loop3A_186, %parallel_loop3A_187] {strides = array<i32>} : memref<128x64xf32, #tpu.memory_space<vmem>>, vector<16xf32>,
        tpu.vector_store %arg10[%parallel_loop3A_186, %parallel_loop3A_187], %parallel_loop3A_185 {strides = array<i32>} : memref<128x64xf32, #tpu.memory_space<vmem>>, vector<16xf32>,
        %parallel_loop3A_189 = arith.constant 48 : i32
        %parallel_loop3A_190 = arith.addi %parallel_loop3A_158, %parallel_loop3A_189 : i32
        %parallel_loop3A_191 = arith.constant 0 : i32
        %parallel_loop3A_192 = arith.index_cast %parallel_loop3A_156 : i32 to index
        %parallel_loop3A_193 = arith.index_cast %parallel_loop3A_191 : i32 to index
        %parallel_loop3A_194 = arith.index_cast %parallel_loop3A_190 : i32 to index
        %parallel_loop3A_195 = tpu.vector_load %arg9[%parallel_loop3A_192, %parallel_loop3A_193, %parallel_loop3A_194] {strides = array<i32>} : memref<128x1x128xf32, #tpu.memory_space<vmem>>, vector<16xf32>,
        %parallel_loop3A_196 = arith.index_cast %parallel_loop3A_156 : i32 to index
        %parallel_loop3A_197 = arith.constant 48 : index
        %parallel_loop3A_198 = tpu.vector_load %arg10[%parallel_loop3A_196, %parallel_loop3A_197] {strides = array<i32>} : memref<128x64xf32, #tpu.memory_space<vmem>>, vector<16xf32>,
        tpu.vector_store %arg10[%parallel_loop3A_196, %parallel_loop3A_197], %parallel_loop3A_195 {strides = array<i32>} : memref<128x64xf32, #tpu.memory_space<vmem>>, vector<16xf32>,
        %parallel_loop3A_199 = arith.constant 16 : i32
        %parallel_loop3A_200 = arith.muli %parallel_loop3A_141, %parallel_loop3A_199 : i32
        %parallel_loop3A_201 = arith.constant 1 : i32
        %parallel_loop3A_202 = arith.addi %parallel_loop3A_200, %parallel_loop3A_201 : i32
        %parallel_loop3A_203 = vector.extract_strided_slice %parallel_loop3A_152 {offsets = [1], sizes = [1], strides = [1]} : vector<16xi32> to vector<1xi32>
        %parallel_loop3A_204 = vector.extract %parallel_loop3A_203[0] : i32 from vector<1xi32>
        %parallel_loop3A_205 = arith.constant 0 : i32
        %parallel_loop3A_206 = arith.addi %parallel_loop3A_204, %parallel_loop3A_205 : i32
        %parallel_loop3A_207 = arith.constant 0 : i32
        %parallel_loop3A_208 = arith.index_cast %parallel_loop3A_202 : i32 to index
        %parallel_loop3A_209 = arith.index_cast %parallel_loop3A_207 : i32 to index
        %parallel_loop3A_210 = arith.index_cast %parallel_loop3A_206 : i32 to index
        %parallel_loop3A_211 = tpu.vector_load %arg9[%parallel_loop3A_208, %parallel_loop3A_209, %parallel_loop3A_210] {strides = array<i32>} : memref<128x1x128xf32, #tpu.memory_space<vmem>>, vector<16xf32>,
        %parallel_loop3A_212 = arith.index_cast %parallel_loop3A_202 : i32 to index
        %parallel_loop3A_213 = arith.constant 0 : index
        %parallel_loop3A_214 = tpu.vector_load %arg10[%parallel_loop3A_212, %parallel_loop3A_213] {strides = array<i32>} : memref<128x64xf32, #tpu.memory_space<vmem>>, vector<16xf32>,
        tpu.vector_store %arg10[%parallel_loop3A_212, %parallel_loop3A_213], %parallel_loop3A_211 {strides = array<i32>} : memref<128x64xf32, #tpu.memory_space<vmem>>, vector<16xf32>,
        %parallel_loop3A_215 = arith.constant 16 : i32
        %parallel_loop3A_216 = arith.addi %parallel_loop3A_204, %parallel_loop3A_215 : i32
        %parallel_loop3A_217 = arith.constant 0 : i32
        %parallel_loop3A_218 = arith.index_cast %parallel_loop3A_202 : i32 to index
        %parallel_loop3A_219 = arith.index_cast %parallel_loop3A_217 : i32 to index
        %parallel_loop3A_220 = arith.index_cast %parallel_loop3A_216 : i32 to index
        %parallel_loop3A_221 = tpu.vector_load %arg9[%parallel_loop3A_218, %parallel_loop3A_219, %parallel_loop3A_220] {strides = array<i32>} : memref<128x1x128xf32, #tpu.memory_space<vmem>>, vector<16xf32>,
        %parallel_loop3A_222 = arith.index_cast %parallel_loop3A_202 : i32 to index
        %parallel_loop3A_223 = arith.constant 16 : index
        %parallel_loop3A_224 = tpu.vector_load %arg10[%parallel_loop3A_222, %parallel_loop3A_223] {strides = array<i32>} : memref<128x64xf32, #tpu.memory_space<vmem>>, vector<16xf32>,
        tpu.vector_store %arg10[%parallel_loop3A_222, %parallel_loop3A_223], %parallel_loop3A_221 {strides = array<i32>} : memref<128x64xf32, #tpu.memory_space<vmem>>, vector<16xf32>,
        %parallel_loop3A_225 = arith.constant 32 : i32
        %parallel_loop3A_226 = arith.addi %parallel_loop3A_204, %parallel_loop3A_225 : i32
        %parallel_loop3A_227 = arith.constant 0 : i32
        %parallel_loop3A_228 = arith.index_cast %parallel_loop3A_202 : i32 to index
        %parallel_loop3A_229 = arith.index_cast %parallel_loop3A_227 : i32 to index
        %parallel_loop3A_230 = arith.index_cast %parallel_loop3A_226 : i32 to index
        %parallel_loop3A_231 = tpu.vector_load %arg9[%parallel_loop3A_228, %parallel_loop3A_229, %parallel_loop3A_230] {strides = array<i32>} : memref<128x1x128xf32, #tpu.memory_space<vmem>>, vector<16xf32>,
        %parallel_loop3A_232 = arith.index_cast %parallel_loop3A_202 : i32 to index
        %parallel_loop3A_233 = arith.constant 32 : index
        %parallel_loop3A_234 = tpu.vector_load %arg10[%parallel_loop3A_232, %parallel_loop3A_233] {strides = array<i32>} : memref<128x64xf32, #tpu.memory_space<vmem>>, vector<16xf32>,
        tpu.vector_store %arg10[%parallel_loop3A_232, %parallel_loop3A_233], %parallel_loop3A_231 {strides = array<i32>} : memref<128x64xf32, #tpu.memory_space<vmem>>, vector<16xf32>,
        %parallel_loop3A_235 = arith.constant 48 : i32
        %parallel_loop3A_236 = arith.addi %parallel_loop3A_204, %parallel_loop3A_235 : i32
        %parallel_loop3A_237 = arith.constant 0 : i32
        %parallel_loop3A_238 = arith.index_cast %parallel_loop3A_202 : i32 to index
        %parallel_loop3A_239 = arith.index_cast %parallel_loop3A_237 : i32 to index
        %parallel_loop3A_240 = arith.index_cast %parallel_loop3A_236 : i32 to index
        %parallel_loop3A_241 = tpu.vector_load %arg9[%parallel_loop3A_238, %parallel_loop3A_239, %parallel_loop3A_240] {strides = array<i32>} : memref<128x1x128xf32, #tpu.memory_space<vmem>>, vector<16xf32>,
        %parallel_loop3A_242 = arith.index_cast %parallel_loop3A_202 : i32 to index
        %parallel_loop3A_243 = arith.constant 48 : index
        %parallel_loop3A_244 = tpu.vector_load %arg10[%parallel_loop3A_242, %parallel_loop3A_243] {strides = array<i32>} : memref<128x64xf32, #tpu.memory_space<vmem>>, vector<16xf32>,
        tpu.vector_store %arg10[%parallel_loop3A_242, %parallel_loop3A_243], %parallel_loop3A_241 {strides = array<i32>} : memref<128x64xf32, #tpu.memory_space<vmem>>, vector<16xf32>,
        %parallel_loop3A_245 = arith.constant 16 : i32
        %parallel_loop3A_246 = arith.muli %parallel_loop3A_141, %parallel_loop3A_245 : i32
        %parallel_loop3A_247 = arith.constant 2 : i32
        %parallel_loop3A_248 = arith.addi %parallel_loop3A_246, %parallel_loop3A_247 : i32
        %parallel_loop3A_249 = vector.extract_strided_slice %parallel_loop3A_152 {offsets = [2], sizes = [1], strides = [1]} : vector<16xi32> to vector<1xi32>
        %parallel_loop3A_250 = vector.extract %parallel_loop3A_249[0] : i32 from vector<1xi32>
        %parallel_loop3A_251 = arith.constant 0 : i32
        %parallel_loop3A_252 = arith.addi %parallel_loop3A_250, %parallel_loop3A_251 : i32
        %parallel_loop3A_253 = arith.constant 0 : i32
        %parallel_loop3A_254 = arith.index_cast %parallel_loop3A_248 : i32 to index
        %parallel_loop3A_255 = arith.index_cast %parallel_loop3A_253 : i32 to index
        %parallel_loop3A_256 = arith.index_cast %parallel_loop3A_252 : i32 to index
        %parallel_loop3A_257 = tpu.vector_load %arg9[%parallel_loop3A_254, %parallel_loop3A_255, %parallel_loop3A_256] {strides = array<i32>} : memref<128x1x128xf32, #tpu.memory_space<vmem>>, vector<16xf32>,
        %parallel_loop3A_258 = arith.index_cast %parallel_loop3A_248 : i32 to index
        %parallel_loop3A_259 = arith.constant 0 : index
        %parallel_loop3A_260 = tpu.vector_load %arg10[%parallel_loop3A_258, %parallel_loop3A_259] {strides = array<i32>} : memref<128x64xf32, #tpu.memory_space<vmem>>, vector<16xf32>,
        tpu.vector_store %arg10[%parallel_loop3A_258, %parallel_loop3A_259], %parallel_loop3A_257 {strides = array<i32>} : memref<128x64xf32, #tpu.memory_space<vmem>>, vector<16xf32>,
        %parallel_loop3A_261 = arith.constant 16 : i32
        %parallel_loop3A_262 = arith.addi %parallel_loop3A_250, %parallel_loop3A_261 : i32
        %parallel_loop3A_263 = arith.constant 0 : i32
        %parallel_loop3A_264 = arith.index_cast %parallel_loop3A_248 : i32 to index
        %parallel_loop3A_265 = arith.index_cast %parallel_loop3A_263 : i32 to index
        %parallel_loop3A_266 = arith.index_cast %parallel_loop3A_262 : i32 to index
        %parallel_loop3A_267 = tpu.vector_load %arg9[%parallel_loop3A_264, %parallel_loop3A_265, %parallel_loop3A_266] {strides = array<i32>} : memref<128x1x128xf32, #tpu.memory_space<vmem>>, vector<16xf32>,
        %parallel_loop3A_268 = arith.index_cast %parallel_loop3A_248 : i32 to index
        %parallel_loop3A_269 = arith.constant 16 : index
        %parallel_loop3A_270 = tpu.vector_load %arg10[%parallel_loop3A_268, %parallel_loop3A_269] {strides = array<i32>} : memref<128x64xf32, #tpu.memory_space<vmem>>, vector<16xf32>,
        tpu.vector_store %arg10[%parallel_loop3A_268, %parallel_loop3A_269], %parallel_loop3A_267 {strides = array<i32>} : memref<128x64xf32, #tpu.memory_space<vmem>>, vector<16xf32>,
        %parallel_loop3A_271 = arith.constant 32 : i32
        %parallel_loop3A_272 = arith.addi %parallel_loop3A_250, %parallel_loop3A_271 : i32
        %parallel_loop3A_273 = arith.constant 0 : i32
        %parallel_loop3A_274 = arith.index_cast %parallel_loop3A_248 : i32 to index
        %parallel_loop3A_275 = arith.index_cast %parallel_loop3A_273 : i32 to index
        %parallel_loop3A_276 = arith.index_cast %parallel_loop3A_272 : i32 to index
        %parallel_loop3A_277 = tpu.vector_load %arg9[%parallel_loop3A_274, %parallel_loop3A_275, %parallel_loop3A_276] {strides = array<i32>} : memref<128x1x128xf32, #tpu.memory_space<vmem>>, vector<16xf32>,
        %parallel_loop3A_278 = arith.index_cast %parallel_loop3A_248 : i32 to index
        %parallel_loop3A_279 = arith.constant 32 : index
        %parallel_loop3A_280 = tpu.vector_load %arg10[%parallel_loop3A_278, %parallel_loop3A_279] {strides = array<i32>} : memref<128x64xf32, #tpu.memory_space<vmem>>, vector<16xf32>,
        tpu.vector_store %arg10[%parallel_loop3A_278, %parallel_loop3A_279], %parallel_loop3A_277 {strides = array<i32>} : memref<128x64xf32, #tpu.memory_space<vmem>>, vector<16xf32>,
        %parallel_loop3A_281 = arith.constant 48 : i32
        %parallel_loop3A_282 = arith.addi %parallel_loop3A_250, %parallel_loop3A_281 : i32
        %parallel_loop3A_283 = arith.constant 0 : i32
        %parallel_loop3A_284 = arith.index_cast %parallel_loop3A_248 : i32 to index
        %parallel_loop3A_285 = arith.index_cast %parallel_loop3A_283 : i32 to index
        %parallel_loop3A_286 = arith.index_cast %parallel_loop3A_282 : i32 to index
        %parallel_loop3A_287 = tpu.vector_load %arg9[%parallel_loop3A_284, %parallel_loop3A_285, %parallel_loop3A_286] {strides = array<i32>} : memref<128x1x128xf32, #tpu.memory_space<vmem>>, vector<16xf32>,
        %parallel_loop3A_288 = arith.index_cast %parallel_loop3A_248 : i32 to index
        %parallel_loop3A_289 = arith.constant 48 : index
        %parallel_loop3A_290 = tpu.vector_load %arg10[%parallel_loop3A_288, %parallel_loop3A_289] {strides = array<i32>} : memref<128x64xf32, #tpu.memory_space<vmem>>, vector<16xf32>,
        tpu.vector_store %arg10[%parallel_loop3A_288, %parallel_loop3A_289], %parallel_loop3A_287 {strides = array<i32>} : memref<128x64xf32, #tpu.memory_space<vmem>>, vector<16xf32>,
        %parallel_loop3A_291 = arith.constant 16 : i32
        %parallel_loop3A_292 = arith.muli %parallel_loop3A_141, %parallel_loop3A_291 : i32
        %parallel_loop3A_293 = arith.constant 3 : i32
        %parallel_loop3A_294 = arith.addi %parallel_loop3A_292, %parallel_loop3A_293 : i32
        %parallel_loop3A_295 = vector.extract_strided_slice %parallel_loop3A_152 {offsets = [3], sizes = [1], strides = [1]} : vector<16xi32> to vector<1xi32>
        %parallel_loop3A_296 = vector.extract %parallel_loop3A_295[0] : i32 from vector<1xi32>
        %parallel_loop3A_297 = arith.constant 0 : i32
        %parallel_loop3A_298 = arith.addi %parallel_loop3A_296, %parallel_loop3A_297 : i32
        %parallel_loop3A_299 = arith.constant 0 : i32
        %parallel_loop3A_300 = arith.index_cast %parallel_loop3A_294 : i32 to index
        %parallel_loop3A_301 = arith.index_cast %parallel_loop3A_299 : i32 to index
        %parallel_loop3A_302 = arith.index_cast %parallel_loop3A_298 : i32 to index
        %parallel_loop3A_303 = tpu.vector_load %arg9[%parallel_loop3A_300, %parallel_loop3A_301, %parallel_loop3A_302] {strides = array<i32>} : memref<128x1x128xf32, #tpu.memory_space<vmem>>, vector<16xf32>,
        %parallel_loop3A_304 = arith.index_cast %parallel_loop3A_294 : i32 to index
        %parallel_loop3A_305 = arith.constant 0 : index
        %parallel_loop3A_306 = tpu.vector_load %arg10[%parallel_loop3A_304, %parallel_loop3A_305] {strides = array<i32>} : memref<128x64xf32, #tpu.memory_space<vmem>>, vector<16xf32>,
        tpu.vector_store %arg10[%parallel_loop3A_304, %parallel_loop3A_305], %parallel_loop3A_303 {strides = array<i32>} : memref<128x64xf32, #tpu.memory_space<vmem>>, vector<16xf32>,
        %parallel_loop3A_307 = arith.constant 16 : i32
        %parallel_loop3A_308 = arith.addi %parallel_loop3A_296, %parallel_loop3A_307 : i32
        %parallel_loop3A_309 = arith.constant 0 : i32
        %parallel_loop3A_310 = arith.index_cast %parallel_loop3A_294 : i32 to index
        %parallel_loop3A_311 = arith.index_cast %parallel_loop3A_309 : i32 to index
        %parallel_loop3A_312 = arith.index_cast %parallel_loop3A_308 : i32 to index
        %parallel_loop3A_313 = tpu.vector_load %arg9[%parallel_loop3A_310, %parallel_loop3A_311, %parallel_loop3A_312] {strides = array<i32>} : memref<128x1x128xf32, #tpu.memory_space<vmem>>, vector<16xf32>,
        %parallel_loop3A_314 = arith.index_cast %parallel_loop3A_294 : i32 to index
        %parallel_loop3A_315 = arith.constant 16 : index
        %parallel_loop3A_316 = tpu.vector_load %arg10[%parallel_loop3A_314, %parallel_loop3A_315] {strides = array<i32>} : memref<128x64xf32, #tpu.memory_space<vmem>>, vector<16xf32>,
        tpu.vector_store %arg10[%parallel_loop3A_314, %parallel_loop3A_315], %parallel_loop3A_313 {strides = array<i32>} : memref<128x64xf32, #tpu.memory_space<vmem>>, vector<16xf32>,
        %parallel_loop3A_317 = arith.constant 32 : i32
        %parallel_loop3A_318 = arith.addi %parallel_loop3A_296, %parallel_loop3A_317 : i32
        %parallel_loop3A_319 = arith.constant 0 : i32
        %parallel_loop3A_320 = arith.index_cast %parallel_loop3A_294 : i32 to index
        %parallel_loop3A_321 = arith.index_cast %parallel_loop3A_319 : i32 to index
        %parallel_loop3A_322 = arith.index_cast %parallel_loop3A_318 : i32 to index
        %parallel_loop3A_323 = tpu.vector_load %arg9[%parallel_loop3A_320, %parallel_loop3A_321, %parallel_loop3A_322] {strides = array<i32>} : memref<128x1x128xf32, #tpu.memory_space<vmem>>, vector<16xf32>,
        %parallel_loop3A_324 = arith.index_cast %parallel_loop3A_294 : i32 to index
        %parallel_loop3A_325 = arith.constant 32 : index
        %parallel_loop3A_326 = tpu.vector_load %arg10[%parallel_loop3A_324, %parallel_loop3A_325] {strides = array<i32>} : memref<128x64xf32, #tpu.memory_space<vmem>>, vector<16xf32>,
        tpu.vector_store %arg10[%parallel_loop3A_324, %parallel_loop3A_325], %parallel_loop3A_323 {strides = array<i32>} : memref<128x64xf32, #tpu.memory_space<vmem>>, vector<16xf32>,
        %parallel_loop3A_327 = arith.constant 48 : i32
        %parallel_loop3A_328 = arith.addi %parallel_loop3A_296, %parallel_loop3A_327 : i32
        %parallel_loop3A_329 = arith.constant 0 : i32
        %parallel_loop3A_330 = arith.index_cast %parallel_loop3A_294 : i32 to index
        %parallel_loop3A_331 = arith.index_cast %parallel_loop3A_329 : i32 to index
        %parallel_loop3A_332 = arith.index_cast %parallel_loop3A_328 : i32 to index
        %parallel_loop3A_333 = tpu.vector_load %arg9[%parallel_loop3A_330, %parallel_loop3A_331, %parallel_loop3A_332] {strides = array<i32>} : memref<128x1x128xf32, #tpu.memory_space<vmem>>, vector<16xf32>,
        %parallel_loop3A_334 = arith.index_cast %parallel_loop3A_294 : i32 to index
        %parallel_loop3A_335 = arith.constant 48 : index
        %parallel_loop3A_336 = tpu.vector_load %arg10[%parallel_loop3A_334, %parallel_loop3A_335] {strides = array<i32>} : memref<128x64xf32, #tpu.memory_space<vmem>>, vector<16xf32>,
        tpu.vector_store %arg10[%parallel_loop3A_334, %parallel_loop3A_335], %parallel_loop3A_333 {strides = array<i32>} : memref<128x64xf32, #tpu.memory_space<vmem>>, vector<16xf32>,
        %parallel_loop3A_337 = arith.constant 16 : i32
        %parallel_loop3A_338 = arith.muli %parallel_loop3A_141, %parallel_loop3A_337 : i32
        %parallel_loop3A_339 = arith.constant 4 : i32
        %parallel_loop3A_340 = arith.addi %parallel_loop3A_338, %parallel_loop3A_339 : i32
        %parallel_loop3A_341 = vector.extract_strided_slice %parallel_loop3A_152 {offsets = [4], sizes = [1], strides = [1]} : vector<16xi32> to vector<1xi32>
        %parallel_loop3A_342 = vector.extract %parallel_loop3A_341[0] : i32 from vector<1xi32>
        %parallel_loop3A_343 = arith.constant 0 : i32
        %parallel_loop3A_344 = arith.addi %parallel_loop3A_342, %parallel_loop3A_343 : i32
        %parallel_loop3A_345 = arith.constant 0 : i32
        %parallel_loop3A_346 = arith.index_cast %parallel_loop3A_340 : i32 to index
        %parallel_loop3A_347 = arith.index_cast %parallel_loop3A_345 : i32 to index
        %parallel_loop3A_348 = arith.index_cast %parallel_loop3A_344 : i32 to index
        %parallel_loop3A_349 = tpu.vector_load %arg9[%parallel_loop3A_346, %parallel_loop3A_347, %parallel_loop3A_348] {strides = array<i32>} : memref<128x1x128xf32, #tpu.memory_space<vmem>>, vector<16xf32>,
        %parallel_loop3A_350 = arith.index_cast %parallel_loop3A_340 : i32 to index
        %parallel_loop3A_351 = arith.constant 0 : index
        %parallel_loop3A_352 = tpu.vector_load %arg10[%parallel_loop3A_350, %parallel_loop3A_351] {strides = array<i32>} : memref<128x64xf32, #tpu.memory_space<vmem>>, vector<16xf32>,
        tpu.vector_store %arg10[%parallel_loop3A_350, %parallel_loop3A_351], %parallel_loop3A_349 {strides = array<i32>} : memref<128x64xf32, #tpu.memory_space<vmem>>, vector<16xf32>,
        %parallel_loop3A_353 = arith.constant 16 : i32
        %parallel_loop3A_354 = arith.addi %parallel_loop3A_342, %parallel_loop3A_353 : i32
        %parallel_loop3A_355 = arith.constant 0 : i32
        %parallel_loop3A_356 = arith.index_cast %parallel_loop3A_340 : i32 to index
        %parallel_loop3A_357 = arith.index_cast %parallel_loop3A_355 : i32 to index
        %parallel_loop3A_358 = arith.index_cast %parallel_loop3A_354 : i32 to index
        %parallel_loop3A_359 = tpu.vector_load %arg9[%parallel_loop3A_356, %parallel_loop3A_357, %parallel_loop3A_358] {strides = array<i32>} : memref<128x1x128xf32, #tpu.memory_space<vmem>>, vector<16xf32>,
        %parallel_loop3A_360 = arith.index_cast %parallel_loop3A_340 : i32 to index
        %parallel_loop3A_361 = arith.constant 16 : index
        %parallel_loop3A_362 = tpu.vector_load %arg10[%parallel_loop3A_360, %parallel_loop3A_361] {strides = array<i32>} : memref<128x64xf32, #tpu.memory_space<vmem>>, vector<16xf32>,
        tpu.vector_store %arg10[%parallel_loop3A_360, %parallel_loop3A_361], %parallel_loop3A_359 {strides = array<i32>} : memref<128x64xf32, #tpu.memory_space<vmem>>, vector<16xf32>,
        %parallel_loop3A_363 = arith.constant 32 : i32
        %parallel_loop3A_364 = arith.addi %parallel_loop3A_342, %parallel_loop3A_363 : i32
        %parallel_loop3A_365 = arith.constant 0 : i32
        %parallel_loop3A_366 = arith.index_cast %parallel_loop3A_340 : i32 to index
        %parallel_loop3A_367 = arith.index_cast %parallel_loop3A_365 : i32 to index
        %parallel_loop3A_368 = arith.index_cast %parallel_loop3A_364 : i32 to index
        %parallel_loop3A_369 = tpu.vector_load %arg9[%parallel_loop3A_366, %parallel_loop3A_367, %parallel_loop3A_368] {strides = array<i32>} : memref<128x1x128xf32, #tpu.memory_space<vmem>>, vector<16xf32>,
        %parallel_loop3A_370 = arith.index_cast %parallel_loop3A_340 : i32 to index
        %parallel_loop3A_371 = arith.constant 32 : index
        %parallel_loop3A_372 = tpu.vector_load %arg10[%parallel_loop3A_370, %parallel_loop3A_371] {strides = array<i32>} : memref<128x64xf32, #tpu.memory_space<vmem>>, vector<16xf32>,
        tpu.vector_store %arg10[%parallel_loop3A_370, %parallel_loop3A_371], %parallel_loop3A_369 {strides = array<i32>} : memref<128x64xf32, #tpu.memory_space<vmem>>, vector<16xf32>,
        %parallel_loop3A_373 = arith.constant 48 : i32
        %parallel_loop3A_374 = arith.addi %parallel_loop3A_342, %parallel_loop3A_373 : i32
        %parallel_loop3A_375 = arith.constant 0 : i32
        %parallel_loop3A_376 = arith.index_cast %parallel_loop3A_340 : i32 to index
        %parallel_loop3A_377 = arith.index_cast %parallel_loop3A_375 : i32 to index
        %parallel_loop3A_378 = arith.index_cast %parallel_loop3A_374 : i32 to index
        %parallel_loop3A_379 = tpu.vector_load %arg9[%parallel_loop3A_376, %parallel_loop3A_377, %parallel_loop3A_378] {strides = array<i32>} : memref<128x1x128xf32, #tpu.memory_space<vmem>>, vector<16xf32>,
        %parallel_loop3A_380 = arith.index_cast %parallel_loop3A_340 : i32 to index
        %parallel_loop3A_381 = arith.constant 48 : index
        %parallel_loop3A_382 = tpu.vector_load %arg10[%parallel_loop3A_380, %parallel_loop3A_381] {strides = array<i32>} : memref<128x64xf32, #tpu.memory_space<vmem>>, vector<16xf32>,
        tpu.vector_store %arg10[%parallel_loop3A_380, %parallel_loop3A_381], %parallel_loop3A_379 {strides = array<i32>} : memref<128x64xf32, #tpu.memory_space<vmem>>, vector<16xf32>,
        %parallel_loop3A_383 = arith.constant 16 : i32
        %parallel_loop3A_384 = arith.muli %parallel_loop3A_141, %parallel_loop3A_383 : i32
        %parallel_loop3A_385 = arith.constant 5 : i32
        %parallel_loop3A_386 = arith.addi %parallel_loop3A_384, %parallel_loop3A_385 : i32
        %parallel_loop3A_387 = vector.extract_strided_slice %parallel_loop3A_152 {offsets = [5], sizes = [1], strides = [1]} : vector<16xi32> to vector<1xi32>
        %parallel_loop3A_388 = vector.extract %parallel_loop3A_387[0] : i32 from vector<1xi32>
        %parallel_loop3A_389 = arith.constant 0 : i32
        %parallel_loop3A_390 = arith.addi %parallel_loop3A_388, %parallel_loop3A_389 : i32
        %parallel_loop3A_391 = arith.constant 0 : i32
        %parallel_loop3A_392 = arith.index_cast %parallel_loop3A_386 : i32 to index
        %parallel_loop3A_393 = arith.index_cast %parallel_loop3A_391 : i32 to index
        %parallel_loop3A_394 = arith.index_cast %parallel_loop3A_390 : i32 to index
        %parallel_loop3A_395 = tpu.vector_load %arg9[%parallel_loop3A_392, %parallel_loop3A_393, %parallel_loop3A_394] {strides = array<i32>} : memref<128x1x128xf32, #tpu.memory_space<vmem>>, vector<16xf32>,
        %parallel_loop3A_396 = arith.index_cast %parallel_loop3A_386 : i32 to index
        %parallel_loop3A_397 = arith.constant 0 : index
        %parallel_loop3A_398 = tpu.vector_load %arg10[%parallel_loop3A_396, %parallel_loop3A_397] {strides = array<i32>} : memref<128x64xf32, #tpu.memory_space<vmem>>, vector<16xf32>,
        tpu.vector_store %arg10[%parallel_loop3A_396, %parallel_loop3A_397], %parallel_loop3A_395 {strides = array<i32>} : memref<128x64xf32, #tpu.memory_space<vmem>>, vector<16xf32>,
        %parallel_loop3A_399 = arith.constant 16 : i32
        %parallel_loop3A_400 = arith.addi %parallel_loop3A_388, %parallel_loop3A_399 : i32
        %parallel_loop3A_401 = arith.constant 0 : i32
        %parallel_loop3A_402 = arith.index_cast %parallel_loop3A_386 : i32 to index
        %parallel_loop3A_403 = arith.index_cast %parallel_loop3A_401 : i32 to index
        %parallel_loop3A_404 = arith.index_cast %parallel_loop3A_400 : i32 to index
        %parallel_loop3A_405 = tpu.vector_load %arg9[%parallel_loop3A_402, %parallel_loop3A_403, %parallel_loop3A_404] {strides = array<i32>} : memref<128x1x128xf32, #tpu.memory_space<vmem>>, vector<16xf32>,
        %parallel_loop3A_406 = arith.index_cast %parallel_loop3A_386 : i32 to index
        %parallel_loop3A_407 = arith.constant 16 : index
        %parallel_loop3A_408 = tpu.vector_load %arg10[%parallel_loop3A_406, %parallel_loop3A_407] {strides = array<i32>} : memref<128x64xf32, #tpu.memory_space<vmem>>, vector<16xf32>,
        tpu.vector_store %arg10[%parallel_loop3A_406, %parallel_loop3A_407], %parallel_loop3A_405 {strides = array<i32>} : memref<128x64xf32, #tpu.memory_space<vmem>>, vector<16xf32>,
        %parallel_loop3A_409 = arith.constant 32 : i32
        %parallel_loop3A_410 = arith.addi %parallel_loop3A_388, %parallel_loop3A_409 : i32
        %parallel_loop3A_411 = arith.constant 0 : i32
        %parallel_loop3A_412 = arith.index_cast %parallel_loop3A_386 : i32 to index
        %parallel_loop3A_413 = arith.index_cast %parallel_loop3A_411 : i32 to index
        %parallel_loop3A_414 = arith.index_cast %parallel_loop3A_410 : i32 to index
        %parallel_loop3A_415 = tpu.vector_load %arg9[%parallel_loop3A_412, %parallel_loop3A_413, %parallel_loop3A_414] {strides = array<i32>} : memref<128x1x128xf32, #tpu.memory_space<vmem>>, vector<16xf32>,
        %parallel_loop3A_416 = arith.index_cast %parallel_loop3A_386 : i32 to index
        %parallel_loop3A_417 = arith.constant 32 : index
        %parallel_loop3A_418 = tpu.vector_load %arg10[%parallel_loop3A_416, %parallel_loop3A_417] {strides = array<i32>} : memref<128x64xf32, #tpu.memory_space<vmem>>, vector<16xf32>,
        tpu.vector_store %arg10[%parallel_loop3A_416, %parallel_loop3A_417], %parallel_loop3A_415 {strides = array<i32>} : memref<128x64xf32, #tpu.memory_space<vmem>>, vector<16xf32>,
        %parallel_loop3A_419 = arith.constant 48 : i32
        %parallel_loop3A_420 = arith.addi %parallel_loop3A_388, %parallel_loop3A_419 : i32
        %parallel_loop3A_421 = arith.constant 0 : i32
        %parallel_loop3A_422 = arith.index_cast %parallel_loop3A_386 : i32 to index
        %parallel_loop3A_423 = arith.index_cast %parallel_loop3A_421 : i32 to index
        %parallel_loop3A_424 = arith.index_cast %parallel_loop3A_420 : i32 to index
        %parallel_loop3A_425 = tpu.vector_load %arg9[%parallel_loop3A_422, %parallel_loop3A_423, %parallel_loop3A_424] {strides = array<i32>} : memref<128x1x128xf32, #tpu.memory_space<vmem>>, vector<16xf32>,
        %parallel_loop3A_426 = arith.index_cast %parallel_loop3A_386 : i32 to index
        %parallel_loop3A_427 = arith.constant 48 : index
        %parallel_loop3A_428 = tpu.vector_load %arg10[%parallel_loop3A_426, %parallel_loop3A_427] {strides = array<i32>} : memref<128x64xf32, #tpu.memory_space<vmem>>, vector<16xf32>,
        tpu.vector_store %arg10[%parallel_loop3A_426, %parallel_loop3A_427], %parallel_loop3A_425 {strides = array<i32>} : memref<128x64xf32, #tpu.memory_space<vmem>>, vector<16xf32>,
        %parallel_loop3A_429 = arith.constant 16 : i32
        %parallel_loop3A_430 = arith.muli %parallel_loop3A_141, %parallel_loop3A_429 : i32
        %parallel_loop3A_431 = arith.constant 6 : i32
        %parallel_loop3A_432 = arith.addi %parallel_loop3A_430, %parallel_loop3A_431 : i32
        %parallel_loop3A_433 = vector.extract_strided_slice %parallel_loop3A_152 {offsets = [6], sizes = [1], strides = [1]} : vector<16xi32> to vector<1xi32>
        %parallel_loop3A_434 = vector.extract %parallel_loop3A_433[0] : i32 from vector<1xi32>
        %parallel_loop3A_435 = arith.constant 0 : i32
        %parallel_loop3A_436 = arith.addi %parallel_loop3A_434, %parallel_loop3A_435 : i32
        %parallel_loop3A_437 = arith.constant 0 : i32
        %parallel_loop3A_438 = arith.index_cast %parallel_loop3A_432 : i32 to index
        %parallel_loop3A_439 = arith.index_cast %parallel_loop3A_437 : i32 to index
        %parallel_loop3A_440 = arith.index_cast %parallel_loop3A_436 : i32 to index
        %parallel_loop3A_441 = tpu.vector_load %arg9[%parallel_loop3A_438, %parallel_loop3A_439, %parallel_loop3A_440] {strides = array<i32>} : memref<128x1x128xf32, #tpu.memory_space<vmem>>, vector<16xf32>,
        %parallel_loop3A_442 = arith.index_cast %parallel_loop3A_432 : i32 to index
        %parallel_loop3A_443 = arith.constant 0 : index
        %parallel_loop3A_444 = tpu.vector_load %arg10[%parallel_loop3A_442, %parallel_loop3A_443] {strides = array<i32>} : memref<128x64xf32, #tpu.memory_space<vmem>>, vector<16xf32>,
        tpu.vector_store %arg10[%parallel_loop3A_442, %parallel_loop3A_443], %parallel_loop3A_441 {strides = array<i32>} : memref<128x64xf32, #tpu.memory_space<vmem>>, vector<16xf32>,
        %parallel_loop3A_445 = arith.constant 16 : i32
        %parallel_loop3A_446 = arith.addi %parallel_loop3A_434, %parallel_loop3A_445 : i32
        %parallel_loop3A_447 = arith.constant 0 : i32
        %parallel_loop3A_448 = arith.index_cast %parallel_loop3A_432 : i32 to index
        %parallel_loop3A_449 = arith.index_cast %parallel_loop3A_447 : i32 to index
        %parallel_loop3A_450 = arith.index_cast %parallel_loop3A_446 : i32 to index
        %parallel_loop3A_451 = tpu.vector_load %arg9[%parallel_loop3A_448, %parallel_loop3A_449, %parallel_loop3A_450] {strides = array<i32>} : memref<128x1x128xf32, #tpu.memory_space<vmem>>, vector<16xf32>,
        %parallel_loop3A_452 = arith.index_cast %parallel_loop3A_432 : i32 to index
        %parallel_loop3A_453 = arith.constant 16 : index
        %parallel_loop3A_454 = tpu.vector_load %arg10[%parallel_loop3A_452, %parallel_loop3A_453] {strides = array<i32>} : memref<128x64xf32, #tpu.memory_space<vmem>>, vector<16xf32>,
        tpu.vector_store %arg10[%parallel_loop3A_452, %parallel_loop3A_453], %parallel_loop3A_451 {strides = array<i32>} : memref<128x64xf32, #tpu.memory_space<vmem>>, vector<16xf32>,
        %parallel_loop3A_455 = arith.constant 32 : i32
        %parallel_loop3A_456 = arith.addi %parallel_loop3A_434, %parallel_loop3A_455 : i32
        %parallel_loop3A_457 = arith.constant 0 : i32
        %parallel_loop3A_458 = arith.index_cast %parallel_loop3A_432 : i32 to index
        %parallel_loop3A_459 = arith.index_cast %parallel_loop3A_457 : i32 to index
        %parallel_loop3A_460 = arith.index_cast %parallel_loop3A_456 : i32 to index
        %parallel_loop3A_461 = tpu.vector_load %arg9[%parallel_loop3A_458, %parallel_loop3A_459, %parallel_loop3A_460] {strides = array<i32>} : memref<128x1x128xf32, #tpu.memory_space<vmem>>, vector<16xf32>,
        %parallel_loop3A_462 = arith.index_cast %parallel_loop3A_432 : i32 to index
        %parallel_loop3A_463 = arith.constant 32 : index
        %parallel_loop3A_464 = tpu.vector_load %arg10[%parallel_loop3A_462, %parallel_loop3A_463] {strides = array<i32>} : memref<128x64xf32, #tpu.memory_space<vmem>>, vector<16xf32>,
        tpu.vector_store %arg10[%parallel_loop3A_462, %parallel_loop3A_463], %parallel_loop3A_461 {strides = array<i32>} : memref<128x64xf32, #tpu.memory_space<vmem>>, vector<16xf32>,
        %parallel_loop3A_465 = arith.constant 48 : i32
        %parallel_loop3A_466 = arith.addi %parallel_loop3A_434, %parallel_loop3A_465 : i32
        %parallel_loop3A_467 = arith.constant 0 : i32
        %parallel_loop3A_468 = arith.index_cast %parallel_loop3A_432 : i32 to index
        %parallel_loop3A_469 = arith.index_cast %parallel_loop3A_467 : i32 to index
        %parallel_loop3A_470 = arith.index_cast %parallel_loop3A_466 : i32 to index
        %parallel_loop3A_471 = tpu.vector_load %arg9[%parallel_loop3A_468, %parallel_loop3A_469, %parallel_loop3A_470] {strides = array<i32>} : memref<128x1x128xf32, #tpu.memory_space<vmem>>, vector<16xf32>,
        %parallel_loop3A_472 = arith.index_cast %parallel_loop3A_432 : i32 to index
        %parallel_loop3A_473 = arith.constant 48 : index
        %parallel_loop3A_474 = tpu.vector_load %arg10[%parallel_loop3A_472, %parallel_loop3A_473] {strides = array<i32>} : memref<128x64xf32, #tpu.memory_space<vmem>>, vector<16xf32>,
        tpu.vector_store %arg10[%parallel_loop3A_472, %parallel_loop3A_473], %parallel_loop3A_471 {strides = array<i32>} : memref<128x64xf32, #tpu.memory_space<vmem>>, vector<16xf32>,
        %parallel_loop3A_475 = arith.constant 16 : i32
        %parallel_loop3A_476 = arith.muli %parallel_loop3A_141, %parallel_loop3A_475 : i32
        %parallel_loop3A_477 = arith.constant 7 : i32
        %parallel_loop3A_478 = arith.addi %parallel_loop3A_476, %parallel_loop3A_477 : i32
        %parallel_loop3A_479 = vector.extract_strided_slice %parallel_loop3A_152 {offsets = [7], sizes = [1], strides = [1]} : vector<16xi32> to vector<1xi32>
        %parallel_loop3A_480 = vector.extract %parallel_loop3A_479[0] : i32 from vector<1xi32>
        %parallel_loop3A_481 = arith.constant 0 : i32
        %parallel_loop3A_482 = arith.addi %parallel_loop3A_480, %parallel_loop3A_481 : i32
        %parallel_loop3A_483 = arith.constant 0 : i32
        %parallel_loop3A_484 = arith.index_cast %parallel_loop3A_478 : i32 to index
        %parallel_loop3A_485 = arith.index_cast %parallel_loop3A_483 : i32 to index
        %parallel_loop3A_486 = arith.index_cast %parallel_loop3A_482 : i32 to index
        %parallel_loop3A_487 = tpu.vector_load %arg9[%parallel_loop3A_484, %parallel_loop3A_485, %parallel_loop3A_486] {strides = array<i32>} : memref<128x1x128xf32, #tpu.memory_space<vmem>>, vector<16xf32>,
        %parallel_loop3A_488 = arith.index_cast %parallel_loop3A_478 : i32 to index
        %parallel_loop3A_489 = arith.constant 0 : index
        %parallel_loop3A_490 = tpu.vector_load %arg10[%parallel_loop3A_488, %parallel_loop3A_489] {strides = array<i32>} : memref<128x64xf32, #tpu.memory_space<vmem>>, vector<16xf32>,
        tpu.vector_store %arg10[%parallel_loop3A_488, %parallel_loop3A_489], %parallel_loop3A_487 {strides = array<i32>} : memref<128x64xf32, #tpu.memory_space<vmem>>, vector<16xf32>,
        %parallel_loop3A_491 = arith.constant 16 : i32
        %parallel_loop3A_492 = arith.addi %parallel_loop3A_480, %parallel_loop3A_491 : i32
        %parallel_loop3A_493 = arith.constant 0 : i32
        %parallel_loop3A_494 = arith.index_cast %parallel_loop3A_478 : i32 to index
        %parallel_loop3A_495 = arith.index_cast %parallel_loop3A_493 : i32 to index
        %parallel_loop3A_496 = arith.index_cast %parallel_loop3A_492 : i32 to index
        %parallel_loop3A_497 = tpu.vector_load %arg9[%parallel_loop3A_494, %parallel_loop3A_495, %parallel_loop3A_496] {strides = array<i32>} : memref<128x1x128xf32, #tpu.memory_space<vmem>>, vector<16xf32>,
        %parallel_loop3A_498 = arith.index_cast %parallel_loop3A_478 : i32 to index
        %parallel_loop3A_499 = arith.constant 16 : index
        %parallel_loop3A_500 = tpu.vector_load %arg10[%parallel_loop3A_498, %parallel_loop3A_499] {strides = array<i32>} : memref<128x64xf32, #tpu.memory_space<vmem>>, vector<16xf32>,
        tpu.vector_store %arg10[%parallel_loop3A_498, %parallel_loop3A_499], %parallel_loop3A_497 {strides = array<i32>} : memref<128x64xf32, #tpu.memory_space<vmem>>, vector<16xf32>,
        %parallel_loop3A_501 = arith.constant 32 : i32
        %parallel_loop3A_502 = arith.addi %parallel_loop3A_480, %parallel_loop3A_501 : i32
        %parallel_loop3A_503 = arith.constant 0 : i32
        %parallel_loop3A_504 = arith.index_cast %parallel_loop3A_478 : i32 to index
        %parallel_loop3A_505 = arith.index_cast %parallel_loop3A_503 : i32 to index
        %parallel_loop3A_506 = arith.index_cast %parallel_loop3A_502 : i32 to index
        %parallel_loop3A_507 = tpu.vector_load %arg9[%parallel_loop3A_504, %parallel_loop3A_505, %parallel_loop3A_506] {strides = array<i32>} : memref<128x1x128xf32, #tpu.memory_space<vmem>>, vector<16xf32>,
        %parallel_loop3A_508 = arith.index_cast %parallel_loop3A_478 : i32 to index
        %parallel_loop3A_509 = arith.constant 32 : index
        %parallel_loop3A_510 = tpu.vector_load %arg10[%parallel_loop3A_508, %parallel_loop3A_509] {strides = array<i32>} : memref<128x64xf32, #tpu.memory_space<vmem>>, vector<16xf32>,
        tpu.vector_store %arg10[%parallel_loop3A_508, %parallel_loop3A_509], %parallel_loop3A_507 {strides = array<i32>} : memref<128x64xf32, #tpu.memory_space<vmem>>, vector<16xf32>,
        %parallel_loop3A_511 = arith.constant 48 : i32
        %parallel_loop3A_512 = arith.addi %parallel_loop3A_480, %parallel_loop3A_511 : i32
        %parallel_loop3A_513 = arith.constant 0 : i32
        %parallel_loop3A_514 = arith.index_cast %parallel_loop3A_478 : i32 to index
        %parallel_loop3A_515 = arith.index_cast %parallel_loop3A_513 : i32 to index
        %parallel_loop3A_516 = arith.index_cast %parallel_loop3A_512 : i32 to index
        %parallel_loop3A_517 = tpu.vector_load %arg9[%parallel_loop3A_514, %parallel_loop3A_515, %parallel_loop3A_516] {strides = array<i32>} : memref<128x1x128xf32, #tpu.memory_space<vmem>>, vector<16xf32>,
        %parallel_loop3A_518 = arith.index_cast %parallel_loop3A_478 : i32 to index
        %parallel_loop3A_519 = arith.constant 48 : index
        %parallel_loop3A_520 = tpu.vector_load %arg10[%parallel_loop3A_518, %parallel_loop3A_519] {strides = array<i32>} : memref<128x64xf32, #tpu.memory_space<vmem>>, vector<16xf32>,
        tpu.vector_store %arg10[%parallel_loop3A_518, %parallel_loop3A_519], %parallel_loop3A_517 {strides = array<i32>} : memref<128x64xf32, #tpu.memory_space<vmem>>, vector<16xf32>,
        %parallel_loop3A_521 = arith.constant 16 : i32
        %parallel_loop3A_522 = arith.muli %parallel_loop3A_141, %parallel_loop3A_521 : i32
        %parallel_loop3A_523 = arith.constant 8 : i32
        %parallel_loop3A_524 = arith.addi %parallel_loop3A_522, %parallel_loop3A_523 : i32
        %parallel_loop3A_525 = vector.extract_strided_slice %parallel_loop3A_152 {offsets = [8], sizes = [1], strides = [1]} : vector<16xi32> to vector<1xi32>
        %parallel_loop3A_526 = vector.extract %parallel_loop3A_525[0] : i32 from vector<1xi32>
        %parallel_loop3A_527 = arith.constant 0 : i32
        %parallel_loop3A_528 = arith.addi %parallel_loop3A_526, %parallel_loop3A_527 : i32
        %parallel_loop3A_529 = arith.constant 0 : i32
        %parallel_loop3A_530 = arith.index_cast %parallel_loop3A_524 : i32 to index
        %parallel_loop3A_531 = arith.index_cast %parallel_loop3A_529 : i32 to index
        %parallel_loop3A_532 = arith.index_cast %parallel_loop3A_528 : i32 to index
        %parallel_loop3A_533 = tpu.vector_load %arg9[%parallel_loop3A_530, %parallel_loop3A_531, %parallel_loop3A_532] {strides = array<i32>} : memref<128x1x128xf32, #tpu.memory_space<vmem>>, vector<16xf32>,
        %parallel_loop3A_534 = arith.index_cast %parallel_loop3A_524 : i32 to index
        %parallel_loop3A_535 = arith.constant 0 : index
        %parallel_loop3A_536 = tpu.vector_load %arg10[%parallel_loop3A_534, %parallel_loop3A_535] {strides = array<i32>} : memref<128x64xf32, #tpu.memory_space<vmem>>, vector<16xf32>,
        tpu.vector_store %arg10[%parallel_loop3A_534, %parallel_loop3A_535], %parallel_loop3A_533 {strides = array<i32>} : memref<128x64xf32, #tpu.memory_space<vmem>>, vector<16xf32>,
        %parallel_loop3A_537 = arith.constant 16 : i32
        %parallel_loop3A_538 = arith.addi %parallel_loop3A_526, %parallel_loop3A_537 : i32
        %parallel_loop3A_539 = arith.constant 0 : i32
        %parallel_loop3A_540 = arith.index_cast %parallel_loop3A_524 : i32 to index
        %parallel_loop3A_541 = arith.index_cast %parallel_loop3A_539 : i32 to index
        %parallel_loop3A_542 = arith.index_cast %parallel_loop3A_538 : i32 to index
        %parallel_loop3A_543 = tpu.vector_load %arg9[%parallel_loop3A_540, %parallel_loop3A_541, %parallel_loop3A_542] {strides = array<i32>} : memref<128x1x128xf32, #tpu.memory_space<vmem>>, vector<16xf32>,
        %parallel_loop3A_544 = arith.index_cast %parallel_loop3A_524 : i32 to index
        %parallel_loop3A_545 = arith.constant 16 : index
        %parallel_loop3A_546 = tpu.vector_load %arg10[%parallel_loop3A_544, %parallel_loop3A_545] {strides = array<i32>} : memref<128x64xf32, #tpu.memory_space<vmem>>, vector<16xf32>,
        tpu.vector_store %arg10[%parallel_loop3A_544, %parallel_loop3A_545], %parallel_loop3A_543 {strides = array<i32>} : memref<128x64xf32, #tpu.memory_space<vmem>>, vector<16xf32>,
        %parallel_loop3A_547 = arith.constant 32 : i32
        %parallel_loop3A_548 = arith.addi %parallel_loop3A_526, %parallel_loop3A_547 : i32
        %parallel_loop3A_549 = arith.constant 0 : i32
        %parallel_loop3A_550 = arith.index_cast %parallel_loop3A_524 : i32 to index
        %parallel_loop3A_551 = arith.index_cast %parallel_loop3A_549 : i32 to index
        %parallel_loop3A_552 = arith.index_cast %parallel_loop3A_548 : i32 to index
        %parallel_loop3A_553 = tpu.vector_load %arg9[%parallel_loop3A_550, %parallel_loop3A_551, %parallel_loop3A_552] {strides = array<i32>} : memref<128x1x128xf32, #tpu.memory_space<vmem>>, vector<16xf32>,
        %parallel_loop3A_554 = arith.index_cast %parallel_loop3A_524 : i32 to index
        %parallel_loop3A_555 = arith.constant 32 : index
        %parallel_loop3A_556 = tpu.vector_load %arg10[%parallel_loop3A_554, %parallel_loop3A_555] {strides = array<i32>} : memref<128x64xf32, #tpu.memory_space<vmem>>, vector<16xf32>,
        tpu.vector_store %arg10[%parallel_loop3A_554, %parallel_loop3A_555], %parallel_loop3A_553 {strides = array<i32>} : memref<128x64xf32, #tpu.memory_space<vmem>>, vector<16xf32>,
        %parallel_loop3A_557 = arith.constant 48 : i32
        %parallel_loop3A_558 = arith.addi %parallel_loop3A_526, %parallel_loop3A_557 : i32
        %parallel_loop3A_559 = arith.constant 0 : i32
        %parallel_loop3A_560 = arith.index_cast %parallel_loop3A_524 : i32 to index
        %parallel_loop3A_561 = arith.index_cast %parallel_loop3A_559 : i32 to index
        %parallel_loop3A_562 = arith.index_cast %parallel_loop3A_558 : i32 to index
        %parallel_loop3A_563 = tpu.vector_load %arg9[%parallel_loop3A_560, %parallel_loop3A_561, %parallel_loop3A_562] {strides = array<i32>} : memref<128x1x128xf32, #tpu.memory_space<vmem>>, vector<16xf32>,
        %parallel_loop3A_564 = arith.index_cast %parallel_loop3A_524 : i32 to index
        %parallel_loop3A_565 = arith.constant 48 : index
        %parallel_loop3A_566 = tpu.vector_load %arg10[%parallel_loop3A_564, %parallel_loop3A_565] {strides = array<i32>} : memref<128x64xf32, #tpu.memory_space<vmem>>, vector<16xf32>,
        tpu.vector_store %arg10[%parallel_loop3A_564, %parallel_loop3A_565], %parallel_loop3A_563 {strides = array<i32>} : memref<128x64xf32, #tpu.memory_space<vmem>>, vector<16xf32>,
        %parallel_loop3A_567 = arith.constant 16 : i32
        %parallel_loop3A_568 = arith.muli %parallel_loop3A_141, %parallel_loop3A_567 : i32
        %parallel_loop3A_569 = arith.constant 9 : i32
        %parallel_loop3A_570 = arith.addi %parallel_loop3A_568, %parallel_loop3A_569 : i32
        %parallel_loop3A_571 = vector.extract_strided_slice %parallel_loop3A_152 {offsets = [9], sizes = [1], strides = [1]} : vector<16xi32> to vector<1xi32>
        %parallel_loop3A_572 = vector.extract %parallel_loop3A_571[0] : i32 from vector<1xi32>
        %parallel_loop3A_573 = arith.constant 0 : i32
        %parallel_loop3A_574 = arith.addi %parallel_loop3A_572, %parallel_loop3A_573 : i32
        %parallel_loop3A_575 = arith.constant 0 : i32
        %parallel_loop3A_576 = arith.index_cast %parallel_loop3A_570 : i32 to index
        %parallel_loop3A_577 = arith.index_cast %parallel_loop3A_575 : i32 to index
        %parallel_loop3A_578 = arith.index_cast %parallel_loop3A_574 : i32 to index
        %parallel_loop3A_579 = tpu.vector_load %arg9[%parallel_loop3A_576, %parallel_loop3A_577, %parallel_loop3A_578] {strides = array<i32>} : memref<128x1x128xf32, #tpu.memory_space<vmem>>, vector<16xf32>,
        %parallel_loop3A_580 = arith.index_cast %parallel_loop3A_570 : i32 to index
        %parallel_loop3A_581 = arith.constant 0 : index
        %parallel_loop3A_582 = tpu.vector_load %arg10[%parallel_loop3A_580, %parallel_loop3A_581] {strides = array<i32>} : memref<128x64xf32, #tpu.memory_space<vmem>>, vector<16xf32>,
        tpu.vector_store %arg10[%parallel_loop3A_580, %parallel_loop3A_581], %parallel_loop3A_579 {strides = array<i32>} : memref<128x64xf32, #tpu.memory_space<vmem>>, vector<16xf32>,
        %parallel_loop3A_583 = arith.constant 16 : i32
        %parallel_loop3A_584 = arith.addi %parallel_loop3A_572, %parallel_loop3A_583 : i32
        %parallel_loop3A_585 = arith.constant 0 : i32
        %parallel_loop3A_586 = arith.index_cast %parallel_loop3A_570 : i32 to index
        %parallel_loop3A_587 = arith.index_cast %parallel_loop3A_585 : i32 to index
        %parallel_loop3A_588 = arith.index_cast %parallel_loop3A_584 : i32 to index
        %parallel_loop3A_589 = tpu.vector_load %arg9[%parallel_loop3A_586, %parallel_loop3A_587, %parallel_loop3A_588] {strides = array<i32>} : memref<128x1x128xf32, #tpu.memory_space<vmem>>, vector<16xf32>,
        %parallel_loop3A_590 = arith.index_cast %parallel_loop3A_570 : i32 to index
        %parallel_loop3A_591 = arith.constant 16 : index
        %parallel_loop3A_592 = tpu.vector_load %arg10[%parallel_loop3A_590, %parallel_loop3A_591] {strides = array<i32>} : memref<128x64xf32, #tpu.memory_space<vmem>>, vector<16xf32>,
        tpu.vector_store %arg10[%parallel_loop3A_590, %parallel_loop3A_591], %parallel_loop3A_589 {strides = array<i32>} : memref<128x64xf32, #tpu.memory_space<vmem>>, vector<16xf32>,
        %parallel_loop3A_593 = arith.constant 32 : i32
        %parallel_loop3A_594 = arith.addi %parallel_loop3A_572, %parallel_loop3A_593 : i32
        %parallel_loop3A_595 = arith.constant 0 : i32
        %parallel_loop3A_596 = arith.index_cast %parallel_loop3A_570 : i32 to index
        %parallel_loop3A_597 = arith.index_cast %parallel_loop3A_595 : i32 to index
        %parallel_loop3A_598 = arith.index_cast %parallel_loop3A_594 : i32 to index
        %parallel_loop3A_599 = tpu.vector_load %arg9[%parallel_loop3A_596, %parallel_loop3A_597, %parallel_loop3A_598] {strides = array<i32>} : memref<128x1x128xf32, #tpu.memory_space<vmem>>, vector<16xf32>,
        %parallel_loop3A_600 = arith.index_cast %parallel_loop3A_570 : i32 to index
        %parallel_loop3A_601 = arith.constant 32 : index
        %parallel_loop3A_602 = tpu.vector_load %arg10[%parallel_loop3A_600, %parallel_loop3A_601] {strides = array<i32>} : memref<128x64xf32, #tpu.memory_space<vmem>>, vector<16xf32>,
        tpu.vector_store %arg10[%parallel_loop3A_600, %parallel_loop3A_601], %parallel_loop3A_599 {strides = array<i32>} : memref<128x64xf32, #tpu.memory_space<vmem>>, vector<16xf32>,
        %parallel_loop3A_603 = arith.constant 48 : i32
        %parallel_loop3A_604 = arith.addi %parallel_loop3A_572, %parallel_loop3A_603 : i32
        %parallel_loop3A_605 = arith.constant 0 : i32
        %parallel_loop3A_606 = arith.index_cast %parallel_loop3A_570 : i32 to index
        %parallel_loop3A_607 = arith.index_cast %parallel_loop3A_605 : i32 to index
        %parallel_loop3A_608 = arith.index_cast %parallel_loop3A_604 : i32 to index
        %parallel_loop3A_609 = tpu.vector_load %arg9[%parallel_loop3A_606, %parallel_loop3A_607, %parallel_loop3A_608] {strides = array<i32>} : memref<128x1x128xf32, #tpu.memory_space<vmem>>, vector<16xf32>,
        %parallel_loop3A_610 = arith.index_cast %parallel_loop3A_570 : i32 to index
        %parallel_loop3A_611 = arith.constant 48 : index
        %parallel_loop3A_612 = tpu.vector_load %arg10[%parallel_loop3A_610, %parallel_loop3A_611] {strides = array<i32>} : memref<128x64xf32, #tpu.memory_space<vmem>>, vector<16xf32>,
        tpu.vector_store %arg10[%parallel_loop3A_610, %parallel_loop3A_611], %parallel_loop3A_609 {strides = array<i32>} : memref<128x64xf32, #tpu.memory_space<vmem>>, vector<16xf32>,
        %parallel_loop3A_613 = arith.constant 16 : i32
        %parallel_loop3A_614 = arith.muli %parallel_loop3A_141, %parallel_loop3A_613 : i32
        %parallel_loop3A_615 = arith.constant 10 : i32
        %parallel_loop3A_616 = arith.addi %parallel_loop3A_614, %parallel_loop3A_615 : i32
        %parallel_loop3A_617 = vector.extract_strided_slice %parallel_loop3A_152 {offsets = [10], sizes = [1], strides = [1]} : vector<16xi32> to vector<1xi32>
        %parallel_loop3A_618 = vector.extract %parallel_loop3A_617[0] : i32 from vector<1xi32>
        %parallel_loop3A_619 = arith.constant 0 : i32
        %parallel_loop3A_620 = arith.addi %parallel_loop3A_618, %parallel_loop3A_619 : i32
        %parallel_loop3A_621 = arith.constant 0 : i32
        %parallel_loop3A_622 = arith.index_cast %parallel_loop3A_616 : i32 to index
        %parallel_loop3A_623 = arith.index_cast %parallel_loop3A_621 : i32 to index
        %parallel_loop3A_624 = arith.index_cast %parallel_loop3A_620 : i32 to index
        %parallel_loop3A_625 = tpu.vector_load %arg9[%parallel_loop3A_622, %parallel_loop3A_623, %parallel_loop3A_624] {strides = array<i32>} : memref<128x1x128xf32, #tpu.memory_space<vmem>>, vector<16xf32>,
        %parallel_loop3A_626 = arith.index_cast %parallel_loop3A_616 : i32 to index
        %parallel_loop3A_627 = arith.constant 0 : index
        %parallel_loop3A_628 = tpu.vector_load %arg10[%parallel_loop3A_626, %parallel_loop3A_627] {strides = array<i32>} : memref<128x64xf32, #tpu.memory_space<vmem>>, vector<16xf32>,
        tpu.vector_store %arg10[%parallel_loop3A_626, %parallel_loop3A_627], %parallel_loop3A_625 {strides = array<i32>} : memref<128x64xf32, #tpu.memory_space<vmem>>, vector<16xf32>,
        %parallel_loop3A_629 = arith.constant 16 : i32
        %parallel_loop3A_630 = arith.addi %parallel_loop3A_618, %parallel_loop3A_629 : i32
        %parallel_loop3A_631 = arith.constant 0 : i32
        %parallel_loop3A_632 = arith.index_cast %parallel_loop3A_616 : i32 to index
        %parallel_loop3A_633 = arith.index_cast %parallel_loop3A_631 : i32 to index
        %parallel_loop3A_634 = arith.index_cast %parallel_loop3A_630 : i32 to index
        %parallel_loop3A_635 = tpu.vector_load %arg9[%parallel_loop3A_632, %parallel_loop3A_633, %parallel_loop3A_634] {strides = array<i32>} : memref<128x1x128xf32, #tpu.memory_space<vmem>>, vector<16xf32>,
        %parallel_loop3A_636 = arith.index_cast %parallel_loop3A_616 : i32 to index
        %parallel_loop3A_637 = arith.constant 16 : index
        %parallel_loop3A_638 = tpu.vector_load %arg10[%parallel_loop3A_636, %parallel_loop3A_637] {strides = array<i32>} : memref<128x64xf32, #tpu.memory_space<vmem>>, vector<16xf32>,
        tpu.vector_store %arg10[%parallel_loop3A_636, %parallel_loop3A_637], %parallel_loop3A_635 {strides = array<i32>} : memref<128x64xf32, #tpu.memory_space<vmem>>, vector<16xf32>,
        %parallel_loop3A_639 = arith.constant 32 : i32
        %parallel_loop3A_640 = arith.addi %parallel_loop3A_618, %parallel_loop3A_639 : i32
        %parallel_loop3A_641 = arith.constant 0 : i32
        %parallel_loop3A_642 = arith.index_cast %parallel_loop3A_616 : i32 to index
        %parallel_loop3A_643 = arith.index_cast %parallel_loop3A_641 : i32 to index
        %parallel_loop3A_644 = arith.index_cast %parallel_loop3A_640 : i32 to index
        %parallel_loop3A_645 = tpu.vector_load %arg9[%parallel_loop3A_642, %parallel_loop3A_643, %parallel_loop3A_644] {strides = array<i32>} : memref<128x1x128xf32, #tpu.memory_space<vmem>>, vector<16xf32>,
        %parallel_loop3A_646 = arith.index_cast %parallel_loop3A_616 : i32 to index
        %parallel_loop3A_647 = arith.constant 32 : index
        %parallel_loop3A_648 = tpu.vector_load %arg10[%parallel_loop3A_646, %parallel_loop3A_647] {strides = array<i32>} : memref<128x64xf32, #tpu.memory_space<vmem>>, vector<16xf32>,
        tpu.vector_store %arg10[%parallel_loop3A_646, %parallel_loop3A_647], %parallel_loop3A_645 {strides = array<i32>} : memref<128x64xf32, #tpu.memory_space<vmem>>, vector<16xf32>,
        %parallel_loop3A_649 = arith.constant 48 : i32
        %parallel_loop3A_650 = arith.addi %parallel_loop3A_618, %parallel_loop3A_649 : i32
        %parallel_loop3A_651 = arith.constant 0 : i32
        %parallel_loop3A_652 = arith.index_cast %parallel_loop3A_616 : i32 to index
        %parallel_loop3A_653 = arith.index_cast %parallel_loop3A_651 : i32 to index
        %parallel_loop3A_654 = arith.index_cast %parallel_loop3A_650 : i32 to index
        %parallel_loop3A_655 = tpu.vector_load %arg9[%parallel_loop3A_652, %parallel_loop3A_653, %parallel_loop3A_654] {strides = array<i32>} : memref<128x1x128xf32, #tpu.memory_space<vmem>>, vector<16xf32>,
        %parallel_loop3A_656 = arith.index_cast %parallel_loop3A_616 : i32 to index
        %parallel_loop3A_657 = arith.constant 48 : index
        %parallel_loop3A_658 = tpu.vector_load %arg10[%parallel_loop3A_656, %parallel_loop3A_657] {strides = array<i32>} : memref<128x64xf32, #tpu.memory_space<vmem>>, vector<16xf32>,
        tpu.vector_store %arg10[%parallel_loop3A_656, %parallel_loop3A_657], %parallel_loop3A_655 {strides = array<i32>} : memref<128x64xf32, #tpu.memory_space<vmem>>, vector<16xf32>,
        %parallel_loop3A_659 = arith.constant 16 : i32
        %parallel_loop3A_660 = arith.muli %parallel_loop3A_141, %parallel_loop3A_659 : i32
        %parallel_loop3A_661 = arith.constant 11 : i32
        %parallel_loop3A_662 = arith.addi %parallel_loop3A_660, %parallel_loop3A_661 : i32
        %parallel_loop3A_663 = vector.extract_strided_slice %parallel_loop3A_152 {offsets = [11], sizes = [1], strides = [1]} : vector<16xi32> to vector<1xi32>
        %parallel_loop3A_664 = vector.extract %parallel_loop3A_663[0] : i32 from vector<1xi32>
        %parallel_loop3A_665 = arith.constant 0 : i32
        %parallel_loop3A_666 = arith.addi %parallel_loop3A_664, %parallel_loop3A_665 : i32
        %parallel_loop3A_667 = arith.constant 0 : i32
        %parallel_loop3A_668 = arith.index_cast %parallel_loop3A_662 : i32 to index
        %parallel_loop3A_669 = arith.index_cast %parallel_loop3A_667 : i32 to index
        %parallel_loop3A_670 = arith.index_cast %parallel_loop3A_666 : i32 to index
        %parallel_loop3A_671 = tpu.vector_load %arg9[%parallel_loop3A_668, %parallel_loop3A_669, %parallel_loop3A_670] {strides = array<i32>} : memref<128x1x128xf32, #tpu.memory_space<vmem>>, vector<16xf32>,
        %parallel_loop3A_672 = arith.index_cast %parallel_loop3A_662 : i32 to index
        %parallel_loop3A_673 = arith.constant 0 : index
        %parallel_loop3A_674 = tpu.vector_load %arg10[%parallel_loop3A_672, %parallel_loop3A_673] {strides = array<i32>} : memref<128x64xf32, #tpu.memory_space<vmem>>, vector<16xf32>,
        tpu.vector_store %arg10[%parallel_loop3A_672, %parallel_loop3A_673], %parallel_loop3A_671 {strides = array<i32>} : memref<128x64xf32, #tpu.memory_space<vmem>>, vector<16xf32>,
        %parallel_loop3A_675 = arith.constant 16 : i32
        %parallel_loop3A_676 = arith.addi %parallel_loop3A_664, %parallel_loop3A_675 : i32
        %parallel_loop3A_677 = arith.constant 0 : i32
        %parallel_loop3A_678 = arith.index_cast %parallel_loop3A_662 : i32 to index
        %parallel_loop3A_679 = arith.index_cast %parallel_loop3A_677 : i32 to index
        %parallel_loop3A_680 = arith.index_cast %parallel_loop3A_676 : i32 to index
        %parallel_loop3A_681 = tpu.vector_load %arg9[%parallel_loop3A_678, %parallel_loop3A_679, %parallel_loop3A_680] {strides = array<i32>} : memref<128x1x128xf32, #tpu.memory_space<vmem>>, vector<16xf32>,
        %parallel_loop3A_682 = arith.index_cast %parallel_loop3A_662 : i32 to index
        %parallel_loop3A_683 = arith.constant 16 : index
        %parallel_loop3A_684 = tpu.vector_load %arg10[%parallel_loop3A_682, %parallel_loop3A_683] {strides = array<i32>} : memref<128x64xf32, #tpu.memory_space<vmem>>, vector<16xf32>,
        tpu.vector_store %arg10[%parallel_loop3A_682, %parallel_loop3A_683], %parallel_loop3A_681 {strides = array<i32>} : memref<128x64xf32, #tpu.memory_space<vmem>>, vector<16xf32>,
        %parallel_loop3A_685 = arith.constant 32 : i32
        %parallel_loop3A_686 = arith.addi %parallel_loop3A_664, %parallel_loop3A_685 : i32
        %parallel_loop3A_687 = arith.constant 0 : i32
        %parallel_loop3A_688 = arith.index_cast %parallel_loop3A_662 : i32 to index
        %parallel_loop3A_689 = arith.index_cast %parallel_loop3A_687 : i32 to index
        %parallel_loop3A_690 = arith.index_cast %parallel_loop3A_686 : i32 to index
        %parallel_loop3A_691 = tpu.vector_load %arg9[%parallel_loop3A_688, %parallel_loop3A_689, %parallel_loop3A_690] {strides = array<i32>} : memref<128x1x128xf32, #tpu.memory_space<vmem>>, vector<16xf32>,
        %parallel_loop3A_692 = arith.index_cast %parallel_loop3A_662 : i32 to index
        %parallel_loop3A_693 = arith.constant 32 : index
        %parallel_loop3A_694 = tpu.vector_load %arg10[%parallel_loop3A_692, %parallel_loop3A_693] {strides = array<i32>} : memref<128x64xf32, #tpu.memory_space<vmem>>, vector<16xf32>,
        tpu.vector_store %arg10[%parallel_loop3A_692, %parallel_loop3A_693], %parallel_loop3A_691 {strides = array<i32>} : memref<128x64xf32, #tpu.memory_space<vmem>>, vector<16xf32>,
        %parallel_loop3A_695 = arith.constant 48 : i32
        %parallel_loop3A_696 = arith.addi %parallel_loop3A_664, %parallel_loop3A_695 : i32
        %parallel_loop3A_697 = arith.constant 0 : i32
        %parallel_loop3A_698 = arith.index_cast %parallel_loop3A_662 : i32 to index
        %parallel_loop3A_699 = arith.index_cast %parallel_loop3A_697 : i32 to index
        %parallel_loop3A_700 = arith.index_cast %parallel_loop3A_696 : i32 to index
        %parallel_loop3A_701 = tpu.vector_load %arg9[%parallel_loop3A_698, %parallel_loop3A_699, %parallel_loop3A_700] {strides = array<i32>} : memref<128x1x128xf32, #tpu.memory_space<vmem>>, vector<16xf32>,
        %parallel_loop3A_702 = arith.index_cast %parallel_loop3A_662 : i32 to index
        %parallel_loop3A_703 = arith.constant 48 : index
        %parallel_loop3A_704 = tpu.vector_load %arg10[%parallel_loop3A_702, %parallel_loop3A_703] {strides = array<i32>} : memref<128x64xf32, #tpu.memory_space<vmem>>, vector<16xf32>,
        tpu.vector_store %arg10[%parallel_loop3A_702, %parallel_loop3A_703], %parallel_loop3A_701 {strides = array<i32>} : memref<128x64xf32, #tpu.memory_space<vmem>>, vector<16xf32>,
        %parallel_loop3A_705 = arith.constant 16 : i32
        %parallel_loop3A_706 = arith.muli %parallel_loop3A_141, %parallel_loop3A_705 : i32
        %parallel_loop3A_707 = arith.constant 12 : i32
        %parallel_loop3A_708 = arith.addi %parallel_loop3A_706, %parallel_loop3A_707 : i32
        %parallel_loop3A_709 = vector.extract_strided_slice %parallel_loop3A_152 {offsets = [12], sizes = [1], strides = [1]} : vector<16xi32> to vector<1xi32>
        %parallel_loop3A_710 = vector.extract %parallel_loop3A_709[0] : i32 from vector<1xi32>
        %parallel_loop3A_711 = arith.constant 0 : i32
        %parallel_loop3A_712 = arith.addi %parallel_loop3A_710, %parallel_loop3A_711 : i32
        %parallel_loop3A_713 = arith.constant 0 : i32
        %parallel_loop3A_714 = arith.index_cast %parallel_loop3A_708 : i32 to index
        %parallel_loop3A_715 = arith.index_cast %parallel_loop3A_713 : i32 to index
        %parallel_loop3A_716 = arith.index_cast %parallel_loop3A_712 : i32 to index
        %parallel_loop3A_717 = tpu.vector_load %arg9[%parallel_loop3A_714, %parallel_loop3A_715, %parallel_loop3A_716] {strides = array<i32>} : memref<128x1x128xf32, #tpu.memory_space<vmem>>, vector<16xf32>,
        %parallel_loop3A_718 = arith.index_cast %parallel_loop3A_708 : i32 to index
        %parallel_loop3A_719 = arith.constant 0 : index
        %parallel_loop3A_720 = tpu.vector_load %arg10[%parallel_loop3A_718, %parallel_loop3A_719] {strides = array<i32>} : memref<128x64xf32, #tpu.memory_space<vmem>>, vector<16xf32>,
        tpu.vector_store %arg10[%parallel_loop3A_718, %parallel_loop3A_719], %parallel_loop3A_717 {strides = array<i32>} : memref<128x64xf32, #tpu.memory_space<vmem>>, vector<16xf32>,
        %parallel_loop3A_721 = arith.constant 16 : i32
        %parallel_loop3A_722 = arith.addi %parallel_loop3A_710, %parallel_loop3A_721 : i32
        %parallel_loop3A_723 = arith.constant 0 : i32
        %parallel_loop3A_724 = arith.index_cast %parallel_loop3A_708 : i32 to index
        %parallel_loop3A_725 = arith.index_cast %parallel_loop3A_723 : i32 to index
        %parallel_loop3A_726 = arith.index_cast %parallel_loop3A_722 : i32 to index
        %parallel_loop3A_727 = tpu.vector_load %arg9[%parallel_loop3A_724, %parallel_loop3A_725, %parallel_loop3A_726] {strides = array<i32>} : memref<128x1x128xf32, #tpu.memory_space<vmem>>, vector<16xf32>,
        %parallel_loop3A_728 = arith.index_cast %parallel_loop3A_708 : i32 to index
        %parallel_loop3A_729 = arith.constant 16 : index
        %parallel_loop3A_730 = tpu.vector_load %arg10[%parallel_loop3A_728, %parallel_loop3A_729] {strides = array<i32>} : memref<128x64xf32, #tpu.memory_space<vmem>>, vector<16xf32>,
        tpu.vector_store %arg10[%parallel_loop3A_728, %parallel_loop3A_729], %parallel_loop3A_727 {strides = array<i32>} : memref<128x64xf32, #tpu.memory_space<vmem>>, vector<16xf32>,
        %parallel_loop3A_731 = arith.constant 32 : i32
        %parallel_loop3A_732 = arith.addi %parallel_loop3A_710, %parallel_loop3A_731 : i32
        %parallel_loop3A_733 = arith.constant 0 : i32
        %parallel_loop3A_734 = arith.index_cast %parallel_loop3A_708 : i32 to index
        %parallel_loop3A_735 = arith.index_cast %parallel_loop3A_733 : i32 to index
        %parallel_loop3A_736 = arith.index_cast %parallel_loop3A_732 : i32 to index
        %parallel_loop3A_737 = tpu.vector_load %arg9[%parallel_loop3A_734, %parallel_loop3A_735, %parallel_loop3A_736] {strides = array<i32>} : memref<128x1x128xf32, #tpu.memory_space<vmem>>, vector<16xf32>,
        %parallel_loop3A_738 = arith.index_cast %parallel_loop3A_708 : i32 to index
        %parallel_loop3A_739 = arith.constant 32 : index
        %parallel_loop3A_740 = tpu.vector_load %arg10[%parallel_loop3A_738, %parallel_loop3A_739] {strides = array<i32>} : memref<128x64xf32, #tpu.memory_space<vmem>>, vector<16xf32>,
        tpu.vector_store %arg10[%parallel_loop3A_738, %parallel_loop3A_739], %parallel_loop3A_737 {strides = array<i32>} : memref<128x64xf32, #tpu.memory_space<vmem>>, vector<16xf32>,
        %parallel_loop3A_741 = arith.constant 48 : i32
        %parallel_loop3A_742 = arith.addi %parallel_loop3A_710, %parallel_loop3A_741 : i32
        %parallel_loop3A_743 = arith.constant 0 : i32
        %parallel_loop3A_744 = arith.index_cast %parallel_loop3A_708 : i32 to index
        %parallel_loop3A_745 = arith.index_cast %parallel_loop3A_743 : i32 to index
        %parallel_loop3A_746 = arith.index_cast %parallel_loop3A_742 : i32 to index
        %parallel_loop3A_747 = tpu.vector_load %arg9[%parallel_loop3A_744, %parallel_loop3A_745, %parallel_loop3A_746] {strides = array<i32>} : memref<128x1x128xf32, #tpu.memory_space<vmem>>, vector<16xf32>,
        %parallel_loop3A_748 = arith.index_cast %parallel_loop3A_708 : i32 to index
        %parallel_loop3A_749 = arith.constant 48 : index
        %parallel_loop3A_750 = tpu.vector_load %arg10[%parallel_loop3A_748, %parallel_loop3A_749] {strides = array<i32>} : memref<128x64xf32, #tpu.memory_space<vmem>>, vector<16xf32>,
        tpu.vector_store %arg10[%parallel_loop3A_748, %parallel_loop3A_749], %parallel_loop3A_747 {strides = array<i32>} : memref<128x64xf32, #tpu.memory_space<vmem>>, vector<16xf32>,
        %parallel_loop3A_751 = arith.constant 16 : i32
        %parallel_loop3A_752 = arith.muli %parallel_loop3A_141, %parallel_loop3A_751 : i32
        %parallel_loop3A_753 = arith.constant 13 : i32
        %parallel_loop3A_754 = arith.addi %parallel_loop3A_752, %parallel_loop3A_753 : i32
        %parallel_loop3A_755 = vector.extract_strided_slice %parallel_loop3A_152 {offsets = [13], sizes = [1], strides = [1]} : vector<16xi32> to vector<1xi32>
        %parallel_loop3A_756 = vector.extract %parallel_loop3A_755[0] : i32 from vector<1xi32>
        %parallel_loop3A_757 = arith.constant 0 : i32
        %parallel_loop3A_758 = arith.addi %parallel_loop3A_756, %parallel_loop3A_757 : i32
        %parallel_loop3A_759 = arith.constant 0 : i32
        %parallel_loop3A_760 = arith.index_cast %parallel_loop3A_754 : i32 to index
        %parallel_loop3A_761 = arith.index_cast %parallel_loop3A_759 : i32 to index
        %parallel_loop3A_762 = arith.index_cast %parallel_loop3A_758 : i32 to index
        %parallel_loop3A_763 = tpu.vector_load %arg9[%parallel_loop3A_760, %parallel_loop3A_761, %parallel_loop3A_762] {strides = array<i32>} : memref<128x1x128xf32, #tpu.memory_space<vmem>>, vector<16xf32>,
        %parallel_loop3A_764 = arith.index_cast %parallel_loop3A_754 : i32 to index
        %parallel_loop3A_765 = arith.constant 0 : index
        %parallel_loop3A_766 = tpu.vector_load %arg10[%parallel_loop3A_764, %parallel_loop3A_765] {strides = array<i32>} : memref<128x64xf32, #tpu.memory_space<vmem>>, vector<16xf32>,
        tpu.vector_store %arg10[%parallel_loop3A_764, %parallel_loop3A_765], %parallel_loop3A_763 {strides = array<i32>} : memref<128x64xf32, #tpu.memory_space<vmem>>, vector<16xf32>,
        %parallel_loop3A_767 = arith.constant 16 : i32
        %parallel_loop3A_768 = arith.addi %parallel_loop3A_756, %parallel_loop3A_767 : i32
        %parallel_loop3A_769 = arith.constant 0 : i32
        %parallel_loop3A_770 = arith.index_cast %parallel_loop3A_754 : i32 to index
        %parallel_loop3A_771 = arith.index_cast %parallel_loop3A_769 : i32 to index
        %parallel_loop3A_772 = arith.index_cast %parallel_loop3A_768 : i32 to index
        %parallel_loop3A_773 = tpu.vector_load %arg9[%parallel_loop3A_770, %parallel_loop3A_771, %parallel_loop3A_772] {strides = array<i32>} : memref<128x1x128xf32, #tpu.memory_space<vmem>>, vector<16xf32>,
        %parallel_loop3A_774 = arith.index_cast %parallel_loop3A_754 : i32 to index
        %parallel_loop3A_775 = arith.constant 16 : index
        %parallel_loop3A_776 = tpu.vector_load %arg10[%parallel_loop3A_774, %parallel_loop3A_775] {strides = array<i32>} : memref<128x64xf32, #tpu.memory_space<vmem>>, vector<16xf32>,
        tpu.vector_store %arg10[%parallel_loop3A_774, %parallel_loop3A_775], %parallel_loop3A_773 {strides = array<i32>} : memref<128x64xf32, #tpu.memory_space<vmem>>, vector<16xf32>,
        %parallel_loop3A_777 = arith.constant 32 : i32
        %parallel_loop3A_778 = arith.addi %parallel_loop3A_756, %parallel_loop3A_777 : i32
        %parallel_loop3A_779 = arith.constant 0 : i32
        %parallel_loop3A_780 = arith.index_cast %parallel_loop3A_754 : i32 to index
        %parallel_loop3A_781 = arith.index_cast %parallel_loop3A_779 : i32 to index
        %parallel_loop3A_782 = arith.index_cast %parallel_loop3A_778 : i32 to index
        %parallel_loop3A_783 = tpu.vector_load %arg9[%parallel_loop3A_780, %parallel_loop3A_781, %parallel_loop3A_782] {strides = array<i32>} : memref<128x1x128xf32, #tpu.memory_space<vmem>>, vector<16xf32>,
        %parallel_loop3A_784 = arith.index_cast %parallel_loop3A_754 : i32 to index
        %parallel_loop3A_785 = arith.constant 32 : index
        %parallel_loop3A_786 = tpu.vector_load %arg10[%parallel_loop3A_784, %parallel_loop3A_785] {strides = array<i32>} : memref<128x64xf32, #tpu.memory_space<vmem>>, vector<16xf32>,
        tpu.vector_store %arg10[%parallel_loop3A_784, %parallel_loop3A_785], %parallel_loop3A_783 {strides = array<i32>} : memref<128x64xf32, #tpu.memory_space<vmem>>, vector<16xf32>,
        %parallel_loop3A_787 = arith.constant 48 : i32
        %parallel_loop3A_788 = arith.addi %parallel_loop3A_756, %parallel_loop3A_787 : i32
        %parallel_loop3A_789 = arith.constant 0 : i32
        %parallel_loop3A_790 = arith.index_cast %parallel_loop3A_754 : i32 to index
        %parallel_loop3A_791 = arith.index_cast %parallel_loop3A_789 : i32 to index
        %parallel_loop3A_792 = arith.index_cast %parallel_loop3A_788 : i32 to index
        %parallel_loop3A_793 = tpu.vector_load %arg9[%parallel_loop3A_790, %parallel_loop3A_791, %parallel_loop3A_792] {strides = array<i32>} : memref<128x1x128xf32, #tpu.memory_space<vmem>>, vector<16xf32>,
        %parallel_loop3A_794 = arith.index_cast %parallel_loop3A_754 : i32 to index
        %parallel_loop3A_795 = arith.constant 48 : index
        %parallel_loop3A_796 = tpu.vector_load %arg10[%parallel_loop3A_794, %parallel_loop3A_795] {strides = array<i32>} : memref<128x64xf32, #tpu.memory_space<vmem>>, vector<16xf32>,
        tpu.vector_store %arg10[%parallel_loop3A_794, %parallel_loop3A_795], %parallel_loop3A_793 {strides = array<i32>} : memref<128x64xf32, #tpu.memory_space<vmem>>, vector<16xf32>,
        %parallel_loop3A_797 = arith.constant 16 : i32
        %parallel_loop3A_798 = arith.muli %parallel_loop3A_141, %parallel_loop3A_797 : i32
        %parallel_loop3A_799 = arith.constant 14 : i32
        %parallel_loop3A_800 = arith.addi %parallel_loop3A_798, %parallel_loop3A_799 : i32
        %parallel_loop3A_801 = vector.extract_strided_slice %parallel_loop3A_152 {offsets = [14], sizes = [1], strides = [1]} : vector<16xi32> to vector<1xi32>
        %parallel_loop3A_802 = vector.extract %parallel_loop3A_801[0] : i32 from vector<1xi32>
        %parallel_loop3A_803 = arith.constant 0 : i32
        %parallel_loop3A_804 = arith.addi %parallel_loop3A_802, %parallel_loop3A_803 : i32
        %parallel_loop3A_805 = arith.constant 0 : i32
        %parallel_loop3A_806 = arith.index_cast %parallel_loop3A_800 : i32 to index
        %parallel_loop3A_807 = arith.index_cast %parallel_loop3A_805 : i32 to index
        %parallel_loop3A_808 = arith.index_cast %parallel_loop3A_804 : i32 to index
        %parallel_loop3A_809 = tpu.vector_load %arg9[%parallel_loop3A_806, %parallel_loop3A_807, %parallel_loop3A_808] {strides = array<i32>} : memref<128x1x128xf32, #tpu.memory_space<vmem>>, vector<16xf32>,
        %parallel_loop3A_810 = arith.index_cast %parallel_loop3A_800 : i32 to index
        %parallel_loop3A_811 = arith.constant 0 : index
        %parallel_loop3A_812 = tpu.vector_load %arg10[%parallel_loop3A_810, %parallel_loop3A_811] {strides = array<i32>} : memref<128x64xf32, #tpu.memory_space<vmem>>, vector<16xf32>,
        tpu.vector_store %arg10[%parallel_loop3A_810, %parallel_loop3A_811], %parallel_loop3A_809 {strides = array<i32>} : memref<128x64xf32, #tpu.memory_space<vmem>>, vector<16xf32>,
        %parallel_loop3A_813 = arith.constant 16 : i32
        %parallel_loop3A_814 = arith.addi %parallel_loop3A_802, %parallel_loop3A_813 : i32
        %parallel_loop3A_815 = arith.constant 0 : i32
        %parallel_loop3A_816 = arith.index_cast %parallel_loop3A_800 : i32 to index
        %parallel_loop3A_817 = arith.index_cast %parallel_loop3A_815 : i32 to index
        %parallel_loop3A_818 = arith.index_cast %parallel_loop3A_814 : i32 to index
        %parallel_loop3A_819 = tpu.vector_load %arg9[%parallel_loop3A_816, %parallel_loop3A_817, %parallel_loop3A_818] {strides = array<i32>} : memref<128x1x128xf32, #tpu.memory_space<vmem>>, vector<16xf32>,
        %parallel_loop3A_820 = arith.index_cast %parallel_loop3A_800 : i32 to index
        %parallel_loop3A_821 = arith.constant 16 : index
        %parallel_loop3A_822 = tpu.vector_load %arg10[%parallel_loop3A_820, %parallel_loop3A_821] {strides = array<i32>} : memref<128x64xf32, #tpu.memory_space<vmem>>, vector<16xf32>,
        tpu.vector_store %arg10[%parallel_loop3A_820, %parallel_loop3A_821], %parallel_loop3A_819 {strides = array<i32>} : memref<128x64xf32, #tpu.memory_space<vmem>>, vector<16xf32>,
        %parallel_loop3A_823 = arith.constant 32 : i32
        %parallel_loop3A_824 = arith.addi %parallel_loop3A_802, %parallel_loop3A_823 : i32
        %parallel_loop3A_825 = arith.constant 0 : i32
        %parallel_loop3A_826 = arith.index_cast %parallel_loop3A_800 : i32 to index
        %parallel_loop3A_827 = arith.index_cast %parallel_loop3A_825 : i32 to index
        %parallel_loop3A_828 = arith.index_cast %parallel_loop3A_824 : i32 to index
        %parallel_loop3A_829 = tpu.vector_load %arg9[%parallel_loop3A_826, %parallel_loop3A_827, %parallel_loop3A_828] {strides = array<i32>} : memref<128x1x128xf32, #tpu.memory_space<vmem>>, vector<16xf32>,
        %parallel_loop3A_830 = arith.index_cast %parallel_loop3A_800 : i32 to index
        %parallel_loop3A_831 = arith.constant 32 : index
        %parallel_loop3A_832 = tpu.vector_load %arg10[%parallel_loop3A_830, %parallel_loop3A_831] {strides = array<i32>} : memref<128x64xf32, #tpu.memory_space<vmem>>, vector<16xf32>,
        tpu.vector_store %arg10[%parallel_loop3A_830, %parallel_loop3A_831], %parallel_loop3A_829 {strides = array<i32>} : memref<128x64xf32, #tpu.memory_space<vmem>>, vector<16xf32>,
        %parallel_loop3A_833 = arith.constant 48 : i32
        %parallel_loop3A_834 = arith.addi %parallel_loop3A_802, %parallel_loop3A_833 : i32
        %parallel_loop3A_835 = arith.constant 0 : i32
        %parallel_loop3A_836 = arith.index_cast %parallel_loop3A_800 : i32 to index
        %parallel_loop3A_837 = arith.index_cast %parallel_loop3A_835 : i32 to index
        %parallel_loop3A_838 = arith.index_cast %parallel_loop3A_834 : i32 to index
        %parallel_loop3A_839 = tpu.vector_load %arg9[%parallel_loop3A_836, %parallel_loop3A_837, %parallel_loop3A_838] {strides = array<i32>} : memref<128x1x128xf32, #tpu.memory_space<vmem>>, vector<16xf32>,
        %parallel_loop3A_840 = arith.index_cast %parallel_loop3A_800 : i32 to index
        %parallel_loop3A_841 = arith.constant 48 : index
        %parallel_loop3A_842 = tpu.vector_load %arg10[%parallel_loop3A_840, %parallel_loop3A_841] {strides = array<i32>} : memref<128x64xf32, #tpu.memory_space<vmem>>, vector<16xf32>,
        tpu.vector_store %arg10[%parallel_loop3A_840, %parallel_loop3A_841], %parallel_loop3A_839 {strides = array<i32>} : memref<128x64xf32, #tpu.memory_space<vmem>>, vector<16xf32>,
        %parallel_loop3A_843 = arith.constant 16 : i32
        %parallel_loop3A_844 = arith.muli %parallel_loop3A_141, %parallel_loop3A_843 : i32
        %parallel_loop3A_845 = arith.constant 15 : i32
        %parallel_loop3A_846 = arith.addi %parallel_loop3A_844, %parallel_loop3A_845 : i32
        %parallel_loop3A_847 = vector.extract_strided_slice %parallel_loop3A_152 {offsets = [15], sizes = [1], strides = [1]} : vector<16xi32> to vector<1xi32>
        %parallel_loop3A_848 = vector.extract %parallel_loop3A_847[0] : i32 from vector<1xi32>
        %parallel_loop3A_849 = arith.constant 0 : i32
        %parallel_loop3A_850 = arith.addi %parallel_loop3A_848, %parallel_loop3A_849 : i32
        %parallel_loop3A_851 = arith.constant 0 : i32
        %parallel_loop3A_852 = arith.index_cast %parallel_loop3A_846 : i32 to index
        %parallel_loop3A_853 = arith.index_cast %parallel_loop3A_851 : i32 to index
        %parallel_loop3A_854 = arith.index_cast %parallel_loop3A_850 : i32 to index
        %parallel_loop3A_855 = tpu.vector_load %arg9[%parallel_loop3A_852, %parallel_loop3A_853, %parallel_loop3A_854] {strides = array<i32>} : memref<128x1x128xf32, #tpu.memory_space<vmem>>, vector<16xf32>,
        %parallel_loop3A_856 = arith.index_cast %parallel_loop3A_846 : i32 to index
        %parallel_loop3A_857 = arith.constant 0 : index
        %parallel_loop3A_858 = tpu.vector_load %arg10[%parallel_loop3A_856, %parallel_loop3A_857] {strides = array<i32>} : memref<128x64xf32, #tpu.memory_space<vmem>>, vector<16xf32>,
        tpu.vector_store %arg10[%parallel_loop3A_856, %parallel_loop3A_857], %parallel_loop3A_855 {strides = array<i32>} : memref<128x64xf32, #tpu.memory_space<vmem>>, vector<16xf32>,
        %parallel_loop3A_859 = arith.constant 16 : i32
        %parallel_loop3A_860 = arith.addi %parallel_loop3A_848, %parallel_loop3A_859 : i32
        %parallel_loop3A_861 = arith.constant 0 : i32
        %parallel_loop3A_862 = arith.index_cast %parallel_loop3A_846 : i32 to index
        %parallel_loop3A_863 = arith.index_cast %parallel_loop3A_861 : i32 to index
        %parallel_loop3A_864 = arith.index_cast %parallel_loop3A_860 : i32 to index
        %parallel_loop3A_865 = tpu.vector_load %arg9[%parallel_loop3A_862, %parallel_loop3A_863, %parallel_loop3A_864] {strides = array<i32>} : memref<128x1x128xf32, #tpu.memory_space<vmem>>, vector<16xf32>,
        %parallel_loop3A_866 = arith.index_cast %parallel_loop3A_846 : i32 to index
        %parallel_loop3A_867 = arith.constant 16 : index
        %parallel_loop3A_868 = tpu.vector_load %arg10[%parallel_loop3A_866, %parallel_loop3A_867] {strides = array<i32>} : memref<128x64xf32, #tpu.memory_space<vmem>>, vector<16xf32>,
        tpu.vector_store %arg10[%parallel_loop3A_866, %parallel_loop3A_867], %parallel_loop3A_865 {strides = array<i32>} : memref<128x64xf32, #tpu.memory_space<vmem>>, vector<16xf32>,
        %parallel_loop3A_869 = arith.constant 32 : i32
        %parallel_loop3A_870 = arith.addi %parallel_loop3A_848, %parallel_loop3A_869 : i32
        %parallel_loop3A_871 = arith.constant 0 : i32
        %parallel_loop3A_872 = arith.index_cast %parallel_loop3A_846 : i32 to index
        %parallel_loop3A_873 = arith.index_cast %parallel_loop3A_871 : i32 to index
        %parallel_loop3A_874 = arith.index_cast %parallel_loop3A_870 : i32 to index
        %parallel_loop3A_875 = tpu.vector_load %arg9[%parallel_loop3A_872, %parallel_loop3A_873, %parallel_loop3A_874] {strides = array<i32>} : memref<128x1x128xf32, #tpu.memory_space<vmem>>, vector<16xf32>,
        %parallel_loop3A_876 = arith.index_cast %parallel_loop3A_846 : i32 to index
        %parallel_loop3A_877 = arith.constant 32 : index
        %parallel_loop3A_878 = tpu.vector_load %arg10[%parallel_loop3A_876, %parallel_loop3A_877] {strides = array<i32>} : memref<128x64xf32, #tpu.memory_space<vmem>>, vector<16xf32>,
        tpu.vector_store %arg10[%parallel_loop3A_876, %parallel_loop3A_877], %parallel_loop3A_875 {strides = array<i32>} : memref<128x64xf32, #tpu.memory_space<vmem>>, vector<16xf32>,
        %parallel_loop3A_879 = arith.constant 48 : i32
        %parallel_loop3A_880 = arith.addi %parallel_loop3A_848, %parallel_loop3A_879 : i32
        %parallel_loop3A_881 = arith.constant 0 : i32
        %parallel_loop3A_882 = arith.index_cast %parallel_loop3A_846 : i32 to index
        %parallel_loop3A_883 = arith.index_cast %parallel_loop3A_881 : i32 to index
        %parallel_loop3A_884 = arith.index_cast %parallel_loop3A_880 : i32 to index
        %parallel_loop3A_885 = tpu.vector_load %arg9[%parallel_loop3A_882, %parallel_loop3A_883, %parallel_loop3A_884] {strides = array<i32>} : memref<128x1x128xf32, #tpu.memory_space<vmem>>, vector<16xf32>,
        %parallel_loop3A_886 = arith.index_cast %parallel_loop3A_846 : i32 to index
        %parallel_loop3A_887 = arith.constant 48 : index
        %parallel_loop3A_888 = tpu.vector_load %arg10[%parallel_loop3A_886, %parallel_loop3A_887] {strides = array<i32>} : memref<128x64xf32, #tpu.memory_space<vmem>>, vector<16xf32>,
        tpu.vector_store %arg10[%parallel_loop3A_886, %parallel_loop3A_887], %parallel_loop3A_885 {strides = array<i32>} : memref<128x64xf32, #tpu.memory_space<vmem>>, vector<16xf32>,
      } {sc.loop_unroll_factor = 4 : i64, sc.parallel_access}
      %mul3A_134 = arith.constant 128 : i32
      %mul3A_135 = arith.muli %add3A_114, %mul3A_134 : i32
      %add3A_136 = arith.addi %mul3A_2, %mul3A_135 : i32
      %dma_start3A_137 = arith.constant 0 : i32
      %dma_start3A_138 = tpu.memref_slice %arg4[%add3A_136, %dma_start3A_137] : memref<819200x64xf32, #tpu.memory_space<hbm>> -> memref<128x64xf32, #tpu.memory_space<hbm>>
      %dma_start3A_139 = arith.constant 0 : i32
      %dma_start3A_140 = tpu.memref_slice %arg4[%add3A_136, %dma_start3A_139] : memref<819200x64xf32, #tpu.memory_space<hbm>> -> memref<128x64xf32, #tpu.memory_space<hbm>>
      tpu.enqueue_dma source(%arg10 : memref<128x64xf32, #tpu.memory_space<vmem>>) target(%dma_start3A_140 : memref<128x64xf32, #tpu.memory_space<hbm>>) target_semaphore(%arg13 : memref<!tpu.dma_semaphore, #tpu.memory_space<semaphore_mem>>)
    }
    %scan3A_79 = arith.constant 100 : i32
    %dma_wait3A = arith.constant 0 : i32
    %dma_wait3A_80 = arith.constant 0 : i32
    %dma_wait3A_81 = tpu.memref_slice %arg4[%dma_wait3A, %dma_wait3A_80] : memref<819200x64xf32, #tpu.memory_space<hbm>> -> memref<128x64xf32, #tpu.memory_space<hbm>>
    %dma_wait3A_82 = arith.constant 0 : i32
    %dma_wait3A_83 = arith.constant 0 : i32
    %dma_wait3A_84 = tpu.memref_slice %arg4[%dma_wait3A_82, %dma_wait3A_83] : memref<819200x64xf32, #tpu.memory_space<hbm>> -> memref<128x64xf32, #tpu.memory_space<hbm>>
    tpu.wait_dma2 semaphore(%arg13 : memref<!tpu.dma_semaphore, #tpu.memory_space<semaphore_mem>>) src(%arg10 : memref<128x64xf32, #tpu.memory_space<vmem>>) dst(%dma_wait3A_84 : memref<128x64xf32, #tpu.memory_space<hbm>>)
    return
  }
}

</mosaic_0001>

<sc_bundles>
// kernel: kernel.3.cloned.1.call-start
scs
__scs_entry_jumppad:
0x0: {  	(pc) =	sbr.rel $0x88, $3  }
0x1: {  	(tag) =	ssettag $0x0;
	lr =	simm.s32 $0x1  }
0x2: {  	[smem:$0x3F9F] =	sst lr;
	_ =	strace $0xD0000000  }
0x3: {  	_ = 	snop  }
0x4: {  	_ = 	snop  }
0x5: {  	_ = 	snop  }
0x6: {  	_ = 	snop  }
0x7: {  	_ = 	snop  }
__scs_overlays_trampoline_lowered:
0x8: {  	[smem:$0x3FAE] =	sst s0  }
0x9: {  	[smem:$0x3FAF] =	sst s1  }
0xa: {  	[smem:$0x3FB0] =	sst s2  }
0xb: {  	[smem:$0x3FB1] =	sst s3  }
0xc: {  	[smem:$0x3FB2] =	sst s4  }
0xd: {  	[smem:$0x3FB3] =	sst s5  }
0xe: {  	[smem:$0x3FB4] =	sst s6  }
0xf: {  	[smem:$0x3FB5] =	sst s7  }
0x10: {  	[smem:$0x3FB6] =	sst s8  }
0x11: {  	[smem:$0x3FB7] =	sst s9;
	s0 =	simm.s32 @!p0 $0x0  }
0x12: {  	s1 =	sld [smem:$0x3F9D];
	s0 =	simm.s32 @p0 $0x1  }
0x13: {  	[smem:$0x3FB8] =	sst s0;
	s0 =	simm.s32 @!p1 $0x0  }
0x14: {  	s2 =	sld [smem:$0x3F9C];
	s0 =	simm.s32 @p1 $0x1  }
0x15: {  	[smem:$0x3FB9] =	sst s0;
	s0 =	simm.s32 @!p2 $0x0  }
0x16: {  	s3 =	sld [smem:$0x3FDB];
	s0 =	simm.s32 @p2 $0x1  }
0x17: {  	s4 =	simm.s32 $0x1BF5;
	[smem:$0x3FBB] =	sst s0  }
0x18: {  	s0 =	sld [smem:$0x3F9E];
	_ =	swait.ge [sflag:s4], $0x0  }
0x19: {  	s7 =	sld [smem:$0x3F9F]  }
0x1a: {  	s8 =	sadd.s32 $0xFFFFE003, lr  }
0x1b: {  	s9 =	sadd.s32 $0xFFFFFEF7, lr;
	s5 =	simm.s32 $0xFFFFFFFF;
	p2 =	slt.u32 s8, $0xFFFFF086  }
0x1c: {  	p1 =	slt.u32 s9, $0xF7A;
	s5 =	simm.s32 @!p2 $0x0  }
0x1d: {  	s5 =	simm.s32 @p1 $0x1;
	p0 =	seq.s32 s7, s2  }
0x1e: {  	s7 =	smul.u32 @!p0 $0xF7A, s2;
	p2 =	seq.s32 @!p0 s5, $0x0  }
0x1f: {  	s9 =	smul.u32 $0xF7A, s1;
	s8 =	simm.s32 @!p0 $0x1BF5;
	p2 =	por !p2, p0  }
0x20: {  	[sflag:s8] =	ssyncset.s32 @!p0 $0xFFFFF086;
	s6 =	sadd.s32 @!p0 s3, s7;
	s7 =	simm.s32 @!p0 $0x108  }
0x21: {  	s3 =	sadd.s32 s3, s9;
	s6 =	sadd.s32 @!p0 $0x88, s6;
	s7 =	simm.s32 @p2 $0x1082  }
0x22: {  	[simem:s7], [sflag:s8] =	dma.local @!p0 [hbm:s6], $0xF7A  }
0x23: {  	s9 =	sor.u32 $0xD0000000, s2;
	s6 =	simm.s32 $0x108;
	_ =	swait.ge @!p0 [sflag:s8], $0x0  }
0x24: {  	s3 =	sadd.s32 $0x88, s3;
	s6 =	simm.s32 @!p1 $0x1082;
	[sflag:s4] =	ssyncset.s32 $0xFFFFF086  }
0x25: {  	[simem:s6], [sflag:s4] =	dma.local [hbm:s3], $0xF7A  }
0x26: {  	[smem:$0x3F9F] =	sst s1;
	(tag) =	ssettag s2;
	_ =	strace s9  }
0x27: {  	s1 =	sld [smem:$0x3FAF]  }
0x28: {  	s2 =	sld [smem:$0x3FB0]  }
0x29: {  	s4 =	sld [smem:$0x3FB2]  }
0x2a: {  	p0 =	seq.s32 s5, $0x0;
	s5 =	sld [smem:$0x3FB3]  }
0x2b: {  	s6 =	sld [smem:$0x3FB4]  }
0x2c: {  	s7 =	sld [smem:$0x3FB5]  }
0x2d: {  	s3 =	simm.s32 $0x108;
	s8 =	sld [smem:$0x3FB6]  }
0x2e: {  	s3 =	simm.s32 @!p0 $0x1082;
	s9 =	sld [smem:$0x3FB7]  }
0x2f: {  	lr =	sadd.s32 s0, s3;
	s0 =	sld [smem:$0x3FAE]  }
0x30: {  	s3 =	sld [smem:$0x3FB1]  }
0x31: {  	[smem:$0x3FBA] =	sst s10  }
0x32: {  	s10 =	sld [smem:$0x3FB8];
	_ =	sdelay $0x3  }
0x33: {  	p0 =	seq.s32 s10, $0x1;
	s10 =	sld [smem:$0x3FBA];
	_ =	sdelay $0x3  }
0x34: {  	[smem:$0x3FBA] =	sst s10  }
0x35: {  	s10 =	sld [smem:$0x3FB9];
	_ =	sdelay $0x3  }
0x36: {  	p1 =	seq.s32 s10, $0x1;
	s10 =	sld [smem:$0x3FBA];
	_ =	sdelay $0x3  }
0x37: {  	[smem:$0x3FBA] =	sst s10  }
0x38: {  	s10 =	sld [smem:$0x3FBB]  }
0x39: {  	_ = 	snop;
	(pc) =	sbr.ind lr, $3  }
0x3a: {  	_ = 	snop  }
0x3b: {  	_ = 	snop  }
0x3c: {  	p2 =	seq.s32 s10, $0x1;
	s10 =	sld [smem:$0x3FBA]  }
0x3d: {  	_ =	shalt  }
0x3e: {  	_ =	shalt  }
0x3f: {  	_ =	shalt  }
0x40: {  	_ =	shalt  }
0x41: {  	_ =	shalt  }
0x42: {  	_ =	shalt  }
0x43: {  	_ =	shalt  }
0x44: {  	_ =	shalt  }
0x45: {  	_ =	shalt  }
0x46: {  	_ =	shalt  }
0x47: {  	_ =	shalt  }
0x48: {  	_ =	shalt  }
0x49: {  	_ =	shalt  }
0x4a: {  	_ =	shalt  }
0x4b: {  	_ =	shalt  }
0x4c: {  	_ =	shalt  }
0x4d: {  	_ =	shalt  }
0x4e: {  	_ =	shalt  }
0x4f: {  	_ =	shalt  }
0x50: {  	_ =	shalt  }
0x51: {  	_ =	shalt  }
0x52: {  	_ =	shalt  }
0x53: {  	_ =	shalt  }
0x54: {  	_ =	shalt  }
0x55: {  	_ =	shalt  }
0x56: {  	_ =	shalt  }
0x57: {  	_ =	shalt  }
0x58: {  	_ =	shalt  }
0x59: {  	_ =	shalt  }
0x5a: {  	_ =	shalt  }
0x5b: {  	_ =	shalt  }
0x5c: {  	_ =	shalt  }
0x5d: {  	_ =	shalt  }
0x5e: {  	_ =	shalt  }
0x5f: {  	_ =	shalt  }
0x60: {  	_ =	shalt  }
0x61: {  	_ =	shalt  }
0x62: {  	_ =	shalt  }
0x63: {  	_ =	shalt  }
0x64: {  	_ =	shalt  }
0x65: {  	_ =	shalt  }
0x66: {  	_ =	shalt  }
0x67: {  	_ =	shalt  }
0x68: {  	_ =	shalt  }
0x69: {  	_ =	shalt  }
0x6a: {  	_ =	shalt  }
0x6b: {  	_ =	shalt  }
0x6c: {  	_ =	shalt  }
0x6d: {  	_ =	shalt  }
0x6e: {  	_ =	shalt  }
0x6f: {  	_ =	shalt  }
0x70: {  	_ =	shalt  }
0x71: {  	_ =	shalt  }
0x72: {  	_ =	shalt  }
0x73: {  	_ =	shalt  }
0x74: {  	_ =	shalt  }
0x75: {  	_ =	shalt  }
0x76: {  	_ =	shalt  }
0x77: {  	_ =	shalt  }
0x78: {  	_ =	shalt  }
0x79: {  	_ =	shalt  }
0x7a: {  	_ =	shalt  }
0x7b: {  	_ =	shalt  }
0x7c: {  	_ =	shalt  }
0x7d: {  	_ =	shalt  }
0x7e: {  	_ =	shalt  }
0x7f: {  	_ =	shalt  }
0x80: {  	_ =	shalt  }
0x81: {  	_ =	shalt  }
0x82: {  	_ =	shalt  }
0x83: {  	_ =	shalt  }
0x84: {  	_ =	shalt  }
0x85: {  	_ =	shalt  }
0x86: {  	_ =	shalt  }
0x87: {  	_ =	shalt  }
.Lfunc_end0:
.L_simem_size_0:
called_computation.1_lowered:
.L_overlay_start_0:
0x88: {  	s2 =	sld [smem:$0x3FD9]  }
0x89: {  	s3 =	sld [smem:$0x3FFE];
	_ =	sdelay $0x1  }
0x8a: {  	s1 =	srdreg.scid  }
0x8b: {  	s0 =	sand.u32 $0x1, s1  }
0x8c: {  	s17 =	sshll.u32 s0, $0xA;
	s2 =	sadd.s32 s3, s2  }
0x8d: {  	s2 =	sadd.s32 s2, s17  }
0x8e: {  	[smem:$0x3FC6] =	sst s2  }
0x8f: {  	_ = 	snop  }
0x90: {  	s2 =	sld [smem:$0x3FD0];
	(tm) =	ssettm $0x1  }
0x91: {  	s18 =	sld [smem:$0x3FFB];
	_ =	sdelay $0x3  }
0x92: {  	_ =	strace s18  }
0x93: {  	s3 =	sld [smem:$0x3FFC];
	_ =	sdelay $0x3  }
0x94: {  	_ =	strace s3  }
0x95: {  	s3 =	sld [smem:$0x3FFD];
	_ =	sdelay $0x3  }
0x96: {  	_ =	strace s3  }
0x97: {  	_ =	strace $0x8FFFFFFF  }
0x98: {  	s19 =	sld [smem:$0x3FDB];
	_ =	sdelay $0x1  }
0x99: {  	s4 =	simm.s32 $_scs_section_size  }
0x9a: {  	s5 =	simm.s32 $_size__tile_overlayer_lowered;
	s6 =	simm.s32 $_tile_overlayer_lowered  }
0x9b: {  	s22 =	simm.s32 $0x1BFF;
	s21 =	sshll.u32 s6, $0x1;
	s3 =	sadd.s32 s4, s19  }
0x9c: {  	s7 =	simm.s32 $0x0;
	s20 =	sshll.u32 s5, $0x1;
	s5 =	sadd.s32 s21, s3  }
0x9d: {  	[timem:s7], [sflag:s22] =	dma.local [hbm:s5], s20  }
0x9e: {  	_ =	swait.ge [sflag:s22], s20  }
0x9f: {  	s4 =	ssub.s32 $0x0, s20;
	[sflag:s22] =	ssyncset.done $0x0  }
0xa0: {  	[sflag:s22] =	ssyncadd.s32 s4;
	_ =	sdelay $0x1  }
0xa1: {  	s23 =	simm.s32 $0x1B8B  }
0xa2: {  	_ =	swait.ge [sflag:s23], $0x1  }
0xa3: {  	[sflag:s23] =	ssyncset.done $0x0  }
0xa4: {  	s25 =	simm.s32 $0x1B8E;
	s24 =	sld [smem:$0x3FFE];
	[sflag:s23] =	ssyncadd.s32 $0xFFFFFFFF  }
0xa5: {  	s26 =	simm.s32 $execute0_lowered;
	[smem:$0x3FD2] =	sst s25  }
0xa6: {  	s5 =	sshll.u32 s26, $0x1;
	_ =	strace $0x80000046;
	[dreg:$0x1] =	wrdreg $0xFFFFFFFF  }
0xa7: {  	s28 =	simm.s32 $_size_execute0_lowered;
	s3 =	sadd.s32 s3, s5;
	[dreg:$0x0] =	wrdreg $0x0  }
0xa8: {  	s5 =	sshll.u32 s28, $0x1;
	[dreg:$0x2] =	wrdreg s3  }
0xa9: {  	[dreg:$0x3] =	wrdreg s5  }
0xaa: {  	[dreg:$0x4] =	wrdreg $0xC0  }
0xab: {  	_ =	task [dreg:s7], $0x5FFFF  }
0xac: {  	[dreg:$0x1] =	wrdreg $0xFFFFFFFF  }
0xad: {  	[dreg:$0x0] =	wrdreg $0x60  }
0xae: {  	[dreg:$0x2] =	wrdreg s2  }
0xaf: {  	[dreg:$0x3] =	wrdreg s24  }
0xb0: {  	[dreg:$0x4] =	wrdreg $0x9  }
0xb1: {  	_ =	task.clear_ibuf [dreg:s7], $0x5FFFF;
	_ =	strace $0x90000046  }
0xb2: {  	s29 =	simm.s32 $0x9;
	_ =	strace $0x80000048  }
0xb3: {  	_ =	swait.ge [sflag:s29], $0x1  }
0xb4: {  	[sflag:s29] =	ssyncadd.s32 $0xFFFFFFFF  }
0xb5: {  	_ =	strace $0x90000048  }
0xb6: {  	_ =	sfence  }
0xb7: {  	s30 =	sld [smem:$0x0];
	_ =	sdelay $0x2  }
0xb8: {  	s31 =	sshll.u32 s1, $0xD;
	s1 =	sshrl.u32 s1, $0x2  }
0xb9: {  	s3 =	sand.u32 $0x4000, s31;
	s1 =	sadd.s32 s1, s30  }
0xba: {  	s0 =	sor.u32 s3, s0;
	s1 =	sshll.u32 s1, $0x11  }
0xbb: {  	s0 =	sor.u32 s1, s0  }
0xbc: {  	s0 =	sadd.s32 $0x8F2B, s0  }
0xbd: {  	[sflag:s0] =	ssyncadd.remote.s32 $0x1  }
0xbe: {  	_ =	sfence.sel $0xFFFF  }
0xbf: {  	[dreg:$0x0] =	wrdreg $0xFFFFFFFF;
	(pc) =	sbr.abs _section_cstart, $3  }
0xc0: {  	[dreg:$0x1] =	wrdreg $0xFFFFFFFF  }
0xc1: {  	_ =	task.clear_ibuf [dreg:s7], $0x2FFFF;
	_ =	strace $0x9FFFFFFF  }
0xc2: {  	(tm) =	ssettm $0x7FFFFFFF  }
0xc3: {  	_ =	shalt  }
tec
execute0_lowered:
.L_overlay_start_1:
0x0: {  	(tag) =	ssettag $0x1  }
0x1: {  	s0 =	rddreg [dreg:$0x0]  }
0x2: {  	s1 =	rddreg [dreg:$0x1]  }
0x3: {  	s2 =	srdreg.scid;
	s3 =	stileid.u32  }
0x4: {  	s4 =	simm.s32 $0x0;
	s2 =	sand.u32 $0x1, s2;
	s3 =	sshll.u32 s3, $0x1  }
0x5: {  	[smem:$0x7FF] =	sst s4;
	s5 =	sadd.s32 $0xF42E00, s1;
	s3 =	sor.u32 s2, s3  }
0x6: {  	s1 =	sadd.s32 $0xA00, s1;
	_ =	strace $0x80000047;
	s28 =	smul.u32 $0xC80, s3  }
0x7: {  	s2 =	ssub.s32 $0x2, s2;
	[dreg:$0x3] =	wrdreg s5;
	s30 =	smul.u32 $0x320000, s3  }
0x8: {  	[dreg:$0x4] =	wrdreg s1;
	s29 =	sshrl.u32 s2, $0x1  }
0x9: {  	s1 =	ssub.s32 s2, s29;
	s0 =	sadd.s32 s0, s28;
	[dreg:$0x6] =	wrdreg s30  }
0xa: {  	s31 =	smax.u32 s1, $0x1;
	[dreg:$0x5] =	wrdreg s0  }
0xb: {  	s2 =	simm.s32 $0x0;
	[dreg:$0x7] =	wrdreg s31  }
.LBB2_1:
0xc: {  	[dreg:$0x8] =	wrdreg s2  }
0xd: {  	s0 =	simm.s32 $0x0;
	s1 =	rddreg [dreg:$0x5];
	s28 =	simm.s32 $0x4  }
0xe: {  	[tilespmem:s0], [sflag:$0x4] =	stream.linear.gather [hbm4b:s1+s0], $0x6400, $0x38;
	[tilespmem:$0x12500] =	vst v63  }
0xf: {  	_ =	swait.ge [sflag:s28], $0x6400  }
0x10: {  	[sflag:s28] =	ssyncset.done $0x0  }
0x11: {  	[sflag:s28] =	ssyncadd.s32 $0xFFFF9C00  }
0x12: {  	v0 =	vld [tilespmem:$0x0]  }
0x13: {  	v1 =	vld [tilespmem:$0x10]  }
0x14: {  	v2 =	vld [tilespmem:$0x20]  }
0x15: {  	v3 =	vld [tilespmem:$0x30]  }
0x16: {  	v4 =	vld [tilespmem:$0x40]  }
0x17: {  	v5 =	vld [tilespmem:$0x50];
	v0 =	vshrl.u32 v0, $0x1  }
0x18: {  	v56 =	vld [tilespmem:$0x60];
	v55 =	vshrl.u32 v1, $0x1;
	[tilespmem:$0x6400] =	vst v0  }
0x19: {  	v58 =	vld [tilespmem:$0x70];
	v57 =	vshrl.u32 v2, $0x1;
	[tilespmem:$0x6410] =	vst v55  }
0x1a: {  	v59 =	vshrl.u32 v3, $0x1;
	[tilespmem:$0x6420] =	vst v57  }
0x1b: {  	v60 =	vshrl.u32 v4, $0x1;
	[tilespmem:$0x6430] =	vst v59  }
0x1c: {  	v61 =	vshrl.u32 v5, $0x1;
	[tilespmem:$0x6440] =	vst v60  }
0x1d: {  	v62 =	vshrl.u32 v56, $0x1;
	[tilespmem:$0x6450] =	vst v61  }
0x1e: {  	s30 =	simm.s32 $0x80;
	s31 =	simm.s32 $0x6400;
	v63 =	vshrl.u32 v58, $0x1;
	[tilespmem:$0x6460] =	vst v62  }
0x1f: {  	s3 =	simm.s32 $0x6500;
	s4 =	simm.s32 $0x0;
	s29 =	rddreg [dreg:$0x3];
	[tilespmem:$0x6470] =	vst v63  }
0x20: {  	[tilespmem:s3], [sflag:$0x1] =	stream.indirect.gather [hbm4b:s29+s30], $0x80, s31, s30, $0xb8;
	[tilespmem:$0x12500] =	vst v63  }
.LBB2_2:
0x21: {  	s0 =	sshllo.u32 s4, $0x1  }
0x22: {  	[dreg:$0xa] =	wrdreg s0;
	s0 =	sshll.u32 s0, $0x7  }
0x23: {  	s0 =	sand.u32 $0x3FFFFF80, s0  }
0x24: {  	v0 =	vld [tilespmem:s0+$0x0];
	_ =	sdelay $0x4  }
0x25: {  	v0 =	vshrl.u32 v0, $0x1  }
0x26: {  	[tilespmem:$0x6480] =	vst v0  }
0x27: {  	v0 =	vld [tilespmem:s0+$0x10];
	_ =	sdelay $0x4  }
0x28: {  	v0 =	vshrl.u32 v0, $0x1  }
0x29: {  	[tilespmem:$0x6490] =	vst v0  }
0x2a: {  	v0 =	vld [tilespmem:s0+$0x20];
	_ =	sdelay $0x4  }
0x2b: {  	v0 =	vshrl.u32 v0, $0x1  }
0x2c: {  	[tilespmem:$0x64A0] =	vst v0  }
0x2d: {  	v0 =	vld [tilespmem:s0+$0x30];
	_ =	sdelay $0x4  }
0x2e: {  	v0 =	vshrl.u32 v0, $0x1  }
0x2f: {  	[tilespmem:$0x64B0] =	vst v0  }
0x30: {  	v0 =	vld [tilespmem:s0+$0x40];
	_ =	sdelay $0x4  }
0x31: {  	v0 =	vshrl.u32 v0, $0x1  }
0x32: {  	[tilespmem:$0x64C0] =	vst v0  }
0x33: {  	v0 =	vld [tilespmem:s0+$0x50];
	_ =	sdelay $0x4  }
0x34: {  	v0 =	vshrl.u32 v0, $0x1  }
0x35: {  	[tilespmem:$0x64D0] =	vst v0  }
0x36: {  	v0 =	vld [tilespmem:s0+$0x60];
	_ =	sdelay $0x4  }
0x37: {  	v0 =	vshrl.u32 v0, $0x1  }
0x38: {  	[tilespmem:$0x64E0] =	vst v0  }
0x39: {  	v0 =	vld [tilespmem:s0+$0x70];
	_ =	sdelay $0x4  }
0x3a: {  	s29 =	rddreg [dreg:$0x3];
	s1 =	simm.s32 $0x80;
	s2 =	simm.s32 $0x6480;
	v0 =	vshrl.u32 v0, $0x1  }
0x3b: {  	s3 =	simm.s32 $0xA500;
	s30 =	simm.s32 $0x1;
	[dreg:$0xb] =	wrdreg s0;
	[tilespmem:$0x64F0] =	vst v0  }
0x3c: {  	[tilespmem:s3], [sflag:$0x2] =	stream.indirect.gather [hbm4b:s29+s1], $0x80, s2, s1, $0xb8;
	[tilespmem:$0x12500] =	vst v63  }
0x3d: {  	_ =	swait.ge [sflag:s30], $0x4000  }
0x3e: {  	p0 =	seq.s32 s4, $0x0;
	s31 =	sshll.u32 s4, $0x8;
	[sflag:s30] =	ssyncset.done $0x0  }
0x3f: {  	s0 =	simm.s32 @!p0 $0x3;
	s1 =	sand.u32 $0x3FFFFF00, s31;
	[sflag:s30] =	ssyncadd.s32 $0xFFFFC000  }
0x40: {  	v0 =	vmov s1;
	_ =	swait.ge @!p0 [sflag:s0], $0x4000;
	[dreg:$0x9] =	wrdreg s4  }
0x41: {  	[dreg:$0xc] =	wrdreg s1;
	[sflag:s0] =	ssyncset.done @!p0 $0x0  }
0x42: {  	[sflag:s0] =	ssyncadd.s32 @!p0 $0xFFFFC000;
	s0 =	simm.s32 $0x0;
	p0 =	por $0x1, $0x1  }
.LBB2_3:
0x43: {  	s5 =	sshll.u32 s0, $0x4  }
0x44: {  	s2 =	sand.u32 $0x3FFFFFF0, s5  }
0x45: {  	v1 =	vld.idx.msk [tilespmem:v0+s2+$0x0 ss:$0x1], $0xffff;
	_ =	sdelay $0x4  }
0x46: {  	v1 =	vshll.u32 v1, $0x6  }
0x47: {  	v1 =	vand.u32 $0x40, v1  }
0x48: {  	(v2sf) =	vpush v1, $0x0;
	_ =	sdelay $0xe  }
0x49: {  	s23 =	sshll.u32 s0, $0xB;
	s4 =	spop (v2sf)  }
0x4a: {  	s0 =	sor.u32 s4, s23  }
0x4b: {  	v2 =	vld [tilespmem:s0+$0x6500];
	_ =	sdelay $0x4  }
0x4c: {  	[tilespmem:s23+$0xE500] =	vst v2  }
0x4d: {  	v2 =	vld [tilespmem:s0+$0x6510]  }
0x4e: {  	(v2sf) =	vpush v1, $0x1;
	_ =	sdelay $0x3  }
0x4f: {  	[tilespmem:s23+$0xE510] =	vst v2  }
0x50: {  	v2 =	vld [tilespmem:s0+$0x6520];
	_ =	sdelay $0x4  }
0x51: {  	[tilespmem:s23+$0xE520] =	vst v2  }
0x52: {  	v2 =	vld [tilespmem:s0+$0x6530];
	_ =	sdelay $0x3  }
0x53: {  	s6 =	spop (v2sf)  }
0x54: {  	s0 =	sor.u32 s6, s23;
	[tilespmem:s23+$0xE530] =	vst v2  }
0x55: {  	v2 =	vld [tilespmem:s0+$0x6580];
	_ =	sdelay $0x4  }
0x56: {  	[tilespmem:s23+$0xE580] =	vst v2  }
0x57: {  	v2 =	vld [tilespmem:s0+$0x6590]  }
0x58: {  	(v2sf) =	vpush v1, $0x2;
	_ =	sdelay $0x3  }
0x59: {  	[tilespmem:s23+$0xE590] =	vst v2  }
0x5a: {  	v2 =	vld [tilespmem:s0+$0x65A0];
	_ =	sdelay $0x4  }
0x5b: {  	[tilespmem:s23+$0xE5A0] =	vst v2  }
0x5c: {  	v2 =	vld [tilespmem:s0+$0x65B0];
	_ =	sdelay $0x3  }
0x5d: {  	s7 =	spop (v2sf)  }
0x5e: {  	s0 =	sor.u32 s7, s23;
	[tilespmem:s23+$0xE5B0] =	vst v2  }
0x5f: {  	v2 =	vld [tilespmem:s0+$0x6600];
	_ =	sdelay $0x4  }
0x60: {  	[tilespmem:s23+$0xE600] =	vst v2  }
0x61: {  	v2 =	vld [tilespmem:s0+$0x6610]  }
0x62: {  	(v2sf) =	vpush v1, $0x3;
	_ =	sdelay $0x3  }
0x63: {  	[tilespmem:s23+$0xE610] =	vst v2  }
0x64: {  	v2 =	vld [tilespmem:s0+$0x6620];
	_ =	sdelay $0x4  }
0x65: {  	[tilespmem:s23+$0xE620] =	vst v2  }
0x66: {  	v2 =	vld [tilespmem:s0+$0x6630];
	_ =	sdelay $0x3  }
0x67: {  	s8 =	spop (v2sf)  }
0x68: {  	s0 =	sor.u32 s8, s23;
	[tilespmem:s23+$0xE630] =	vst v2  }
0x69: {  	v2 =	vld [tilespmem:s0+$0x6680];
	_ =	sdelay $0x4  }
0x6a: {  	[tilespmem:s23+$0xE680] =	vst v2  }
0x6b: {  	v2 =	vld [tilespmem:s0+$0x6690]  }
0x6c: {  	(v2sf) =	vpush v1, $0x4;
	_ =	sdelay $0x3  }
0x6d: {  	[tilespmem:s23+$0xE690] =	vst v2  }
0x6e: {  	v2 =	vld [tilespmem:s0+$0x66A0];
	_ =	sdelay $0x4  }
0x6f: {  	[tilespmem:s23+$0xE6A0] =	vst v2  }
0x70: {  	v2 =	vld [tilespmem:s0+$0x66B0];
	_ =	sdelay $0x3  }
0x71: {  	s9 =	spop (v2sf)  }
0x72: {  	s0 =	sor.u32 s9, s23;
	[tilespmem:s23+$0xE6B0] =	vst v2  }
0x73: {  	v2 =	vld [tilespmem:s0+$0x6700];
	_ =	sdelay $0x4  }
0x74: {  	[tilespmem:s23+$0xE700] =	vst v2  }
0x75: {  	v2 =	vld [tilespmem:s0+$0x6710]  }
0x76: {  	(v2sf) =	vpush v1, $0x5;
	_ =	sdelay $0x3  }
0x77: {  	[tilespmem:s23+$0xE710] =	vst v2  }
0x78: {  	v2 =	vld [tilespmem:s0+$0x6720];
	_ =	sdelay $0x4  }
0x79: {  	[tilespmem:s23+$0xE720] =	vst v2  }
0x7a: {  	v2 =	vld [tilespmem:s0+$0x6730];
	_ =	sdelay $0x3  }
0x7b: {  	s10 =	spop (v2sf)  }
0x7c: {  	s0 =	sor.u32 s10, s23;
	[tilespmem:s23+$0xE730] =	vst v2  }
0x7d: {  	v2 =	vld [tilespmem:s0+$0x6780];
	_ =	sdelay $0x4  }
0x7e: {  	[tilespmem:s23+$0xE780] =	vst v2  }
0x7f: {  	v2 =	vld [tilespmem:s0+$0x6790]  }
0x80: {  	(v2sf) =	vpush v1, $0x6;
	_ =	sdelay $0x3  }
0x81: {  	[tilespmem:s23+$0xE790] =	vst v2  }
0x82: {  	v2 =	vld [tilespmem:s0+$0x67A0];
	_ =	sdelay $0x4  }
0x83: {  	[tilespmem:s23+$0xE7A0] =	vst v2  }
0x84: {  	v2 =	vld [tilespmem:s0+$0x67B0];
	_ =	sdelay $0x3  }
0x85: {  	s11 =	spop (v2sf)  }
0x86: {  	s0 =	sor.u32 s11, s23;
	[tilespmem:s23+$0xE7B0] =	vst v2  }
0x87: {  	v2 =	vld [tilespmem:s0+$0x6800];
	_ =	sdelay $0x4  }
0x88: {  	[tilespmem:s23+$0xE800] =	vst v2  }
0x89: {  	v2 =	vld [tilespmem:s0+$0x6810]  }
0x8a: {  	(v2sf) =	vpush v1, $0x7;
	_ =	sdelay $0x3  }
0x8b: {  	[tilespmem:s23+$0xE810] =	vst v2  }
0x8c: {  	v2 =	vld [tilespmem:s0+$0x6820];
	_ =	sdelay $0x4  }
0x8d: {  	[tilespmem:s23+$0xE820] =	vst v2  }
0x8e: {  	v2 =	vld [tilespmem:s0+$0x6830];
	_ =	sdelay $0x3  }
0x8f: {  	s12 =	spop (v2sf)  }
0x90: {  	s0 =	sor.u32 s12, s23;
	[tilespmem:s23+$0xE830] =	vst v2  }
0x91: {  	v2 =	vld [tilespmem:s0+$0x6880];
	_ =	sdelay $0x4  }
0x92: {  	[tilespmem:s23+$0xE880] =	vst v2  }
0x93: {  	v2 =	vld [tilespmem:s0+$0x6890]  }
0x94: {  	(v2sf) =	vpush v1, $0x8;
	_ =	sdelay $0x3  }
0x95: {  	[tilespmem:s23+$0xE890] =	vst v2  }
0x96: {  	v2 =	vld [tilespmem:s0+$0x68A0];
	_ =	sdelay $0x4  }
0x97: {  	[tilespmem:s23+$0xE8A0] =	vst v2  }
0x98: {  	v2 =	vld [tilespmem:s0+$0x68B0];
	_ =	sdelay $0x3  }
0x99: {  	s13 =	spop (v2sf)  }
0x9a: {  	s0 =	sor.u32 s13, s23;
	[tilespmem:s23+$0xE8B0] =	vst v2  }
0x9b: {  	v2 =	vld [tilespmem:s0+$0x6900];
	_ =	sdelay $0x4  }
0x9c: {  	[tilespmem:s23+$0xE900] =	vst v2  }
0x9d: {  	v2 =	vld [tilespmem:s0+$0x6910]  }
0x9e: {  	(v2sf) =	vpush v1, $0x9;
	_ =	sdelay $0x3  }
0x9f: {  	[tilespmem:s23+$0xE910] =	vst v2  }
0xa0: {  	v2 =	vld [tilespmem:s0+$0x6920];
	_ =	sdelay $0x4  }
0xa1: {  	[tilespmem:s23+$0xE920] =	vst v2  }
0xa2: {  	v2 =	vld [tilespmem:s0+$0x6930];
	_ =	sdelay $0x3  }
0xa3: {  	s14 =	spop (v2sf)  }
0xa4: {  	s0 =	sor.u32 s14, s23;
	[tilespmem:s23+$0xE930] =	vst v2  }
0xa5: {  	v2 =	vld [tilespmem:s0+$0x6980];
	_ =	sdelay $0x4  }
0xa6: {  	[tilespmem:s23+$0xE980] =	vst v2  }
0xa7: {  	v2 =	vld [tilespmem:s0+$0x6990]  }
0xa8: {  	(v2sf) =	vpush v1, $0xA;
	_ =	sdelay $0x3  }
0xa9: {  	[tilespmem:s23+$0xE990] =	vst v2  }
0xaa: {  	v2 =	vld [tilespmem:s0+$0x69A0];
	_ =	sdelay $0x4  }
0xab: {  	[tilespmem:s23+$0xE9A0] =	vst v2  }
0xac: {  	v2 =	vld [tilespmem:s0+$0x69B0];
	_ =	sdelay $0x3  }
0xad: {  	s15 =	spop (v2sf)  }
0xae: {  	s0 =	sor.u32 s15, s23;
	[tilespmem:s23+$0xE9B0] =	vst v2  }
0xaf: {  	v2 =	vld [tilespmem:s0+$0x6A00];
	_ =	sdelay $0x4  }
0xb0: {  	[tilespmem:s23+$0xEA00] =	vst v2  }
0xb1: {  	v2 =	vld [tilespmem:s0+$0x6A10]  }
0xb2: {  	(v2sf) =	vpush v1, $0xB;
	_ =	sdelay $0x3  }
0xb3: {  	[tilespmem:s23+$0xEA10] =	vst v2  }
0xb4: {  	v2 =	vld [tilespmem:s0+$0x6A20];
	_ =	sdelay $0x4  }
0xb5: {  	[tilespmem:s23+$0xEA20] =	vst v2  }
0xb6: {  	v2 =	vld [tilespmem:s0+$0x6A30];
	_ =	sdelay $0x3  }
0xb7: {  	s16 =	spop (v2sf)  }
0xb8: {  	s0 =	sor.u32 s16, s23;
	[tilespmem:s23+$0xEA30] =	vst v2  }
0xb9: {  	v2 =	vld [tilespmem:s0+$0x6A80];
	_ =	sdelay $0x4  }
0xba: {  	[tilespmem:s23+$0xEA80] =	vst v2  }
0xbb: {  	v2 =	vld [tilespmem:s0+$0x6A90]  }
0xbc: {  	(v2sf) =	vpush v1, $0xC;
	_ =	sdelay $0x3  }
0xbd: {  	[tilespmem:s23+$0xEA90] =	vst v2  }
0xbe: {  	v2 =	vld [tilespmem:s0+$0x6AA0];
	_ =	sdelay $0x4  }
0xbf: {  	[tilespmem:s23+$0xEAA0] =	vst v2  }
0xc0: {  	v2 =	vld [tilespmem:s0+$0x6AB0];
	_ =	sdelay $0x3  }
0xc1: {  	s17 =	spop (v2sf)  }
0xc2: {  	s0 =	sor.u32 s17, s23;
	[tilespmem:s23+$0xEAB0] =	vst v2  }
0xc3: {  	v2 =	vld [tilespmem:s0+$0x6B00];
	_ =	sdelay $0x4  }
0xc4: {  	[tilespmem:s23+$0xEB00] =	vst v2  }
0xc5: {  	v2 =	vld [tilespmem:s0+$0x6B10]  }
0xc6: {  	(v2sf) =	vpush v1, $0xD;
	_ =	sdelay $0x3  }
0xc7: {  	[tilespmem:s23+$0xEB10] =	vst v2  }
0xc8: {  	v2 =	vld [tilespmem:s0+$0x6B20];
	_ =	sdelay $0x4  }
0xc9: {  	[tilespmem:s23+$0xEB20] =	vst v2  }
0xca: {  	v2 =	vld [tilespmem:s0+$0x6B30];
	_ =	sdelay $0x3  }
0xcb: {  	s18 =	spop (v2sf)  }
0xcc: {  	s0 =	sor.u32 s18, s23;
	[tilespmem:s23+$0xEB30] =	vst v2  }
0xcd: {  	v2 =	vld [tilespmem:s0+$0x6B80];
	_ =	sdelay $0x4  }
0xce: {  	[tilespmem:s23+$0xEB80] =	vst v2  }
0xcf: {  	v2 =	vld [tilespmem:s0+$0x6B90]  }
0xd0: {  	(v2sf) =	vpush v1, $0xE;
	_ =	sdelay $0x3  }
0xd1: {  	[tilespmem:s23+$0xEB90] =	vst v2  }
0xd2: {  	v2 =	vld [tilespmem:s0+$0x6BA0];
	_ =	sdelay $0x4  }
0xd3: {  	[tilespmem:s23+$0xEBA0] =	vst v2  }
0xd4: {  	v2 =	vld [tilespmem:s0+$0x6BB0];
	_ =	sdelay $0x3  }
0xd5: {  	s19 =	spop (v2sf)  }
0xd6: {  	s24 =	sor.u32 s19, s23;
	[tilespmem:s23+$0xEBB0] =	vst v2  }
0xd7: {  	v2 =	vld [tilespmem:s24+$0x6C00];
	_ =	sdelay $0x3  }
0xd8: {  	s30 =	sor.u32 $0x10, s5  }
0xd9: {  	[tilespmem:s23+$0xEC00] =	vst v2;
	v2 =	vld.idx.msk [tilespmem:v0+s30+$0x0 ss:$0x1], $0xffff;
	_ =	sdelay $0x4  }
0xda: {  	v2 =	vshll.u32 v2, $0x6  }
0xdb: {  	(v2sf) =	vpush v1, $0xF;
	v1 =	vand.u32 $0x40, v2  }
0xdc: {  	(v2sf) =	vpush v1, $0x0  }
0xdd: {  	(v2sf) =	vpush v1, $0x1  }
0xde: {  	(v2sf) =	vpush v1, $0x2  }
0xdf: {  	(v2sf) =	vpush v1, $0x3  }
0xe0: {  	(v2sf) =	vpush v1, $0x4  }
0xe1: {  	(v2sf) =	vpush v1, $0x5  }
0xe2: {  	(v2sf) =	vpush v1, $0x6  }
0xe3: {  	(v2sf) =	vpush v1, $0x7  }
0xe4: {  	s1 =	sor.u32 $0x20, s5;
	(v2sf) =	vpush v1, $0x8  }
0xe5: {  	v2 =	vld.idx.msk [tilespmem:v0+s1+$0x0 ss:$0x1], $0xffff;
	(v2sf) =	vpush v1, $0x9  }
0xe6: {  	(v2sf) =	vpush v1, $0xA  }
0xe7: {  	(v2sf) =	vpush v1, $0xB  }
0xe8: {  	(v2sf) =	vpush v1, $0xC  }
0xe9: {  	(v2sf) =	vpush v1, $0xD  }
0xea: {  	v2 =	vshll.u32 v2, $0x6;
	s20 =	spop (v2sf);
	(v2sf) =	vpush v1, $0xE  }
0xeb: {  	s3 =	spop (v2sf);
	(v2sf) =	vpush v1, $0xF;
	v1 =	vand.u32 $0x40, v2  }
0xec: {  	s22 =	spop (v2sf);
	(v2sf) =	vpush v1, $0x0  }
0xed: {  	s19 =	spop (v2sf);
	(v2sf) =	vpush v1, $0x1  }
0xee: {  	s7 =	spop (v2sf);
	(v2sf) =	vpush v1, $0x2  }
0xef: {  	s9 =	spop (v2sf);
	(v2sf) =	vpush v1, $0x3  }
0xf0: {  	s17 =	spop (v2sf);
	(v2sf) =	vpush v1, $0x4  }
0xf1: {  	s14 =	spop (v2sf);
	(v2sf) =	vpush v1, $0x5  }
0xf2: {  	s15 =	spop (v2sf);
	(v2sf) =	vpush v1, $0x6  }
0xf3: {  	s13 =	spop (v2sf);
	(v2sf) =	vpush v1, $0x7  }
0xf4: {  	s28 =	sor.u32 $0x30, s5;
	s18 =	spop (v2sf);
	(v2sf) =	vpush v1, $0x8  }
0xf5: {  	v2 =	vld.idx.msk [tilespmem:v0+s28+$0x0 ss:$0x1], $0xffff;
	s26 =	spop (v2sf);
	(v2sf) =	vpush v1, $0x9  }
0xf6: {  	s31 =	spop (v2sf);
	(v2sf) =	vpush v1, $0xA  }
0xf7: {  	s21 =	spop (v2sf);
	(v2sf) =	vpush v1, $0xB  }
0xf8: {  	s25 =	spop (v2sf);
	(v2sf) =	vpush v1, $0xC  }
0xf9: {  	s29 =	spop (v2sf);
	(v2sf) =	vpush v1, $0xD  }
0xfa: {  	v2 =	vshll.u32 v2, $0x6;
	s2 =	spop (v2sf);
	(v2sf) =	vpush v1, $0xE  }
0xfb: {  	[dreg:$0xf] =	wrdreg s2;
	s2 =	spop (v2sf);
	(v2sf) =	vpush v1, $0xF;
	v1 =	vand.u32 $0x40, v2  }
0xfc: {  	s5 =	spop (v2sf);
	(v2sf) =	vpush v1, $0x0  }
0xfd: {  	s6 =	spop (v2sf)  }
0xfe: {  	[dreg:$0x19] =	wrdreg s21;
	s21 =	spop (v2sf)  }
0xff: {  	[dreg:$0xd] =	wrdreg s20;
	s20 =	spop (v2sf)  }
0x100: {  	s8 =	spop (v2sf)  }
0x101: {  	s16 =	spop (v2sf)  }
0x102: {  	s10 =	spop (v2sf)  }
0x103: {  	s11 =	spop (v2sf)  }
0x104: {  	s12 =	spop (v2sf)  }
0x105: {  	[dreg:$0x15] =	wrdreg s25;
	s25 =	spop (v2sf)  }
0x106: {  	[dreg:$0x13] =	wrdreg s29;
	s29 =	spop (v2sf)  }
0x107: {  	s4 =	spop (v2sf)  }
0x108: {  	s0 =	sshll.u32 s30, $0x7;
	[dreg:$0x1b] =	wrdreg s4;
	s4 =	spop (v2sf)  }
0x109: {  	s1 =	sshll.u32 s1, $0x7;
	s28 =	sshll.u32 s28, $0x7;
	s30 =	spop (v2sf)  }
0x10a: {  	s3 =	sor.u32 s3, s0;
	[dreg:$0x17] =	wrdreg s4;
	s4 =	spop (v2sf)  }
0x10b: {  	v2 =	vld [tilespmem:s3+$0x6500];
	s2 =	sor.u32 s2, s1;
	[dreg:$0x11] =	wrdreg s4;
	s4 =	spop (v2sf)  }
0x10c: {  	v3 =	vld [tilespmem:s2+$0x6500];
	s4 =	sor.u32 s4, s28  }
0x10d: {  	v4 =	vld [tilespmem:s4+$0x6500];
	_ =	sdelay $0x2  }
0x10e: {  	[tilespmem:s0+$0xE500] =	vst v2  }
0x10f: {  	v2 =	vld [tilespmem:s3+$0x6510];
	[tilespmem:s1+$0xE500] =	vst v3  }
0x110: {  	v3 =	vld [tilespmem:s2+$0x6510];
	[tilespmem:s28+$0xE500] =	vst v4  }
0x111: {  	(v2sf) =	vpush v1, $0x1;
	v4 =	vld [tilespmem:s4+$0x6510];
	_ =	sdelay $0x2  }
0x112: {  	[tilespmem:s0+$0xE510] =	vst v2  }
0x113: {  	v2 =	vld [tilespmem:s3+$0x6520];
	[tilespmem:s1+$0xE510] =	vst v3  }
0x114: {  	v3 =	vld [tilespmem:s2+$0x6520];
	[tilespmem:s28+$0xE510] =	vst v4  }
0x115: {  	v4 =	vld [tilespmem:s4+$0x6520];
	_ =	sdelay $0x2  }
0x116: {  	[tilespmem:s0+$0xE520] =	vst v2  }
0x117: {  	v2 =	vld [tilespmem:s3+$0x6530];
	[tilespmem:s1+$0xE520] =	vst v3  }
0x118: {  	v3 =	vld [tilespmem:s2+$0x6530];
	[tilespmem:s28+$0xE520] =	vst v4  }
0x119: {  	v4 =	vld [tilespmem:s4+$0x6530];
	_ =	sdelay $0x1  }
0x11a: {  	s4 =	sor.u32 s22, s23  }
0x11b: {  	s5 =	sor.u32 s5, s23;
	[tilespmem:s0+$0xE530] =	vst v2;
	s22 =	spop (v2sf);
	s0 =	sor.u32 $0x880, s4  }
0x11c: {  	[tilespmem:s1+$0xE530] =	vst v3;
	s4 =	sor.u32 $0x1080, s5;
	s5 =	sor.u32 s22, s23;
	v2 =	vld [tilespmem:s0+$0x6500]  }
0x11d: {  	v3 =	vld [tilespmem:s4+$0x6500];
	s2 =	sor.u32 $0x1880, s5;
	[tilespmem:s28+$0xE530] =	vst v4  }
0x11e: {  	v4 =	vld [tilespmem:s2+$0x6500];
	_ =	sdelay $0x2  }
0x11f: {  	[tilespmem:s23+$0xED80] =	vst v2  }
0x120: {  	[tilespmem:s23+$0xF580] =	vst v3;
	v2 =	vld [tilespmem:s0+$0x6510]  }
0x121: {  	v3 =	vld [tilespmem:s4+$0x6510];
	[tilespmem:s23+$0xFD80] =	vst v4  }
0x122: {  	(v2sf) =	vpush v1, $0x2;
	v4 =	vld [tilespmem:s2+$0x6510];
	_ =	sdelay $0x2  }
0x123: {  	[tilespmem:s23+$0xED90] =	vst v2  }
0x124: {  	[tilespmem:s23+$0xF590] =	vst v3;
	v2 =	vld [tilespmem:s0+$0x6520]  }
0x125: {  	v3 =	vld [tilespmem:s4+$0x6520];
	[tilespmem:s23+$0xFD90] =	vst v4  }
0x126: {  	v4 =	vld [tilespmem:s2+$0x6520];
	_ =	sdelay $0x2  }
0x127: {  	[tilespmem:s23+$0xEDA0] =	vst v2  }
0x128: {  	[tilespmem:s23+$0xF5A0] =	vst v3;
	v2 =	vld [tilespmem:s0+$0x6530]  }
0x129: {  	v3 =	vld [tilespmem:s4+$0x6530];
	[tilespmem:s23+$0xFDA0] =	vst v4  }
0x12a: {  	v4 =	vld [tilespmem:s2+$0x6530];
	_ =	sdelay $0x1  }
0x12b: {  	s19 =	sor.u32 s19, s23  }
0x12c: {  	s22 =	sor.u32 s6, s23;
	s28 =	spop (v2sf);
	s0 =	sor.u32 $0x900, s19;
	[tilespmem:s23+$0xEDB0] =	vst v2  }
0x12d: {  	s1 =	sor.u32 $0x1100, s22;
	s2 =	sor.u32 s28, s23;
	[tilespmem:s23+$0xF5B0] =	vst v3;
	v2 =	vld [tilespmem:s0+$0x6500]  }
0x12e: {  	s2 =	sor.u32 $0x1900, s2;
	v3 =	vld [tilespmem:s1+$0x6500];
	[tilespmem:s23+$0xFDB0] =	vst v4  }
0x12f: {  	v4 =	vld [tilespmem:s2+$0x6500];
	_ =	sdelay $0x2  }
0x130: {  	[tilespmem:s23+$0xEE00] =	vst v2  }
0x131: {  	[tilespmem:s23+$0xF600] =	vst v3;
	v2 =	vld [tilespmem:s0+$0x6510]  }
0x132: {  	v3 =	vld [tilespmem:s1+$0x6510];
	[tilespmem:s23+$0xFE00] =	vst v4  }
0x133: {  	(v2sf) =	vpush v1, $0x3;
	v4 =	vld [tilespmem:s2+$0x6510];
	_ =	sdelay $0x2  }
0x134: {  	[tilespmem:s23+$0xEE10] =	vst v2  }
0x135: {  	[tilespmem:s23+$0xF610] =	vst v3;
	v2 =	vld [tilespmem:s0+$0x6520]  }
0x136: {  	v3 =	vld [tilespmem:s1+$0x6520];
	[tilespmem:s23+$0xFE10] =	vst v4  }
0x137: {  	v4 =	vld [tilespmem:s2+$0x6520];
	_ =	sdelay $0x2  }
0x138: {  	[tilespmem:s23+$0xEE20] =	vst v2  }
0x139: {  	[tilespmem:s23+$0xF620] =	vst v3;
	v2 =	vld [tilespmem:s0+$0x6530]  }
0x13a: {  	v3 =	vld [tilespmem:s1+$0x6530];
	[tilespmem:s23+$0xFE20] =	vst v4  }
0x13b: {  	v4 =	vld [tilespmem:s2+$0x6530];
	_ =	sdelay $0x1  }
0x13c: {  	s3 =	sor.u32 s7, s23  }
0x13d: {  	s4 =	sor.u32 s21, s23;
	s5 =	spop (v2sf);
	s0 =	sor.u32 $0x980, s3;
	[tilespmem:s23+$0xEE30] =	vst v2  }
0x13e: {  	s1 =	sor.u32 $0x1180, s4;
	s2 =	sor.u32 s5, s23;
	[tilespmem:s23+$0xF630] =	vst v3;
	v2 =	vld [tilespmem:s0+$0x6500]  }
0x13f: {  	s2 =	sor.u32 $0x1980, s2;
	v3 =	vld [tilespmem:s1+$0x6500];
	[tilespmem:s23+$0xFE30] =	vst v4  }
0x140: {  	v4 =	vld [tilespmem:s2+$0x6500];
	_ =	sdelay $0x2  }
0x141: {  	[tilespmem:s23+$0xEE80] =	vst v2  }
0x142: {  	[tilespmem:s23+$0xF680] =	vst v3;
	v2 =	vld [tilespmem:s0+$0x6510]  }
0x143: {  	v3 =	vld [tilespmem:s1+$0x6510];
	[tilespmem:s23+$0xFE80] =	vst v4  }
0x144: {  	(v2sf) =	vpush v1, $0x4;
	v4 =	vld [tilespmem:s2+$0x6510];
	_ =	sdelay $0x2  }
0x145: {  	[tilespmem:s23+$0xEE90] =	vst v2  }
0x146: {  	[tilespmem:s23+$0xF690] =	vst v3;
	v2 =	vld [tilespmem:s0+$0x6520]  }
0x147: {  	v3 =	vld [tilespmem:s1+$0x6520];
	[tilespmem:s23+$0xFE90] =	vst v4  }
0x148: {  	v4 =	vld [tilespmem:s2+$0x6520];
	_ =	sdelay $0x2  }
0x149: {  	[tilespmem:s23+$0xEEA0] =	vst v2  }
0x14a: {  	[tilespmem:s23+$0xF6A0] =	vst v3;
	v2 =	vld [tilespmem:s0+$0x6530]  }
0x14b: {  	v3 =	vld [tilespmem:s1+$0x6530];
	[tilespmem:s23+$0xFEA0] =	vst v4  }
0x14c: {  	v4 =	vld [tilespmem:s2+$0x6530];
	_ =	sdelay $0x1  }
0x14d: {  	s6 =	sor.u32 s9, s23  }
0x14e: {  	s7 =	sor.u32 s20, s23;
	s9 =	spop (v2sf);
	s0 =	sor.u32 $0xA00, s6;
	[tilespmem:s23+$0xEEB0] =	vst v2  }
0x14f: {  	s1 =	sor.u32 $0x1200, s7;
	s2 =	sor.u32 s9, s23;
	[tilespmem:s23+$0xF6B0] =	vst v3;
	v2 =	vld [tilespmem:s0+$0x6500]  }
0x150: {  	s2 =	sor.u32 $0x1A00, s2;
	v3 =	vld [tilespmem:s1+$0x6500];
	[tilespmem:s23+$0xFEB0] =	vst v4  }
0x151: {  	v4 =	vld [tilespmem:s2+$0x6500];
	_ =	sdelay $0x2  }
0x152: {  	[tilespmem:s23+$0xEF00] =	vst v2  }
0x153: {  	[tilespmem:s23+$0xF700] =	vst v3;
	v2 =	vld [tilespmem:s0+$0x6510]  }
0x154: {  	v3 =	vld [tilespmem:s1+$0x6510];
	[tilespmem:s23+$0xFF00] =	vst v4  }
0x155: {  	(v2sf) =	vpush v1, $0x5;
	v4 =	vld [tilespmem:s2+$0x6510];
	_ =	sdelay $0x2  }
0x156: {  	[tilespmem:s23+$0xEF10] =	vst v2  }
0x157: {  	[tilespmem:s23+$0xF710] =	vst v3;
	v2 =	vld [tilespmem:s0+$0x6520]  }
0x158: {  	v3 =	vld [tilespmem:s1+$0x6520];
	[tilespmem:s23+$0xFF10] =	vst v4  }
0x159: {  	v4 =	vld [tilespmem:s2+$0x6520];
	_ =	sdelay $0x2  }
0x15a: {  	[tilespmem:s23+$0xEF20] =	vst v2  }
0x15b: {  	[tilespmem:s23+$0xF720] =	vst v3;
	v2 =	vld [tilespmem:s0+$0x6530]  }
0x15c: {  	v3 =	vld [tilespmem:s1+$0x6530];
	[tilespmem:s23+$0xFF20] =	vst v4  }
0x15d: {  	v4 =	vld [tilespmem:s2+$0x6530];
	_ =	sdelay $0x1  }
0x15e: {  	s17 =	sor.u32 s17, s23  }
0x15f: {  	s19 =	sor.u32 s8, s23;
	s20 =	spop (v2sf);
	s0 =	sor.u32 $0xA80, s17;
	[tilespmem:s23+$0xEF30] =	vst v2  }
0x160: {  	s1 =	sor.u32 $0x1280, s19;
	s2 =	sor.u32 s20, s23;
	[tilespmem:s23+$0xF730] =	vst v3;
	v2 =	vld [tilespmem:s0+$0x6500]  }
0x161: {  	s2 =	sor.u32 $0x1A80, s2;
	v3 =	vld [tilespmem:s1+$0x6500];
	[tilespmem:s23+$0xFF30] =	vst v4  }
0x162: {  	v4 =	vld [tilespmem:s2+$0x6500];
	_ =	sdelay $0x2  }
0x163: {  	[tilespmem:s23+$0xEF80] =	vst v2  }
0x164: {  	[tilespmem:s23+$0xF780] =	vst v3;
	v2 =	vld [tilespmem:s0+$0x6510]  }
0x165: {  	v3 =	vld [tilespmem:s1+$0x6510];
	[tilespmem:s23+$0xFF80] =	vst v4  }
0x166: {  	(v2sf) =	vpush v1, $0x6;
	v4 =	vld [tilespmem:s2+$0x6510];
	_ =	sdelay $0x2  }
0x167: {  	[tilespmem:s23+$0xEF90] =	vst v2  }
0x168: {  	[tilespmem:s23+$0xF790] =	vst v3;
	v2 =	vld [tilespmem:s0+$0x6520]  }
0x169: {  	v3 =	vld [tilespmem:s1+$0x6520];
	[tilespmem:s23+$0xFF90] =	vst v4  }
0x16a: {  	v4 =	vld [tilespmem:s2+$0x6520];
	_ =	sdelay $0x2  }
0x16b: {  	[tilespmem:s23+$0xEFA0] =	vst v2  }
0x16c: {  	[tilespmem:s23+$0xF7A0] =	vst v3;
	v2 =	vld [tilespmem:s0+$0x6530]  }
0x16d: {  	v3 =	vld [tilespmem:s1+$0x6530];
	[tilespmem:s23+$0xFFA0] =	vst v4  }
0x16e: {  	v4 =	vld [tilespmem:s2+$0x6530];
	_ =	sdelay $0x1  }
0x16f: {  	s21 =	sor.u32 s14, s23  }
0x170: {  	s22 =	sor.u32 s16, s23;
	s28 =	spop (v2sf);
	s0 =	sor.u32 $0xB00, s21;
	[tilespmem:s23+$0xEFB0] =	vst v2  }
0x171: {  	s1 =	sor.u32 $0x1300, s22;
	s2 =	sor.u32 s28, s23;
	[tilespmem:s23+$0xF7B0] =	vst v3;
	v2 =	vld [tilespmem:s0+$0x6500]  }
0x172: {  	s2 =	sor.u32 $0x1B00, s2;
	v3 =	vld [tilespmem:s1+$0x6500];
	[tilespmem:s23+$0xFFB0] =	vst v4  }
0x173: {  	v4 =	vld [tilespmem:s2+$0x6500];
	_ =	sdelay $0x2  }
0x174: {  	[tilespmem:s23+$0xF000] =	vst v2  }
0x175: {  	[tilespmem:s23+$0xF800] =	vst v3;
	v2 =	vld [tilespmem:s0+$0x6510]  }
0x176: {  	v3 =	vld [tilespmem:s1+$0x6510];
	[tilespmem:s23+$0x10000] =	vst v4  }
0x177: {  	(v2sf) =	vpush v1, $0x7;
	v4 =	vld [tilespmem:s2+$0x6510];
	_ =	sdelay $0x2  }
0x178: {  	[tilespmem:s23+$0xF010] =	vst v2  }
0x179: {  	[tilespmem:s23+$0xF810] =	vst v3;
	v2 =	vld [tilespmem:s0+$0x6520]  }
0x17a: {  	v3 =	vld [tilespmem:s1+$0x6520];
	[tilespmem:s23+$0x10010] =	vst v4  }
0x17b: {  	v4 =	vld [tilespmem:s2+$0x6520];
	_ =	sdelay $0x2  }
0x17c: {  	[tilespmem:s23+$0xF020] =	vst v2  }
0x17d: {  	[tilespmem:s23+$0xF820] =	vst v3;
	v2 =	vld [tilespmem:s0+$0x6530]  }
0x17e: {  	v3 =	vld [tilespmem:s1+$0x6530];
	[tilespmem:s23+$0x10020] =	vst v4  }
0x17f: {  	v4 =	vld [tilespmem:s2+$0x6530];
	_ =	sdelay $0x1  }
0x180: {  	s1 =	sor.u32 s15, s23  }
0x181: {  	s3 =	spop (v2sf);
	s0 =	sor.u32 $0xB80, s1;
	s2 =	sor.u32 s10, s23;
	[tilespmem:s23+$0xF030] =	vst v2  }
0x182: {  	[tilespmem:s23+$0xF830] =	vst v3;
	s1 =	sor.u32 $0x1380, s2;
	s2 =	sor.u32 s3, s23;
	v2 =	vld [tilespmem:s0+$0x6500]  }
0x183: {  	v3 =	vld [tilespmem:s1+$0x6500];
	s2 =	sor.u32 $0x1B80, s2;
	[tilespmem:s23+$0x10030] =	vst v4  }
0x184: {  	v4 =	vld [tilespmem:s2+$0x6500];
	_ =	sdelay $0x2  }
0x185: {  	[tilespmem:s23+$0xF080] =	vst v2  }
0x186: {  	[tilespmem:s23+$0xF880] =	vst v3;
	v2 =	vld [tilespmem:s0+$0x6510]  }
0x187: {  	v3 =	vld [tilespmem:s1+$0x6510];
	[tilespmem:s23+$0x10080] =	vst v4  }
0x188: {  	(v2sf) =	vpush v1, $0x8;
	v4 =	vld [tilespmem:s2+$0x6510];
	_ =	sdelay $0x2  }
0x189: {  	[tilespmem:s23+$0xF090] =	vst v2  }
0x18a: {  	[tilespmem:s23+$0xF890] =	vst v3;
	v2 =	vld [tilespmem:s0+$0x6520]  }
0x18b: {  	v3 =	vld [tilespmem:s1+$0x6520];
	[tilespmem:s23+$0x10090] =	vst v4  }
0x18c: {  	v4 =	vld [tilespmem:s2+$0x6520];
	_ =	sdelay $0x2  }
0x18d: {  	[tilespmem:s23+$0xF0A0] =	vst v2  }
0x18e: {  	[tilespmem:s23+$0xF8A0] =	vst v3;
	v2 =	vld [tilespmem:s0+$0x6530]  }
0x18f: {  	v3 =	vld [tilespmem:s1+$0x6530];
	[tilespmem:s23+$0x100A0] =	vst v4  }
0x190: {  	v4 =	vld [tilespmem:s2+$0x6530];
	_ =	sdelay $0x1  }
0x191: {  	s4 =	sor.u32 s13, s23  }
0x192: {  	s5 =	sor.u32 s11, s23;
	s6 =	spop (v2sf);
	s0 =	sor.u32 $0xC00, s4;
	[tilespmem:s23+$0xF0B0] =	vst v2  }
0x193: {  	s1 =	sor.u32 $0x1400, s5;
	s2 =	sor.u32 s6, s23;
	[tilespmem:s23+$0xF8B0] =	vst v3;
	v2 =	vld [tilespmem:s0+$0x6500]  }
0x194: {  	s2 =	sor.u32 $0x1C00, s2;
	v3 =	vld [tilespmem:s1+$0x6500];
	[tilespmem:s23+$0x100B0] =	vst v4  }
0x195: {  	v4 =	vld [tilespmem:s2+$0x6500];
	_ =	sdelay $0x2  }
0x196: {  	[tilespmem:s23+$0xF100] =	vst v2  }
0x197: {  	[tilespmem:s23+$0xF900] =	vst v3;
	v2 =	vld [tilespmem:s0+$0x6510]  }
0x198: {  	v3 =	vld [tilespmem:s1+$0x6510];
	[tilespmem:s23+$0x10100] =	vst v4  }
0x199: {  	(v2sf) =	vpush v1, $0x9;
	v4 =	vld [tilespmem:s2+$0x6510];
	_ =	sdelay $0x2  }
0x19a: {  	[tilespmem:s23+$0xF110] =	vst v2  }
0x19b: {  	[tilespmem:s23+$0xF910] =	vst v3;
	v2 =	vld [tilespmem:s0+$0x6520]  }
0x19c: {  	v3 =	vld [tilespmem:s1+$0x6520];
	[tilespmem:s23+$0x10110] =	vst v4  }
0x19d: {  	v4 =	vld [tilespmem:s2+$0x6520];
	_ =	sdelay $0x2  }
0x19e: {  	[tilespmem:s23+$0xF120] =	vst v2  }
0x19f: {  	[tilespmem:s23+$0xF920] =	vst v3;
	v2 =	vld [tilespmem:s0+$0x6530]  }
0x1a0: {  	v3 =	vld [tilespmem:s1+$0x6530];
	[tilespmem:s23+$0x10120] =	vst v4  }
0x1a1: {  	v4 =	vld [tilespmem:s2+$0x6530];
	_ =	sdelay $0x1  }
0x1a2: {  	s7 =	sor.u32 s18, s23  }
0x1a3: {  	s8 =	sor.u32 s12, s23;
	s9 =	spop (v2sf);
	s0 =	sor.u32 $0xC80, s7;
	[tilespmem:s23+$0xF130] =	vst v2  }
0x1a4: {  	s1 =	sor.u32 $0x1480, s8;
	s2 =	sor.u32 s9, s23;
	[tilespmem:s23+$0xF930] =	vst v3;
	v2 =	vld [tilespmem:s0+$0x6500]  }
0x1a5: {  	s2 =	sor.u32 $0x1C80, s2;
	v3 =	vld [tilespmem:s1+$0x6500];
	[tilespmem:s23+$0x10130] =	vst v4  }
0x1a6: {  	v4 =	vld [tilespmem:s2+$0x6500];
	_ =	sdelay $0x2  }
0x1a7: {  	[tilespmem:s23+$0xF180] =	vst v2  }
0x1a8: {  	[tilespmem:s23+$0xF980] =	vst v3;
	v2 =	vld [tilespmem:s0+$0x6510]  }
0x1a9: {  	v3 =	vld [tilespmem:s1+$0x6510];
	[tilespmem:s23+$0x10180] =	vst v4  }
0x1aa: {  	(v2sf) =	vpush v1, $0xA;
	v4 =	vld [tilespmem:s2+$0x6510];
	_ =	sdelay $0x2  }
0x1ab: {  	[tilespmem:s23+$0xF190] =	vst v2  }
0x1ac: {  	[tilespmem:s23+$0xF990] =	vst v3;
	v2 =	vld [tilespmem:s0+$0x6520]  }
0x1ad: {  	v3 =	vld [tilespmem:s1+$0x6520];
	[tilespmem:s23+$0x10190] =	vst v4  }
0x1ae: {  	v4 =	vld [tilespmem:s2+$0x6520];
	_ =	sdelay $0x2  }
0x1af: {  	[tilespmem:s23+$0xF1A0] =	vst v2  }
0x1b0: {  	[tilespmem:s23+$0xF9A0] =	vst v3;
	v2 =	vld [tilespmem:s0+$0x6530]  }
0x1b1: {  	v3 =	vld [tilespmem:s1+$0x6530];
	[tilespmem:s23+$0x101A0] =	vst v4  }
0x1b2: {  	v4 =	vld [tilespmem:s2+$0x6530];
	_ =	sdelay $0x1  }
0x1b3: {  	s10 =	sor.u32 s26, s23  }
0x1b4: {  	s11 =	sor.u32 s25, s23;
	s12 =	spop (v2sf);
	s0 =	sor.u32 $0xD00, s10;
	[tilespmem:s23+$0xF1B0] =	vst v2  }
0x1b5: {  	s1 =	sor.u32 $0x1500, s11;
	s2 =	sor.u32 s12, s23;
	[tilespmem:s23+$0xF9B0] =	vst v3;
	v2 =	vld [tilespmem:s0+$0x6500]  }
0x1b6: {  	s2 =	sor.u32 $0x1D00, s2;
	v3 =	vld [tilespmem:s1+$0x6500];
	[tilespmem:s23+$0x101B0] =	vst v4  }
0x1b7: {  	v4 =	vld [tilespmem:s2+$0x6500];
	_ =	sdelay $0x2  }
0x1b8: {  	[tilespmem:s23+$0xF200] =	vst v2  }
0x1b9: {  	[tilespmem:s23+$0xFA00] =	vst v3;
	v2 =	vld [tilespmem:s0+$0x6510]  }
0x1ba: {  	v3 =	vld [tilespmem:s1+$0x6510];
	[tilespmem:s23+$0x10200] =	vst v4  }
0x1bb: {  	(v2sf) =	vpush v1, $0xB;
	v4 =	vld [tilespmem:s2+$0x6510];
	_ =	sdelay $0x2  }
0x1bc: {  	[tilespmem:s23+$0xF210] =	vst v2  }
0x1bd: {  	[tilespmem:s23+$0xFA10] =	vst v3;
	v2 =	vld [tilespmem:s0+$0x6520]  }
0x1be: {  	v3 =	vld [tilespmem:s1+$0x6520];
	[tilespmem:s23+$0x10210] =	vst v4  }
0x1bf: {  	v4 =	vld [tilespmem:s2+$0x6520];
	_ =	sdelay $0x2  }
0x1c0: {  	[tilespmem:s23+$0xF220] =	vst v2  }
0x1c1: {  	[tilespmem:s23+$0xFA20] =	vst v3;
	v2 =	vld [tilespmem:s0+$0x6530]  }
0x1c2: {  	v3 =	vld [tilespmem:s1+$0x6530];
	[tilespmem:s23+$0x10220] =	vst v4  }
0x1c3: {  	v4 =	vld [tilespmem:s2+$0x6530];
	_ =	sdelay $0x1  }
0x1c4: {  	s13 =	sor.u32 s31, s23  }
0x1c5: {  	s14 =	sor.u32 s29, s23;
	s15 =	spop (v2sf);
	s0 =	sor.u32 $0xD80, s13;
	[tilespmem:s23+$0xF230] =	vst v2  }
0x1c6: {  	s1 =	sor.u32 $0x1580, s14;
	s2 =	sor.u32 s15, s23;
	[tilespmem:s23+$0xFA30] =	vst v3;
	v2 =	vld [tilespmem:s0+$0x6500]  }
0x1c7: {  	s2 =	sor.u32 $0x1D80, s2;
	v3 =	vld [tilespmem:s1+$0x6500];
	[tilespmem:s23+$0x10230] =	vst v4  }
0x1c8: {  	v4 =	vld [tilespmem:s2+$0x6500];
	_ =	sdelay $0x2  }
0x1c9: {  	[tilespmem:s23+$0xF280] =	vst v2  }
0x1ca: {  	[tilespmem:s23+$0xFA80] =	vst v3;
	v2 =	vld [tilespmem:s0+$0x6510]  }
0x1cb: {  	v3 =	vld [tilespmem:s1+$0x6510];
	[tilespmem:s23+$0x10280] =	vst v4  }
0x1cc: {  	(v2sf) =	vpush v1, $0xC;
	v4 =	vld [tilespmem:s2+$0x6510];
	_ =	sdelay $0x2  }
0x1cd: {  	[tilespmem:s23+$0xF290] =	vst v2  }
0x1ce: {  	[tilespmem:s23+$0xFA90] =	vst v3;
	v2 =	vld [tilespmem:s0+$0x6520]  }
0x1cf: {  	v3 =	vld [tilespmem:s1+$0x6520];
	[tilespmem:s23+$0x10290] =	vst v4  }
0x1d0: {  	v4 =	vld [tilespmem:s2+$0x6520];
	_ =	sdelay $0x2  }
0x1d1: {  	[tilespmem:s23+$0xF2A0] =	vst v2  }
0x1d2: {  	[tilespmem:s23+$0xFAA0] =	vst v3;
	v2 =	vld [tilespmem:s0+$0x6530]  }
0x1d3: {  	v3 =	vld [tilespmem:s1+$0x6530];
	[tilespmem:s23+$0x102A0] =	vst v4  }
0x1d4: {  	v4 =	vld [tilespmem:s2+$0x6530]  }
0x1d5: {  	s16 =	rddreg [dreg:$0x19]  }
0x1d6: {  	s17 =	rddreg [dreg:$0x1b];
	s0 =	sor.u32 s16, s23  }
0x1d7: {  	s18 =	spop (v2sf);
	s1 =	sor.u32 s17, s23;
	s0 =	sor.u32 $0xE00, s0;
	[tilespmem:s23+$0xF2B0] =	vst v2  }
0x1d8: {  	s1 =	sor.u32 $0x1600, s1;
	s2 =	sor.u32 s18, s23;
	[tilespmem:s23+$0xFAB0] =	vst v3;
	v2 =	vld [tilespmem:s0+$0x6500]  }
0x1d9: {  	s2 =	sor.u32 $0x1E00, s2;
	v3 =	vld [tilespmem:s1+$0x6500];
	[tilespmem:s23+$0x102B0] =	vst v4  }
0x1da: {  	v4 =	vld [tilespmem:s2+$0x6500];
	_ =	sdelay $0x2  }
0x1db: {  	[tilespmem:s23+$0xF300] =	vst v2  }
0x1dc: {  	[tilespmem:s23+$0xFB00] =	vst v3;
	v2 =	vld [tilespmem:s0+$0x6510]  }
0x1dd: {  	v3 =	vld [tilespmem:s1+$0x6510];
	[tilespmem:s23+$0x10300] =	vst v4  }
0x1de: {  	(v2sf) =	vpush v1, $0xD;
	v4 =	vld [tilespmem:s2+$0x6510];
	_ =	sdelay $0x2  }
0x1df: {  	[tilespmem:s23+$0xF310] =	vst v2  }
0x1e0: {  	[tilespmem:s23+$0xFB10] =	vst v3;
	v2 =	vld [tilespmem:s0+$0x6520]  }
0x1e1: {  	v3 =	vld [tilespmem:s1+$0x6520];
	[tilespmem:s23+$0x10310] =	vst v4  }
0x1e2: {  	v4 =	vld [tilespmem:s2+$0x6520];
	_ =	sdelay $0x2  }
0x1e3: {  	[tilespmem:s23+$0xF320] =	vst v2  }
0x1e4: {  	[tilespmem:s23+$0xFB20] =	vst v3;
	v2 =	vld [tilespmem:s0+$0x6530]  }
0x1e5: {  	v3 =	vld [tilespmem:s1+$0x6530];
	[tilespmem:s23+$0x10320] =	vst v4  }
0x1e6: {  	v4 =	vld [tilespmem:s2+$0x6530]  }
0x1e7: {  	s19 =	rddreg [dreg:$0x15]  }
0x1e8: {  	s20 =	rddreg [dreg:$0x17];
	s0 =	sor.u32 s19, s23  }
0x1e9: {  	s21 =	spop (v2sf);
	s1 =	sor.u32 s20, s23;
	s0 =	sor.u32 $0xE80, s0;
	[tilespmem:s23+$0xF330] =	vst v2  }
0x1ea: {  	s1 =	sor.u32 $0x1680, s1;
	s2 =	sor.u32 s21, s23;
	[tilespmem:s23+$0xFB30] =	vst v3;
	v2 =	vld [tilespmem:s0+$0x6500]  }
0x1eb: {  	s2 =	sor.u32 $0x1E80, s2;
	v3 =	vld [tilespmem:s1+$0x6500];
	[tilespmem:s23+$0x10330] =	vst v4  }
0x1ec: {  	v4 =	vld [tilespmem:s2+$0x6500];
	_ =	sdelay $0x2  }
0x1ed: {  	[tilespmem:s23+$0xF380] =	vst v2  }
0x1ee: {  	[tilespmem:s23+$0xFB80] =	vst v3;
	v2 =	vld [tilespmem:s0+$0x6510]  }
0x1ef: {  	v3 =	vld [tilespmem:s1+$0x6510];
	[tilespmem:s23+$0x10380] =	vst v4  }
0x1f0: {  	(v2sf) =	vpush v1, $0xE;
	v4 =	vld [tilespmem:s2+$0x6510];
	_ =	sdelay $0x2  }
0x1f1: {  	[tilespmem:s23+$0xF390] =	vst v2  }
0x1f2: {  	[tilespmem:s23+$0xFB90] =	vst v3;
	v2 =	vld [tilespmem:s0+$0x6520]  }
0x1f3: {  	v3 =	vld [tilespmem:s1+$0x6520];
	[tilespmem:s23+$0x10390] =	vst v4  }
0x1f4: {  	v4 =	vld [tilespmem:s2+$0x6520];
	_ =	sdelay $0x2  }
0x1f5: {  	[tilespmem:s23+$0xF3A0] =	vst v2  }
0x1f6: {  	[tilespmem:s23+$0xFBA0] =	vst v3;
	v2 =	vld [tilespmem:s0+$0x6530]  }
0x1f7: {  	v3 =	vld [tilespmem:s1+$0x6530];
	[tilespmem:s23+$0x103A0] =	vst v4  }
0x1f8: {  	v4 =	vld [tilespmem:s2+$0x6530]  }
0x1f9: {  	s22 =	rddreg [dreg:$0x13]  }
0x1fa: {  	s0 =	sor.u32 s22, s23  }
0x1fb: {  	s25 =	sor.u32 s30, s23;
	s26 =	spop (v2sf);
	s0 =	sor.u32 $0xF00, s0;
	[tilespmem:s23+$0xF3B0] =	vst v2  }
0x1fc: {  	s1 =	sor.u32 $0x1700, s25;
	s2 =	sor.u32 s26, s23;
	[tilespmem:s23+$0xFBB0] =	vst v3;
	v2 =	vld [tilespmem:s0+$0x6500]  }
0x1fd: {  	s2 =	sor.u32 $0x1F00, s2;
	v3 =	vld [tilespmem:s1+$0x6500];
	[tilespmem:s23+$0x103B0] =	vst v4  }
0x1fe: {  	v4 =	vld [tilespmem:s2+$0x6500];
	_ =	sdelay $0x2  }
0x1ff: {  	[tilespmem:s23+$0xF400] =	vst v2;
	v2 =	vld [tilespmem:s24+$0x6C10]  }
0x200: {  	[tilespmem:s23+$0xFC00] =	vst v3;
	v3 =	vld [tilespmem:s0+$0x6510]  }
0x201: {  	v63 =	vld [tilespmem:s1+$0x6510];
	[tilespmem:s23+$0x10400] =	vst v4  }
0x202: {  	(v2sf) =	vpush v1, $0xF;
	v1 =	vld [tilespmem:s2+$0x6510];
	_ =	sdelay $0x1  }
0x203: {  	[tilespmem:s23+$0xEC10] =	vst v2  }
0x204: {  	v2 =	vld [tilespmem:s24+$0x6C20];
	[tilespmem:s23+$0xF410] =	vst v3  }
0x205: {  	[tilespmem:s23+$0xFC10] =	vst v63;
	v3 =	vld [tilespmem:s0+$0x6520]  }
0x206: {  	v4 =	vld [tilespmem:s1+$0x6520];
	[tilespmem:s23+$0x10410] =	vst v1  }
0x207: {  	v1 =	vld [tilespmem:s2+$0x6520];
	_ =	sdelay $0x1  }
0x208: {  	[tilespmem:s23+$0xEC20] =	vst v2  }
0x209: {  	v2 =	vld [tilespmem:s24+$0x6C30];
	[tilespmem:s23+$0xF420] =	vst v3  }
0x20a: {  	[tilespmem:s23+$0xFC20] =	vst v4;
	v3 =	vld [tilespmem:s0+$0x6530]  }
0x20b: {  	v4 =	vld [tilespmem:s1+$0x6530];
	[tilespmem:s23+$0x10420] =	vst v1  }
0x20c: {  	s29 =	rddreg [dreg:$0xf];
	v1 =	vld [tilespmem:s2+$0x6530]  }
0x20d: {  	s28 =	rddreg [dreg:$0xd]  }
0x20e: {  	s30 =	rddreg [dreg:$0x11];
	s0 =	sor.u32 s28, s23;
	s1 =	sor.u32 s29, s23;
	[tilespmem:s23+$0xEC30] =	vst v2  }
0x20f: {  	s31 =	spop (v2sf);
	s1 =	sor.u32 $0xF80, s1;
	s2 =	sor.u32 s30, s23;
	v2 =	vld [tilespmem:s0+$0x6C80];
	[tilespmem:s23+$0xF430] =	vst v3  }
0x210: {  	s3 =	sor.u32 s31, s23;
	[tilespmem:s23+$0xFC30] =	vst v4;
	s2 =	sor.u32 $0x1780, s2;
	v3 =	vld [tilespmem:s1+$0x6500]  }
0x211: {  	s3 =	sor.u32 $0x1F80, s3;
	v4 =	vld [tilespmem:s2+$0x6500];
	[tilespmem:s23+$0x10430] =	vst v1  }
0x212: {  	v1 =	vld [tilespmem:s3+$0x6500];
	_ =	sdelay $0x1  }
0x213: {  	[tilespmem:s23+$0xEC80] =	vst v2  }
0x214: {  	v2 =	vld [tilespmem:s0+$0x6C90];
	[tilespmem:s23+$0xF480] =	vst v3  }
0x215: {  	[tilespmem:s23+$0xFC80] =	vst v4;
	v3 =	vld [tilespmem:s1+$0x6510]  }
0x216: {  	v4 =	vld [tilespmem:s2+$0x6510];
	[tilespmem:s23+$0x10480] =	vst v1  }
0x217: {  	v1 =	vld [tilespmem:s3+$0x6510];
	_ =	sdelay $0x1  }
0x218: {  	[tilespmem:s23+$0xEC90] =	vst v2  }
0x219: {  	v2 =	vld [tilespmem:s0+$0x6CA0];
	[tilespmem:s23+$0xF490] =	vst v3  }
0x21a: {  	[tilespmem:s23+$0xFC90] =	vst v4;
	v3 =	vld [tilespmem:s1+$0x6520]  }
0x21b: {  	v4 =	vld [tilespmem:s2+$0x6520];
	[tilespmem:s23+$0x10490] =	vst v1  }
0x21c: {  	v1 =	vld [tilespmem:s3+$0x6520];
	_ =	sdelay $0x1  }
0x21d: {  	[tilespmem:s23+$0xECA0] =	vst v2  }
0x21e: {  	v2 =	vld [tilespmem:s0+$0x6CB0];
	[tilespmem:s23+$0xF4A0] =	vst v3  }
0x21f: {  	[tilespmem:s23+$0xFCA0] =	vst v4;
	v3 =	vld [tilespmem:s1+$0x6530]  }
0x220: {  	v4 =	vld [tilespmem:s2+$0x6530];
	[tilespmem:s23+$0x104A0] =	vst v1  }
0x221: {  	p1 =	por p0, p0;
	v1 =	vld [tilespmem:s3+$0x6530]  }
.Ltmp0:
0x222: {  	_ = 	snop;
	(pc) =	sbr.rel @p1 .LBB2_3-.Ltmp0, $4  }
0x223: {  	[tilespmem:s23+$0xECB0] =	vst v2  }
0x224: {  	[tilespmem:s23+$0xF4B0] =	vst v3  }
0x225: {  	[tilespmem:s23+$0xFCB0] =	vst v4  }
0x226: {  	p0 =	por $0x0, $0x0;
	s0 =	simm.s32 $0x4;
	[tilespmem:s23+$0x104B0] =	vst v1  }
0x227: {  	s3 =	rddreg [dreg:$0x9]  }
0x228: {  	s1 =	rddreg [dreg:$0x6];
	s0 =	sshll.u32 s3, $0xF  }
0x229: {  	s0 =	sadd.s32 s1, s0  }
0x22a: {  	s26 =	rddreg [dreg:$0x4];
	s0 =	sshrl.u32 s0, $0x3  }
0x22b: {  	s28 =	simm.s32 $0x0;
	s2 =	simm.s32 $0xE500;
	s0 =	sadd.s32 s26, s0  }
0x22c: {  	[hbm4b:s0+s28] =	stream.linear.scatter [tilespmem:s2], [sflag:$0x3], $0x4000, $0x38;
	[tilespmem:$0x12500] =	vst v63  }
0x22d: {  	p0 =	seq.s32 s3, $0x63;
	s0 =	rddreg [dreg:$0xc]  }
0x22e: {  	v0 =	vld @!p0 [tilespmem:s0+$0x100];
	_ =	sdelay $0x4  }
0x22f: {  	v0 =	vshrl.u32 @!p0 v0, $0x1  }
0x230: {  	[tilespmem:$0x6400] =	vst @!p0 v0  }
0x231: {  	v0 =	vld @!p0 [tilespmem:s0+$0x110];
	_ =	sdelay $0x4  }
0x232: {  	v0 =	vshrl.u32 @!p0 v0, $0x1  }
0x233: {  	[tilespmem:$0x6410] =	vst @!p0 v0  }
0x234: {  	v0 =	vld @!p0 [tilespmem:s0+$0x120];
	_ =	sdelay $0x4  }
0x235: {  	v0 =	vshrl.u32 @!p0 v0, $0x1  }
0x236: {  	[tilespmem:$0x6420] =	vst @!p0 v0  }
0x237: {  	v0 =	vld @!p0 [tilespmem:s0+$0x130];
	_ =	sdelay $0x4  }
0x238: {  	v0 =	vshrl.u32 @!p0 v0, $0x1  }
0x239: {  	[tilespmem:$0x6430] =	vst @!p0 v0  }
0x23a: {  	v0 =	vld @!p0 [tilespmem:s0+$0x140];
	_ =	sdelay $0x4  }
0x23b: {  	v0 =	vshrl.u32 @!p0 v0, $0x1  }
0x23c: {  	[tilespmem:$0x6440] =	vst @!p0 v0  }
0x23d: {  	v0 =	vld @!p0 [tilespmem:s0+$0x150];
	_ =	sdelay $0x4  }
0x23e: {  	v0 =	vshrl.u32 @!p0 v0, $0x1  }
0x23f: {  	[tilespmem:$0x6450] =	vst @!p0 v0  }
0x240: {  	v0 =	vld @!p0 [tilespmem:s0+$0x160];
	_ =	sdelay $0x4  }
0x241: {  	v0 =	vshrl.u32 @!p0 v0, $0x1  }
0x242: {  	[tilespmem:$0x6460] =	vst @!p0 v0  }
0x243: {  	v0 =	vld @!p0 [tilespmem:s0+$0x170];
	_ =	sdelay $0x4  }
0x244: {  	s29 =	simm.s32 $0x2;
	s3 =	rddreg [dreg:$0x3];
	v0 =	vshrl.u32 @!p0 v0, $0x1  }
0x245: {  	s1 =	simm.s32 @!p0 $0x6400;
	s2 =	simm.s32 @!p0 $0x6500;
	s0 =	simm.s32 @!p0 $0x80;
	[tilespmem:$0x6470] =	vst @!p0 v0  }
0x246: {  	[tilespmem:s2], [sflag:$0x1] =	stream.indirect.gather @!p0 [hbm4b:s3+s0], $0x80, s1, s0, $0xb8;
	[tilespmem:$0x12500] =	vst v63  }
0x247: {  	_ =	swait.ge [sflag:s29], $0x4000  }
0x248: {  	[sflag:s29] =	ssyncset.done $0x0  }
0x249: {  	s30 =	simm.s32 $0x3;
	[sflag:s29] =	ssyncadd.s32 $0xFFFFC000  }
0x24a: {  	_ =	swait.ge [sflag:s30], $0x4000  }
0x24b: {  	s31 =	rddreg [dreg:$0xb]  }
0x24c: {  	v0 =	vmov s31  }
0x24d: {  	[sflag:s30] =	ssyncset.done $0x0  }
0x24e: {  	s0 =	simm.s32 $0x0;
	p0 =	por $0x1, $0x1;
	[sflag:s30] =	ssyncadd.s32 $0xFFFFC000  }
.LBB2_5:
0x24f: {  	s5 =	sshll.u32 s0, $0x4  }
0x250: {  	s2 =	sand.u32 $0x3FFFFFF0, s5  }
0x251: {  	v1 =	vld.idx.msk [tilespmem:v0+s2+$0x0 ss:$0x1], $0xffff;
	_ =	sdelay $0x4  }
0x252: {  	v1 =	vshll.u32 v1, $0x6  }
0x253: {  	v1 =	vand.u32 $0x40, v1  }
0x254: {  	(v2sf) =	vpush v1, $0x0;
	_ =	sdelay $0xe  }
0x255: {  	s21 =	sshll.u32 s0, $0xB;
	s4 =	spop (v2sf)  }
0x256: {  	s0 =	sor.u32 s4, s21  }
0x257: {  	v2 =	vld [tilespmem:s0+$0xA500];
	_ =	sdelay $0x4  }
0x258: {  	[tilespmem:s21+$0xE500] =	vst v2  }
0x259: {  	v2 =	vld [tilespmem:s0+$0xA510]  }
0x25a: {  	(v2sf) =	vpush v1, $0x1;
	_ =	sdelay $0x3  }
0x25b: {  	[tilespmem:s21+$0xE510] =	vst v2  }
0x25c: {  	v2 =	vld [tilespmem:s0+$0xA520];
	_ =	sdelay $0x4  }
0x25d: {  	[tilespmem:s21+$0xE520] =	vst v2  }
0x25e: {  	v2 =	vld [tilespmem:s0+$0xA530];
	_ =	sdelay $0x3  }
0x25f: {  	s6 =	spop (v2sf)  }
0x260: {  	s0 =	sor.u32 s6, s21;
	[tilespmem:s21+$0xE530] =	vst v2  }
0x261: {  	v2 =	vld [tilespmem:s0+$0xA580];
	_ =	sdelay $0x4  }
0x262: {  	[tilespmem:s21+$0xE580] =	vst v2  }
0x263: {  	v2 =	vld [tilespmem:s0+$0xA590]  }
0x264: {  	(v2sf) =	vpush v1, $0x2;
	_ =	sdelay $0x3  }
0x265: {  	[tilespmem:s21+$0xE590] =	vst v2  }
0x266: {  	v2 =	vld [tilespmem:s0+$0xA5A0];
	_ =	sdelay $0x4  }
0x267: {  	[tilespmem:s21+$0xE5A0] =	vst v2  }
0x268: {  	v2 =	vld [tilespmem:s0+$0xA5B0];
	_ =	sdelay $0x3  }
0x269: {  	s7 =	spop (v2sf)  }
0x26a: {  	s0 =	sor.u32 s7, s21;
	[tilespmem:s21+$0xE5B0] =	vst v2  }
0x26b: {  	v2 =	vld [tilespmem:s0+$0xA600];
	_ =	sdelay $0x4  }
0x26c: {  	[tilespmem:s21+$0xE600] =	vst v2  }
0x26d: {  	v2 =	vld [tilespmem:s0+$0xA610]  }
0x26e: {  	(v2sf) =	vpush v1, $0x3;
	_ =	sdelay $0x3  }
0x26f: {  	[tilespmem:s21+$0xE610] =	vst v2  }
0x270: {  	v2 =	vld [tilespmem:s0+$0xA620];
	_ =	sdelay $0x4  }
0x271: {  	[tilespmem:s21+$0xE620] =	vst v2  }
0x272: {  	v2 =	vld [tilespmem:s0+$0xA630];
	_ =	sdelay $0x3  }
0x273: {  	s8 =	spop (v2sf)  }
0x274: {  	s0 =	sor.u32 s8, s21;
	[tilespmem:s21+$0xE630] =	vst v2  }
0x275: {  	v2 =	vld [tilespmem:s0+$0xA680];
	_ =	sdelay $0x4  }
0x276: {  	[tilespmem:s21+$0xE680] =	vst v2  }
0x277: {  	v2 =	vld [tilespmem:s0+$0xA690]  }
0x278: {  	(v2sf) =	vpush v1, $0x4;
	_ =	sdelay $0x3  }
0x279: {  	[tilespmem:s21+$0xE690] =	vst v2  }
0x27a: {  	v2 =	vld [tilespmem:s0+$0xA6A0];
	_ =	sdelay $0x4  }
0x27b: {  	[tilespmem:s21+$0xE6A0] =	vst v2  }
0x27c: {  	v2 =	vld [tilespmem:s0+$0xA6B0];
	_ =	sdelay $0x3  }
0x27d: {  	s9 =	spop (v2sf)  }
0x27e: {  	s0 =	sor.u32 s9, s21;
	[tilespmem:s21+$0xE6B0] =	vst v2  }
0x27f: {  	v2 =	vld [tilespmem:s0+$0xA700];
	_ =	sdelay $0x4  }
0x280: {  	[tilespmem:s21+$0xE700] =	vst v2  }
0x281: {  	v2 =	vld [tilespmem:s0+$0xA710]  }
0x282: {  	(v2sf) =	vpush v1, $0x5;
	_ =	sdelay $0x3  }
0x283: {  	[tilespmem:s21+$0xE710] =	vst v2  }
0x284: {  	v2 =	vld [tilespmem:s0+$0xA720];
	_ =	sdelay $0x4  }
0x285: {  	[tilespmem:s21+$0xE720] =	vst v2  }
0x286: {  	v2 =	vld [tilespmem:s0+$0xA730];
	_ =	sdelay $0x3  }
0x287: {  	s10 =	spop (v2sf)  }
0x288: {  	s0 =	sor.u32 s10, s21;
	[tilespmem:s21+$0xE730] =	vst v2  }
0x289: {  	v2 =	vld [tilespmem:s0+$0xA780];
	_ =	sdelay $0x4  }
0x28a: {  	[tilespmem:s21+$0xE780] =	vst v2  }
0x28b: {  	v2 =	vld [tilespmem:s0+$0xA790]  }
0x28c: {  	(v2sf) =	vpush v1, $0x6;
	_ =	sdelay $0x3  }
0x28d: {  	[tilespmem:s21+$0xE790] =	vst v2  }
0x28e: {  	v2 =	vld [tilespmem:s0+$0xA7A0];
	_ =	sdelay $0x4  }
0x28f: {  	[tilespmem:s21+$0xE7A0] =	vst v2  }
0x290: {  	v2 =	vld [tilespmem:s0+$0xA7B0];
	_ =	sdelay $0x3  }
0x291: {  	s11 =	spop (v2sf)  }
0x292: {  	s0 =	sor.u32 s11, s21;
	[tilespmem:s21+$0xE7B0] =	vst v2  }
0x293: {  	v2 =	vld [tilespmem:s0+$0xA800];
	_ =	sdelay $0x4  }
0x294: {  	[tilespmem:s21+$0xE800] =	vst v2  }
0x295: {  	v2 =	vld [tilespmem:s0+$0xA810]  }
0x296: {  	(v2sf) =	vpush v1, $0x7;
	_ =	sdelay $0x3  }
0x297: {  	[tilespmem:s21+$0xE810] =	vst v2  }
0x298: {  	v2 =	vld [tilespmem:s0+$0xA820];
	_ =	sdelay $0x4  }
0x299: {  	[tilespmem:s21+$0xE820] =	vst v2  }
0x29a: {  	v2 =	vld [tilespmem:s0+$0xA830];
	_ =	sdelay $0x3  }
0x29b: {  	s12 =	spop (v2sf)  }
0x29c: {  	s0 =	sor.u32 s12, s21;
	[tilespmem:s21+$0xE830] =	vst v2  }
0x29d: {  	v2 =	vld [tilespmem:s0+$0xA880];
	_ =	sdelay $0x4  }
0x29e: {  	[tilespmem:s21+$0xE880] =	vst v2  }
0x29f: {  	v2 =	vld [tilespmem:s0+$0xA890]  }
0x2a0: {  	(v2sf) =	vpush v1, $0x8;
	_ =	sdelay $0x3  }
0x2a1: {  	[tilespmem:s21+$0xE890] =	vst v2  }
0x2a2: {  	v2 =	vld [tilespmem:s0+$0xA8A0];
	_ =	sdelay $0x4  }
0x2a3: {  	[tilespmem:s21+$0xE8A0] =	vst v2  }
0x2a4: {  	v2 =	vld [tilespmem:s0+$0xA8B0];
	_ =	sdelay $0x3  }
0x2a5: {  	s13 =	spop (v2sf)  }
0x2a6: {  	s0 =	sor.u32 s13, s21;
	[tilespmem:s21+$0xE8B0] =	vst v2  }
0x2a7: {  	v2 =	vld [tilespmem:s0+$0xA900];
	_ =	sdelay $0x4  }
0x2a8: {  	[tilespmem:s21+$0xE900] =	vst v2  }
0x2a9: {  	v2 =	vld [tilespmem:s0+$0xA910]  }
0x2aa: {  	(v2sf) =	vpush v1, $0x9;
	_ =	sdelay $0x3  }
0x2ab: {  	[tilespmem:s21+$0xE910] =	vst v2  }
0x2ac: {  	v2 =	vld [tilespmem:s0+$0xA920];
	_ =	sdelay $0x4  }
0x2ad: {  	[tilespmem:s21+$0xE920] =	vst v2  }
0x2ae: {  	v2 =	vld [tilespmem:s0+$0xA930];
	_ =	sdelay $0x3  }
0x2af: {  	s14 =	spop (v2sf)  }
0x2b0: {  	s0 =	sor.u32 s14, s21;
	[tilespmem:s21+$0xE930] =	vst v2  }
0x2b1: {  	v2 =	vld [tilespmem:s0+$0xA980];
	_ =	sdelay $0x4  }
0x2b2: {  	[tilespmem:s21+$0xE980] =	vst v2  }
0x2b3: {  	v2 =	vld [tilespmem:s0+$0xA990]  }
0x2b4: {  	(v2sf) =	vpush v1, $0xA;
	_ =	sdelay $0x3  }
0x2b5: {  	[tilespmem:s21+$0xE990] =	vst v2  }
0x2b6: {  	v2 =	vld [tilespmem:s0+$0xA9A0];
	_ =	sdelay $0x4  }
0x2b7: {  	[tilespmem:s21+$0xE9A0] =	vst v2  }
0x2b8: {  	v2 =	vld [tilespmem:s0+$0xA9B0];
	_ =	sdelay $0x3  }
0x2b9: {  	s15 =	spop (v2sf)  }
0x2ba: {  	s0 =	sor.u32 s15, s21;
	[tilespmem:s21+$0xE9B0] =	vst v2  }
0x2bb: {  	v2 =	vld [tilespmem:s0+$0xAA00];
	_ =	sdelay $0x4  }
0x2bc: {  	[tilespmem:s21+$0xEA00] =	vst v2  }
0x2bd: {  	v2 =	vld [tilespmem:s0+$0xAA10]  }
0x2be: {  	(v2sf) =	vpush v1, $0xB;
	_ =	sdelay $0x3  }
0x2bf: {  	[tilespmem:s21+$0xEA10] =	vst v2  }
0x2c0: {  	v2 =	vld [tilespmem:s0+$0xAA20];
	_ =	sdelay $0x4  }
0x2c1: {  	[tilespmem:s21+$0xEA20] =	vst v2  }
0x2c2: {  	v2 =	vld [tilespmem:s0+$0xAA30];
	_ =	sdelay $0x3  }
0x2c3: {  	s16 =	spop (v2sf)  }
0x2c4: {  	s0 =	sor.u32 s16, s21;
	[tilespmem:s21+$0xEA30] =	vst v2  }
0x2c5: {  	v2 =	vld [tilespmem:s0+$0xAA80];
	_ =	sdelay $0x4  }
0x2c6: {  	[tilespmem:s21+$0xEA80] =	vst v2  }
0x2c7: {  	v2 =	vld [tilespmem:s0+$0xAA90]  }
0x2c8: {  	(v2sf) =	vpush v1, $0xC;
	_ =	sdelay $0x3  }
0x2c9: {  	[tilespmem:s21+$0xEA90] =	vst v2  }
0x2ca: {  	v2 =	vld [tilespmem:s0+$0xAAA0];
	_ =	sdelay $0x4  }
0x2cb: {  	[tilespmem:s21+$0xEAA0] =	vst v2  }
0x2cc: {  	v2 =	vld [tilespmem:s0+$0xAAB0];
	_ =	sdelay $0x3  }
0x2cd: {  	s17 =	spop (v2sf)  }
0x2ce: {  	s0 =	sor.u32 s17, s21;
	[tilespmem:s21+$0xEAB0] =	vst v2  }
0x2cf: {  	v2 =	vld [tilespmem:s0+$0xAB00];
	_ =	sdelay $0x4  }
0x2d0: {  	[tilespmem:s21+$0xEB00] =	vst v2  }
0x2d1: {  	v2 =	vld [tilespmem:s0+$0xAB10]  }
0x2d2: {  	(v2sf) =	vpush v1, $0xD;
	_ =	sdelay $0x3  }
0x2d3: {  	[tilespmem:s21+$0xEB10] =	vst v2  }
0x2d4: {  	v2 =	vld [tilespmem:s0+$0xAB20];
	_ =	sdelay $0x4  }
0x2d5: {  	[tilespmem:s21+$0xEB20] =	vst v2  }
0x2d6: {  	v2 =	vld [tilespmem:s0+$0xAB30];
	_ =	sdelay $0x3  }
0x2d7: {  	s18 =	spop (v2sf)  }
0x2d8: {  	s0 =	sor.u32 s18, s21;
	[tilespmem:s21+$0xEB30] =	vst v2  }
0x2d9: {  	v2 =	vld [tilespmem:s0+$0xAB80];
	_ =	sdelay $0x4  }
0x2da: {  	[tilespmem:s21+$0xEB80] =	vst v2  }
0x2db: {  	v2 =	vld [tilespmem:s0+$0xAB90]  }
0x2dc: {  	(v2sf) =	vpush v1, $0xE;
	_ =	sdelay $0x3  }
0x2dd: {  	[tilespmem:s21+$0xEB90] =	vst v2  }
0x2de: {  	v2 =	vld [tilespmem:s0+$0xABA0];
	_ =	sdelay $0x4  }
0x2df: {  	[tilespmem:s21+$0xEBA0] =	vst v2  }
0x2e0: {  	v2 =	vld [tilespmem:s0+$0xABB0];
	_ =	sdelay $0x3  }
0x2e1: {  	s19 =	spop (v2sf)  }
0x2e2: {  	s22 =	sor.u32 s19, s21;
	[tilespmem:s21+$0xEBB0] =	vst v2  }
0x2e3: {  	v2 =	vld [tilespmem:s22+$0xAC00];
	_ =	sdelay $0x3  }
0x2e4: {  	s28 =	sor.u32 $0x10, s5  }
0x2e5: {  	[tilespmem:s21+$0xEC00] =	vst v2;
	v2 =	vld.idx.msk [tilespmem:v0+s28+$0x0 ss:$0x1], $0xffff;
	_ =	sdelay $0x4  }
0x2e6: {  	v2 =	vshll.u32 v2, $0x6  }
0x2e7: {  	(v2sf) =	vpush v1, $0xF;
	v1 =	vand.u32 $0x40, v2  }
0x2e8: {  	(v2sf) =	vpush v1, $0x0  }
0x2e9: {  	(v2sf) =	vpush v1, $0x1  }
0x2ea: {  	(v2sf) =	vpush v1, $0x2  }
0x2eb: {  	(v2sf) =	vpush v1, $0x3  }
0x2ec: {  	(v2sf) =	vpush v1, $0x4  }
0x2ed: {  	(v2sf) =	vpush v1, $0x5  }
0x2ee: {  	(v2sf) =	vpush v1, $0x6  }
0x2ef: {  	(v2sf) =	vpush v1, $0x7  }
0x2f0: {  	s1 =	sor.u32 $0x20, s5;
	(v2sf) =	vpush v1, $0x8  }
0x2f1: {  	v2 =	vld.idx.msk [tilespmem:v0+s1+$0x0 ss:$0x1], $0xffff;
	(v2sf) =	vpush v1, $0x9  }
0x2f2: {  	(v2sf) =	vpush v1, $0xA  }
0x2f3: {  	(v2sf) =	vpush v1, $0xB  }
0x2f4: {  	(v2sf) =	vpush v1, $0xC  }
0x2f5: {  	(v2sf) =	vpush v1, $0xD  }
0x2f6: {  	v2 =	vshll.u32 v2, $0x6;
	s20 =	spop (v2sf);
	(v2sf) =	vpush v1, $0xE  }
0x2f7: {  	s3 =	spop (v2sf);
	(v2sf) =	vpush v1, $0xF;
	v1 =	vand.u32 $0x40, v2  }
0x2f8: {  	s31 =	spop (v2sf);
	(v2sf) =	vpush v1, $0x0  }
0x2f9: {  	s19 =	spop (v2sf);
	(v2sf) =	vpush v1, $0x1  }
0x2fa: {  	s7 =	spop (v2sf);
	(v2sf) =	vpush v1, $0x2  }
0x2fb: {  	s9 =	spop (v2sf);
	(v2sf) =	vpush v1, $0x3  }
0x2fc: {  	s17 =	spop (v2sf);
	(v2sf) =	vpush v1, $0x4  }
0x2fd: {  	s14 =	spop (v2sf);
	(v2sf) =	vpush v1, $0x5  }
0x2fe: {  	s15 =	spop (v2sf);
	(v2sf) =	vpush v1, $0x6  }
0x2ff: {  	s13 =	spop (v2sf);
	(v2sf) =	vpush v1, $0x7  }
0x300: {  	s25 =	sor.u32 $0x30, s5;
	s18 =	spop (v2sf);
	(v2sf) =	vpush v1, $0x8  }
0x301: {  	v2 =	vld.idx.msk [tilespmem:v0+s25+$0x0 ss:$0x1], $0xffff;
	s24 =	spop (v2sf);
	(v2sf) =	vpush v1, $0x9  }
0x302: {  	s29 =	spop (v2sf);
	(v2sf) =	vpush v1, $0xA  }
0x303: {  	s23 =	spop (v2sf);
	(v2sf) =	vpush v1, $0xB  }
0x304: {  	s26 =	spop (v2sf);
	(v2sf) =	vpush v1, $0xC  }
0x305: {  	s30 =	spop (v2sf);
	(v2sf) =	vpush v1, $0xD  }
0x306: {  	v2 =	vshll.u32 v2, $0x6;
	s2 =	spop (v2sf);
	(v2sf) =	vpush v1, $0xE  }
0x307: {  	[dreg:$0x10] =	wrdreg s2;
	s2 =	spop (v2sf);
	(v2sf) =	vpush v1, $0xF;
	v1 =	vand.u32 $0x40, v2  }
0x308: {  	s5 =	spop (v2sf);
	(v2sf) =	vpush v1, $0x0  }
0x309: {  	s6 =	spop (v2sf)  }
0x30a: {  	[dreg:$0x14] =	wrdreg s30;
	s30 =	spop (v2sf)  }
0x30b: {  	[dreg:$0xe] =	wrdreg s20;
	s20 =	spop (v2sf)  }
0x30c: {  	s8 =	spop (v2sf)  }
0x30d: {  	s16 =	spop (v2sf)  }
0x30e: {  	s10 =	spop (v2sf)  }
0x30f: {  	s11 =	spop (v2sf)  }
0x310: {  	s12 =	spop (v2sf)  }
0x311: {  	[dreg:$0x1a] =	wrdreg s23;
	s23 =	spop (v2sf)  }
0x312: {  	[dreg:$0x16] =	wrdreg s26;
	s26 =	spop (v2sf)  }
0x313: {  	s4 =	spop (v2sf)  }
0x314: {  	s0 =	sshll.u32 s28, $0x7;
	[dreg:$0x1c] =	wrdreg s4;
	s4 =	spop (v2sf)  }
0x315: {  	s1 =	sshll.u32 s1, $0x7;
	s25 =	sshll.u32 s25, $0x7;
	s28 =	spop (v2sf)  }
0x316: {  	s3 =	sor.u32 s3, s0;
	[dreg:$0x18] =	wrdreg s4;
	s4 =	spop (v2sf)  }
0x317: {  	v2 =	vld [tilespmem:s3+$0xA500];
	s2 =	sor.u32 s2, s1;
	[dreg:$0x12] =	wrdreg s4;
	s4 =	spop (v2sf)  }
0x318: {  	v3 =	vld [tilespmem:s2+$0xA500];
	s4 =	sor.u32 s4, s25  }
0x319: {  	v4 =	vld [tilespmem:s4+$0xA500];
	_ =	sdelay $0x2  }
0x31a: {  	[tilespmem:s0+$0xE500] =	vst v2  }
0x31b: {  	v2 =	vld [tilespmem:s3+$0xA510];
	[tilespmem:s1+$0xE500] =	vst v3  }
0x31c: {  	v3 =	vld [tilespmem:s2+$0xA510];
	[tilespmem:s25+$0xE500] =	vst v4  }
0x31d: {  	(v2sf) =	vpush v1, $0x1;
	v4 =	vld [tilespmem:s4+$0xA510];
	_ =	sdelay $0x2  }
0x31e: {  	[tilespmem:s0+$0xE510] =	vst v2  }
0x31f: {  	v2 =	vld [tilespmem:s3+$0xA520];
	[tilespmem:s1+$0xE510] =	vst v3  }
0x320: {  	v3 =	vld [tilespmem:s2+$0xA520];
	[tilespmem:s25+$0xE510] =	vst v4  }
0x321: {  	v4 =	vld [tilespmem:s4+$0xA520];
	_ =	sdelay $0x2  }
0x322: {  	[tilespmem:s0+$0xE520] =	vst v2  }
0x323: {  	v2 =	vld [tilespmem:s3+$0xA530];
	[tilespmem:s1+$0xE520] =	vst v3  }
0x324: {  	v3 =	vld [tilespmem:s2+$0xA530];
	[tilespmem:s25+$0xE520] =	vst v4  }
0x325: {  	v4 =	vld [tilespmem:s4+$0xA530];
	_ =	sdelay $0x1  }
0x326: {  	s4 =	sor.u32 s31, s21  }
0x327: {  	s5 =	sor.u32 s5, s21;
	[tilespmem:s0+$0xE530] =	vst v2;
	s31 =	spop (v2sf);
	s0 =	sor.u32 $0x880, s4  }
0x328: {  	[tilespmem:s1+$0xE530] =	vst v3;
	s4 =	sor.u32 $0x1080, s5;
	s5 =	sor.u32 s31, s21;
	v2 =	vld [tilespmem:s0+$0xA500]  }
0x329: {  	v3 =	vld [tilespmem:s4+$0xA500];
	s2 =	sor.u32 $0x1880, s5;
	[tilespmem:s25+$0xE530] =	vst v4  }
0x32a: {  	v4 =	vld [tilespmem:s2+$0xA500];
	_ =	sdelay $0x2  }
0x32b: {  	[tilespmem:s21+$0xED80] =	vst v2  }
0x32c: {  	[tilespmem:s21+$0xF580] =	vst v3;
	v2 =	vld [tilespmem:s0+$0xA510]  }
0x32d: {  	v3 =	vld [tilespmem:s4+$0xA510];
	[tilespmem:s21+$0xFD80] =	vst v4  }
0x32e: {  	(v2sf) =	vpush v1, $0x2;
	v4 =	vld [tilespmem:s2+$0xA510];
	_ =	sdelay $0x2  }
0x32f: {  	[tilespmem:s21+$0xED90] =	vst v2  }
0x330: {  	[tilespmem:s21+$0xF590] =	vst v3;
	v2 =	vld [tilespmem:s0+$0xA520]  }
0x331: {  	v3 =	vld [tilespmem:s4+$0xA520];
	[tilespmem:s21+$0xFD90] =	vst v4  }
0x332: {  	v4 =	vld [tilespmem:s2+$0xA520];
	_ =	sdelay $0x2  }
0x333: {  	[tilespmem:s21+$0xEDA0] =	vst v2  }
0x334: {  	[tilespmem:s21+$0xF5A0] =	vst v3;
	v2 =	vld [tilespmem:s0+$0xA530]  }
0x335: {  	v3 =	vld [tilespmem:s4+$0xA530];
	[tilespmem:s21+$0xFDA0] =	vst v4  }
0x336: {  	v4 =	vld [tilespmem:s2+$0xA530];
	_ =	sdelay $0x1  }
0x337: {  	s19 =	sor.u32 s19, s21  }
0x338: {  	s25 =	sor.u32 s6, s21;
	s31 =	spop (v2sf);
	s0 =	sor.u32 $0x900, s19;
	[tilespmem:s21+$0xEDB0] =	vst v2  }
0x339: {  	s1 =	sor.u32 $0x1100, s25;
	s2 =	sor.u32 s31, s21;
	[tilespmem:s21+$0xF5B0] =	vst v3;
	v2 =	vld [tilespmem:s0+$0xA500]  }
0x33a: {  	s2 =	sor.u32 $0x1900, s2;
	v3 =	vld [tilespmem:s1+$0xA500];
	[tilespmem:s21+$0xFDB0] =	vst v4  }
0x33b: {  	v4 =	vld [tilespmem:s2+$0xA500];
	_ =	sdelay $0x2  }
0x33c: {  	[tilespmem:s21+$0xEE00] =	vst v2  }
0x33d: {  	[tilespmem:s21+$0xF600] =	vst v3;
	v2 =	vld [tilespmem:s0+$0xA510]  }
0x33e: {  	v3 =	vld [tilespmem:s1+$0xA510];
	[tilespmem:s21+$0xFE00] =	vst v4  }
0x33f: {  	(v2sf) =	vpush v1, $0x3;
	v4 =	vld [tilespmem:s2+$0xA510];
	_ =	sdelay $0x2  }
0x340: {  	[tilespmem:s21+$0xEE10] =	vst v2  }
0x341: {  	[tilespmem:s21+$0xF610] =	vst v3;
	v2 =	vld [tilespmem:s0+$0xA520]  }
0x342: {  	v3 =	vld [tilespmem:s1+$0xA520];
	[tilespmem:s21+$0xFE10] =	vst v4  }
0x343: {  	v4 =	vld [tilespmem:s2+$0xA520];
	_ =	sdelay $0x2  }
0x344: {  	[tilespmem:s21+$0xEE20] =	vst v2  }
0x345: {  	[tilespmem:s21+$0xF620] =	vst v3;
	v2 =	vld [tilespmem:s0+$0xA530]  }
0x346: {  	v3 =	vld [tilespmem:s1+$0xA530];
	[tilespmem:s21+$0xFE20] =	vst v4  }
0x347: {  	v4 =	vld [tilespmem:s2+$0xA530];
	_ =	sdelay $0x1  }
0x348: {  	s3 =	sor.u32 s7, s21  }
0x349: {  	s4 =	sor.u32 s30, s21;
	s5 =	spop (v2sf);
	s0 =	sor.u32 $0x980, s3;
	[tilespmem:s21+$0xEE30] =	vst v2  }
0x34a: {  	s1 =	sor.u32 $0x1180, s4;
	s2 =	sor.u32 s5, s21;
	[tilespmem:s21+$0xF630] =	vst v3;
	v2 =	vld [tilespmem:s0+$0xA500]  }
0x34b: {  	s2 =	sor.u32 $0x1980, s2;
	v3 =	vld [tilespmem:s1+$0xA500];
	[tilespmem:s21+$0xFE30] =	vst v4  }
0x34c: {  	v4 =	vld [tilespmem:s2+$0xA500];
	_ =	sdelay $0x2  }
0x34d: {  	[tilespmem:s21+$0xEE80] =	vst v2  }
0x34e: {  	[tilespmem:s21+$0xF680] =	vst v3;
	v2 =	vld [tilespmem:s0+$0xA510]  }
0x34f: {  	v3 =	vld [tilespmem:s1+$0xA510];
	[tilespmem:s21+$0xFE80] =	vst v4  }
0x350: {  	(v2sf) =	vpush v1, $0x4;
	v4 =	vld [tilespmem:s2+$0xA510];
	_ =	sdelay $0x2  }
0x351: {  	[tilespmem:s21+$0xEE90] =	vst v2  }
0x352: {  	[tilespmem:s21+$0xF690] =	vst v3;
	v2 =	vld [tilespmem:s0+$0xA520]  }
0x353: {  	v3 =	vld [tilespmem:s1+$0xA520];
	[tilespmem:s21+$0xFE90] =	vst v4  }
0x354: {  	v4 =	vld [tilespmem:s2+$0xA520];
	_ =	sdelay $0x2  }
0x355: {  	[tilespmem:s21+$0xEEA0] =	vst v2  }
0x356: {  	[tilespmem:s21+$0xF6A0] =	vst v3;
	v2 =	vld [tilespmem:s0+$0xA530]  }
0x357: {  	v3 =	vld [tilespmem:s1+$0xA530];
	[tilespmem:s21+$0xFEA0] =	vst v4  }
0x358: {  	v4 =	vld [tilespmem:s2+$0xA530];
	_ =	sdelay $0x1  }
0x359: {  	s6 =	sor.u32 s9, s21  }
0x35a: {  	s7 =	sor.u32 s20, s21;
	s9 =	spop (v2sf);
	s0 =	sor.u32 $0xA00, s6;
	[tilespmem:s21+$0xEEB0] =	vst v2  }
0x35b: {  	s1 =	sor.u32 $0x1200, s7;
	s2 =	sor.u32 s9, s21;
	[tilespmem:s21+$0xF6B0] =	vst v3;
	v2 =	vld [tilespmem:s0+$0xA500]  }
0x35c: {  	s2 =	sor.u32 $0x1A00, s2;
	v3 =	vld [tilespmem:s1+$0xA500];
	[tilespmem:s21+$0xFEB0] =	vst v4  }
0x35d: {  	v4 =	vld [tilespmem:s2+$0xA500];
	_ =	sdelay $0x2  }
0x35e: {  	[tilespmem:s21+$0xEF00] =	vst v2  }
0x35f: {  	[tilespmem:s21+$0xF700] =	vst v3;
	v2 =	vld [tilespmem:s0+$0xA510]  }
0x360: {  	v3 =	vld [tilespmem:s1+$0xA510];
	[tilespmem:s21+$0xFF00] =	vst v4  }
0x361: {  	(v2sf) =	vpush v1, $0x5;
	v4 =	vld [tilespmem:s2+$0xA510];
	_ =	sdelay $0x2  }
0x362: {  	[tilespmem:s21+$0xEF10] =	vst v2  }
0x363: {  	[tilespmem:s21+$0xF710] =	vst v3;
	v2 =	vld [tilespmem:s0+$0xA520]  }
0x364: {  	v3 =	vld [tilespmem:s1+$0xA520];
	[tilespmem:s21+$0xFF10] =	vst v4  }
0x365: {  	v4 =	vld [tilespmem:s2+$0xA520];
	_ =	sdelay $0x2  }
0x366: {  	[tilespmem:s21+$0xEF20] =	vst v2  }
0x367: {  	[tilespmem:s21+$0xF720] =	vst v3;
	v2 =	vld [tilespmem:s0+$0xA530]  }
0x368: {  	v3 =	vld [tilespmem:s1+$0xA530];
	[tilespmem:s21+$0xFF20] =	vst v4  }
0x369: {  	v4 =	vld [tilespmem:s2+$0xA530];
	_ =	sdelay $0x1  }
0x36a: {  	s17 =	sor.u32 s17, s21  }
0x36b: {  	s19 =	sor.u32 s8, s21;
	s20 =	spop (v2sf);
	s0 =	sor.u32 $0xA80, s17;
	[tilespmem:s21+$0xEF30] =	vst v2  }
0x36c: {  	s1 =	sor.u32 $0x1280, s19;
	s2 =	sor.u32 s20, s21;
	[tilespmem:s21+$0xF730] =	vst v3;
	v2 =	vld [tilespmem:s0+$0xA500]  }
0x36d: {  	s2 =	sor.u32 $0x1A80, s2;
	v3 =	vld [tilespmem:s1+$0xA500];
	[tilespmem:s21+$0xFF30] =	vst v4  }
0x36e: {  	v4 =	vld [tilespmem:s2+$0xA500];
	_ =	sdelay $0x2  }
0x36f: {  	[tilespmem:s21+$0xEF80] =	vst v2  }
0x370: {  	[tilespmem:s21+$0xF780] =	vst v3;
	v2 =	vld [tilespmem:s0+$0xA510]  }
0x371: {  	v3 =	vld [tilespmem:s1+$0xA510];
	[tilespmem:s21+$0xFF80] =	vst v4  }
0x372: {  	(v2sf) =	vpush v1, $0x6;
	v4 =	vld [tilespmem:s2+$0xA510];
	_ =	sdelay $0x2  }
0x373: {  	[tilespmem:s21+$0xEF90] =	vst v2  }
0x374: {  	[tilespmem:s21+$0xF790] =	vst v3;
	v2 =	vld [tilespmem:s0+$0xA520]  }
0x375: {  	v3 =	vld [tilespmem:s1+$0xA520];
	[tilespmem:s21+$0xFF90] =	vst v4  }
0x376: {  	v4 =	vld [tilespmem:s2+$0xA520];
	_ =	sdelay $0x2  }
0x377: {  	[tilespmem:s21+$0xEFA0] =	vst v2  }
0x378: {  	[tilespmem:s21+$0xF7A0] =	vst v3;
	v2 =	vld [tilespmem:s0+$0xA530]  }
0x379: {  	v3 =	vld [tilespmem:s1+$0xA530];
	[tilespmem:s21+$0xFFA0] =	vst v4  }
0x37a: {  	v4 =	vld [tilespmem:s2+$0xA530];
	_ =	sdelay $0x1  }
0x37b: {  	s25 =	sor.u32 s14, s21  }
0x37c: {  	s30 =	sor.u32 s16, s21;
	s31 =	spop (v2sf);
	s0 =	sor.u32 $0xB00, s25;
	[tilespmem:s21+$0xEFB0] =	vst v2  }
0x37d: {  	s1 =	sor.u32 $0x1300, s30;
	s2 =	sor.u32 s31, s21;
	[tilespmem:s21+$0xF7B0] =	vst v3;
	v2 =	vld [tilespmem:s0+$0xA500]  }
0x37e: {  	s2 =	sor.u32 $0x1B00, s2;
	v3 =	vld [tilespmem:s1+$0xA500];
	[tilespmem:s21+$0xFFB0] =	vst v4  }
0x37f: {  	v4 =	vld [tilespmem:s2+$0xA500];
	_ =	sdelay $0x2  }
0x380: {  	[tilespmem:s21+$0xF000] =	vst v2  }
0x381: {  	[tilespmem:s21+$0xF800] =	vst v3;
	v2 =	vld [tilespmem:s0+$0xA510]  }
0x382: {  	v3 =	vld [tilespmem:s1+$0xA510];
	[tilespmem:s21+$0x10000] =	vst v4  }
0x383: {  	(v2sf) =	vpush v1, $0x7;
	v4 =	vld [tilespmem:s2+$0xA510];
	_ =	sdelay $0x2  }
0x384: {  	[tilespmem:s21+$0xF010] =	vst v2  }
0x385: {  	[tilespmem:s21+$0xF810] =	vst v3;
	v2 =	vld [tilespmem:s0+$0xA520]  }
0x386: {  	v3 =	vld [tilespmem:s1+$0xA520];
	[tilespmem:s21+$0x10010] =	vst v4  }
0x387: {  	v4 =	vld [tilespmem:s2+$0xA520];
	_ =	sdelay $0x2  }
0x388: {  	[tilespmem:s21+$0xF020] =	vst v2  }
0x389: {  	[tilespmem:s21+$0xF820] =	vst v3;
	v2 =	vld [tilespmem:s0+$0xA530]  }
0x38a: {  	v3 =	vld [tilespmem:s1+$0xA530];
	[tilespmem:s21+$0x10020] =	vst v4  }
0x38b: {  	v4 =	vld [tilespmem:s2+$0xA530];
	_ =	sdelay $0x1  }
0x38c: {  	s1 =	sor.u32 s15, s21  }
0x38d: {  	s3 =	spop (v2sf);
	s0 =	sor.u32 $0xB80, s1;
	s2 =	sor.u32 s10, s21;
	[tilespmem:s21+$0xF030] =	vst v2  }
0x38e: {  	[tilespmem:s21+$0xF830] =	vst v3;
	s1 =	sor.u32 $0x1380, s2;
	s2 =	sor.u32 s3, s21;
	v2 =	vld [tilespmem:s0+$0xA500]  }
0x38f: {  	v3 =	vld [tilespmem:s1+$0xA500];
	s2 =	sor.u32 $0x1B80, s2;
	[tilespmem:s21+$0x10030] =	vst v4  }
0x390: {  	v4 =	vld [tilespmem:s2+$0xA500];
	_ =	sdelay $0x2  }
0x391: {  	[tilespmem:s21+$0xF080] =	vst v2  }
0x392: {  	[tilespmem:s21+$0xF880] =	vst v3;
	v2 =	vld [tilespmem:s0+$0xA510]  }
0x393: {  	v3 =	vld [tilespmem:s1+$0xA510];
	[tilespmem:s21+$0x10080] =	vst v4  }
0x394: {  	(v2sf) =	vpush v1, $0x8;
	v4 =	vld [tilespmem:s2+$0xA510];
	_ =	sdelay $0x2  }
0x395: {  	[tilespmem:s21+$0xF090] =	vst v2  }
0x396: {  	[tilespmem:s21+$0xF890] =	vst v3;
	v2 =	vld [tilespmem:s0+$0xA520]  }
0x397: {  	v3 =	vld [tilespmem:s1+$0xA520];
	[tilespmem:s21+$0x10090] =	vst v4  }
0x398: {  	v4 =	vld [tilespmem:s2+$0xA520];
	_ =	sdelay $0x2  }
0x399: {  	[tilespmem:s21+$0xF0A0] =	vst v2  }
0x39a: {  	[tilespmem:s21+$0xF8A0] =	vst v3;
	v2 =	vld [tilespmem:s0+$0xA530]  }
0x39b: {  	v3 =	vld [tilespmem:s1+$0xA530];
	[tilespmem:s21+$0x100A0] =	vst v4  }
0x39c: {  	v4 =	vld [tilespmem:s2+$0xA530];
	_ =	sdelay $0x1  }
0x39d: {  	s4 =	sor.u32 s13, s21  }
0x39e: {  	s5 =	sor.u32 s11, s21;
	s6 =	spop (v2sf);
	s0 =	sor.u32 $0xC00, s4;
	[tilespmem:s21+$0xF0B0] =	vst v2  }
0x39f: {  	s1 =	sor.u32 $0x1400, s5;
	s2 =	sor.u32 s6, s21;
	[tilespmem:s21+$0xF8B0] =	vst v3;
	v2 =	vld [tilespmem:s0+$0xA500]  }
0x3a0: {  	s2 =	sor.u32 $0x1C00, s2;
	v3 =	vld [tilespmem:s1+$0xA500];
	[tilespmem:s21+$0x100B0] =	vst v4  }
0x3a1: {  	v4 =	vld [tilespmem:s2+$0xA500];
	_ =	sdelay $0x2  }
0x3a2: {  	[tilespmem:s21+$0xF100] =	vst v2  }
0x3a3: {  	[tilespmem:s21+$0xF900] =	vst v3;
	v2 =	vld [tilespmem:s0+$0xA510]  }
0x3a4: {  	v3 =	vld [tilespmem:s1+$0xA510];
	[tilespmem:s21+$0x10100] =	vst v4  }
0x3a5: {  	(v2sf) =	vpush v1, $0x9;
	v4 =	vld [tilespmem:s2+$0xA510];
	_ =	sdelay $0x2  }
0x3a6: {  	[tilespmem:s21+$0xF110] =	vst v2  }
0x3a7: {  	[tilespmem:s21+$0xF910] =	vst v3;
	v2 =	vld [tilespmem:s0+$0xA520]  }
0x3a8: {  	v3 =	vld [tilespmem:s1+$0xA520];
	[tilespmem:s21+$0x10110] =	vst v4  }
0x3a9: {  	v4 =	vld [tilespmem:s2+$0xA520];
	_ =	sdelay $0x2  }
0x3aa: {  	[tilespmem:s21+$0xF120] =	vst v2  }
0x3ab: {  	[tilespmem:s21+$0xF920] =	vst v3;
	v2 =	vld [tilespmem:s0+$0xA530]  }
0x3ac: {  	v3 =	vld [tilespmem:s1+$0xA530];
	[tilespmem:s21+$0x10120] =	vst v4  }
0x3ad: {  	v4 =	vld [tilespmem:s2+$0xA530];
	_ =	sdelay $0x1  }
0x3ae: {  	s7 =	sor.u32 s18, s21  }
0x3af: {  	s8 =	sor.u32 s12, s21;
	s9 =	spop (v2sf);
	s0 =	sor.u32 $0xC80, s7;
	[tilespmem:s21+$0xF130] =	vst v2  }
0x3b0: {  	s1 =	sor.u32 $0x1480, s8;
	s2 =	sor.u32 s9, s21;
	[tilespmem:s21+$0xF930] =	vst v3;
	v2 =	vld [tilespmem:s0+$0xA500]  }
0x3b1: {  	s2 =	sor.u32 $0x1C80, s2;
	v3 =	vld [tilespmem:s1+$0xA500];
	[tilespmem:s21+$0x10130] =	vst v4  }
0x3b2: {  	v4 =	vld [tilespmem:s2+$0xA500];
	_ =	sdelay $0x2  }
0x3b3: {  	[tilespmem:s21+$0xF180] =	vst v2  }
0x3b4: {  	[tilespmem:s21+$0xF980] =	vst v3;
	v2 =	vld [tilespmem:s0+$0xA510]  }
0x3b5: {  	v3 =	vld [tilespmem:s1+$0xA510];
	[tilespmem:s21+$0x10180] =	vst v4  }
0x3b6: {  	(v2sf) =	vpush v1, $0xA;
	v4 =	vld [tilespmem:s2+$0xA510];
	_ =	sdelay $0x2  }
0x3b7: {  	[tilespmem:s21+$0xF190] =	vst v2  }
0x3b8: {  	[tilespmem:s21+$0xF990] =	vst v3;
	v2 =	vld [tilespmem:s0+$0xA520]  }
0x3b9: {  	v3 =	vld [tilespmem:s1+$0xA520];
	[tilespmem:s21+$0x10190] =	vst v4  }
0x3ba: {  	v4 =	vld [tilespmem:s2+$0xA520];
	_ =	sdelay $0x2  }
0x3bb: {  	[tilespmem:s21+$0xF1A0] =	vst v2  }
0x3bc: {  	[tilespmem:s21+$0xF9A0] =	vst v3;
	v2 =	vld [tilespmem:s0+$0xA530]  }
0x3bd: {  	v3 =	vld [tilespmem:s1+$0xA530];
	[tilespmem:s21+$0x101A0] =	vst v4  }
0x3be: {  	v4 =	vld [tilespmem:s2+$0xA530];
	_ =	sdelay $0x1  }
0x3bf: {  	s10 =	sor.u32 s24, s21  }
0x3c0: {  	s11 =	sor.u32 s23, s21;
	s12 =	spop (v2sf);
	s0 =	sor.u32 $0xD00, s10;
	[tilespmem:s21+$0xF1B0] =	vst v2  }
0x3c1: {  	s1 =	sor.u32 $0x1500, s11;
	s2 =	sor.u32 s12, s21;
	[tilespmem:s21+$0xF9B0] =	vst v3;
	v2 =	vld [tilespmem:s0+$0xA500]  }
0x3c2: {  	s2 =	sor.u32 $0x1D00, s2;
	v3 =	vld [tilespmem:s1+$0xA500];
	[tilespmem:s21+$0x101B0] =	vst v4  }
0x3c3: {  	v4 =	vld [tilespmem:s2+$0xA500];
	_ =	sdelay $0x2  }
0x3c4: {  	[tilespmem:s21+$0xF200] =	vst v2  }
0x3c5: {  	[tilespmem:s21+$0xFA00] =	vst v3;
	v2 =	vld [tilespmem:s0+$0xA510]  }
0x3c6: {  	v3 =	vld [tilespmem:s1+$0xA510];
	[tilespmem:s21+$0x10200] =	vst v4  }
0x3c7: {  	(v2sf) =	vpush v1, $0xB;
	v4 =	vld [tilespmem:s2+$0xA510];
	_ =	sdelay $0x2  }
0x3c8: {  	[tilespmem:s21+$0xF210] =	vst v2  }
0x3c9: {  	[tilespmem:s21+$0xFA10] =	vst v3;
	v2 =	vld [tilespmem:s0+$0xA520]  }
0x3ca: {  	v3 =	vld [tilespmem:s1+$0xA520];
	[tilespmem:s21+$0x10210] =	vst v4  }
0x3cb: {  	v4 =	vld [tilespmem:s2+$0xA520];
	_ =	sdelay $0x2  }
0x3cc: {  	[tilespmem:s21+$0xF220] =	vst v2  }
0x3cd: {  	[tilespmem:s21+$0xFA20] =	vst v3;
	v2 =	vld [tilespmem:s0+$0xA530]  }
0x3ce: {  	v3 =	vld [tilespmem:s1+$0xA530];
	[tilespmem:s21+$0x10220] =	vst v4  }
0x3cf: {  	v4 =	vld [tilespmem:s2+$0xA530];
	_ =	sdelay $0x1  }
0x3d0: {  	s13 =	sor.u32 s29, s21  }
0x3d1: {  	s14 =	sor.u32 s26, s21;
	s15 =	spop (v2sf);
	s0 =	sor.u32 $0xD80, s13;
	[tilespmem:s21+$0xF230] =	vst v2  }
0x3d2: {  	s1 =	sor.u32 $0x1580, s14;
	s2 =	sor.u32 s15, s21;
	[tilespmem:s21+$0xFA30] =	vst v3;
	v2 =	vld [tilespmem:s0+$0xA500]  }
0x3d3: {  	s2 =	sor.u32 $0x1D80, s2;
	v3 =	vld [tilespmem:s1+$0xA500];
	[tilespmem:s21+$0x10230] =	vst v4  }
0x3d4: {  	v4 =	vld [tilespmem:s2+$0xA500];
	_ =	sdelay $0x2  }
0x3d5: {  	[tilespmem:s21+$0xF280] =	vst v2  }
0x3d6: {  	[tilespmem:s21+$0xFA80] =	vst v3;
	v2 =	vld [tilespmem:s0+$0xA510]  }
0x3d7: {  	v3 =	vld [tilespmem:s1+$0xA510];
	[tilespmem:s21+$0x10280] =	vst v4  }
0x3d8: {  	(v2sf) =	vpush v1, $0xC;
	v4 =	vld [tilespmem:s2+$0xA510];
	_ =	sdelay $0x2  }
0x3d9: {  	[tilespmem:s21+$0xF290] =	vst v2  }
0x3da: {  	[tilespmem:s21+$0xFA90] =	vst v3;
	v2 =	vld [tilespmem:s0+$0xA520]  }
0x3db: {  	v3 =	vld [tilespmem:s1+$0xA520];
	[tilespmem:s21+$0x10290] =	vst v4  }
0x3dc: {  	v4 =	vld [tilespmem:s2+$0xA520];
	_ =	sdelay $0x2  }
0x3dd: {  	[tilespmem:s21+$0xF2A0] =	vst v2  }
0x3de: {  	[tilespmem:s21+$0xFAA0] =	vst v3;
	v2 =	vld [tilespmem:s0+$0xA530]  }
0x3df: {  	v3 =	vld [tilespmem:s1+$0xA530];
	[tilespmem:s21+$0x102A0] =	vst v4  }
0x3e0: {  	v4 =	vld [tilespmem:s2+$0xA530]  }
0x3e1: {  	s16 =	rddreg [dreg:$0x1a]  }
0x3e2: {  	s17 =	rddreg [dreg:$0x1c];
	s0 =	sor.u32 s16, s21  }
0x3e3: {  	s18 =	spop (v2sf);
	s1 =	sor.u32 s17, s21;
	s0 =	sor.u32 $0xE00, s0;
	[tilespmem:s21+$0xF2B0] =	vst v2  }
0x3e4: {  	s1 =	sor.u32 $0x1600, s1;
	s2 =	sor.u32 s18, s21;
	[tilespmem:s21+$0xFAB0] =	vst v3;
	v2 =	vld [tilespmem:s0+$0xA500]  }
0x3e5: {  	s2 =	sor.u32 $0x1E00, s2;
	v3 =	vld [tilespmem:s1+$0xA500];
	[tilespmem:s21+$0x102B0] =	vst v4  }
0x3e6: {  	v4 =	vld [tilespmem:s2+$0xA500];
	_ =	sdelay $0x2  }
0x3e7: {  	[tilespmem:s21+$0xF300] =	vst v2  }
0x3e8: {  	[tilespmem:s21+$0xFB00] =	vst v3;
	v2 =	vld [tilespmem:s0+$0xA510]  }
0x3e9: {  	v3 =	vld [tilespmem:s1+$0xA510];
	[tilespmem:s21+$0x10300] =	vst v4  }
0x3ea: {  	(v2sf) =	vpush v1, $0xD;
	v4 =	vld [tilespmem:s2+$0xA510];
	_ =	sdelay $0x2  }
0x3eb: {  	[tilespmem:s21+$0xF310] =	vst v2  }
0x3ec: {  	[tilespmem:s21+$0xFB10] =	vst v3;
	v2 =	vld [tilespmem:s0+$0xA520]  }
0x3ed: {  	v3 =	vld [tilespmem:s1+$0xA520];
	[tilespmem:s21+$0x10310] =	vst v4  }
0x3ee: {  	v4 =	vld [tilespmem:s2+$0xA520];
	_ =	sdelay $0x2  }
0x3ef: {  	[tilespmem:s21+$0xF320] =	vst v2  }
0x3f0: {  	[tilespmem:s21+$0xFB20] =	vst v3;
	v2 =	vld [tilespmem:s0+$0xA530]  }
0x3f1: {  	v3 =	vld [tilespmem:s1+$0xA530];
	[tilespmem:s21+$0x10320] =	vst v4  }
0x3f2: {  	v4 =	vld [tilespmem:s2+$0xA530]  }
0x3f3: {  	s19 =	rddreg [dreg:$0x16]  }
0x3f4: {  	s20 =	rddreg [dreg:$0x18];
	s0 =	sor.u32 s19, s21  }
0x3f5: {  	s23 =	spop (v2sf);
	s1 =	sor.u32 s20, s21;
	s0 =	sor.u32 $0xE80, s0;
	[tilespmem:s21+$0xF330] =	vst v2  }
0x3f6: {  	s1 =	sor.u32 $0x1680, s1;
	s2 =	sor.u32 s23, s21;
	[tilespmem:s21+$0xFB30] =	vst v3;
	v2 =	vld [tilespmem:s0+$0xA500]  }
0x3f7: {  	s2 =	sor.u32 $0x1E80, s2;
	v3 =	vld [tilespmem:s1+$0xA500];
	[tilespmem:s21+$0x10330] =	vst v4  }
0x3f8: {  	v4 =	vld [tilespmem:s2+$0xA500];
	_ =	sdelay $0x2  }
0x3f9: {  	[tilespmem:s21+$0xF380] =	vst v2  }
0x3fa: {  	[tilespmem:s21+$0xFB80] =	vst v3;
	v2 =	vld [tilespmem:s0+$0xA510]  }
0x3fb: {  	v3 =	vld [tilespmem:s1+$0xA510];
	[tilespmem:s21+$0x10380] =	vst v4  }
0x3fc: {  	(v2sf) =	vpush v1, $0xE;
	v4 =	vld [tilespmem:s2+$0xA510];
	_ =	sdelay $0x2  }
0x3fd: {  	[tilespmem:s21+$0xF390] =	vst v2  }
0x3fe: {  	[tilespmem:s21+$0xFB90] =	vst v3;
	v2 =	vld [tilespmem:s0+$0xA520]  }
0x3ff: {  	v3 =	vld [tilespmem:s1+$0xA520];
	[tilespmem:s21+$0x10390] =	vst v4  }
0x400: {  	v4 =	vld [tilespmem:s2+$0xA520];
	_ =	sdelay $0x2  }
0x401: {  	[tilespmem:s21+$0xF3A0] =	vst v2  }
0x402: {  	[tilespmem:s21+$0xFBA0] =	vst v3;
	v2 =	vld [tilespmem:s0+$0xA530]  }
0x403: {  	v3 =	vld [tilespmem:s1+$0xA530];
	[tilespmem:s21+$0x103A0] =	vst v4  }
0x404: {  	v4 =	vld [tilespmem:s2+$0xA530]  }
0x405: {  	s24 =	rddreg [dreg:$0x14]  }
0x406: {  	s0 =	sor.u32 s24, s21  }
0x407: {  	s25 =	sor.u32 s28, s21;
	s26 =	spop (v2sf);
	s0 =	sor.u32 $0xF00, s0;
	[tilespmem:s21+$0xF3B0] =	vst v2  }
0x408: {  	s1 =	sor.u32 $0x1700, s25;
	s2 =	sor.u32 s26, s21;
	[tilespmem:s21+$0xFBB0] =	vst v3;
	v2 =	vld [tilespmem:s0+$0xA500]  }
0x409: {  	s2 =	sor.u32 $0x1F00, s2;
	v3 =	vld [tilespmem:s1+$0xA500];
	[tilespmem:s21+$0x103B0] =	vst v4  }
0x40a: {  	v4 =	vld [tilespmem:s2+$0xA500];
	_ =	sdelay $0x2  }
0x40b: {  	[tilespmem:s21+$0xF400] =	vst v2;
	v2 =	vld [tilespmem:s22+$0xAC10]  }
0x40c: {  	[tilespmem:s21+$0xFC00] =	vst v3;
	v3 =	vld [tilespmem:s0+$0xA510]  }
0x40d: {  	v63 =	vld [tilespmem:s1+$0xA510];
	[tilespmem:s21+$0x10400] =	vst v4  }
0x40e: {  	(v2sf) =	vpush v1, $0xF;
	v1 =	vld [tilespmem:s2+$0xA510];
	_ =	sdelay $0x1  }
0x40f: {  	[tilespmem:s21+$0xEC10] =	vst v2  }
0x410: {  	v2 =	vld [tilespmem:s22+$0xAC20];
	[tilespmem:s21+$0xF410] =	vst v3  }
0x411: {  	[tilespmem:s21+$0xFC10] =	vst v63;
	v3 =	vld [tilespmem:s0+$0xA520]  }
0x412: {  	v4 =	vld [tilespmem:s1+$0xA520];
	[tilespmem:s21+$0x10410] =	vst v1  }
0x413: {  	v1 =	vld [tilespmem:s2+$0xA520];
	_ =	sdelay $0x1  }
0x414: {  	[tilespmem:s21+$0xEC20] =	vst v2  }
0x415: {  	v2 =	vld [tilespmem:s22+$0xAC30];
	[tilespmem:s21+$0xF420] =	vst v3  }
0x416: {  	[tilespmem:s21+$0xFC20] =	vst v4;
	v3 =	vld [tilespmem:s0+$0xA530]  }
0x417: {  	v4 =	vld [tilespmem:s1+$0xA530];
	[tilespmem:s21+$0x10420] =	vst v1  }
0x418: {  	s29 =	rddreg [dreg:$0x10];
	v1 =	vld [tilespmem:s2+$0xA530]  }
0x419: {  	s28 =	rddreg [dreg:$0xe]  }
0x41a: {  	s30 =	rddreg [dreg:$0x12];
	s0 =	sor.u32 s28, s21;
	s1 =	sor.u32 s29, s21;
	[tilespmem:s21+$0xEC30] =	vst v2  }
0x41b: {  	s31 =	spop (v2sf);
	s1 =	sor.u32 $0xF80, s1;
	s2 =	sor.u32 s30, s21;
	v2 =	vld [tilespmem:s0+$0xAC80];
	[tilespmem:s21+$0xF430] =	vst v3  }
0x41c: {  	s3 =	sor.u32 s31, s21;
	[tilespmem:s21+$0xFC30] =	vst v4;
	s2 =	sor.u32 $0x1780, s2;
	v3 =	vld [tilespmem:s1+$0xA500]  }
0x41d: {  	s3 =	sor.u32 $0x1F80, s3;
	v4 =	vld [tilespmem:s2+$0xA500];
	[tilespmem:s21+$0x10430] =	vst v1  }
0x41e: {  	v1 =	vld [tilespmem:s3+$0xA500];
	_ =	sdelay $0x1  }
0x41f: {  	[tilespmem:s21+$0xEC80] =	vst v2  }
0x420: {  	v2 =	vld [tilespmem:s0+$0xAC90];
	[tilespmem:s21+$0xF480] =	vst v3  }
0x421: {  	[tilespmem:s21+$0xFC80] =	vst v4;
	v3 =	vld [tilespmem:s1+$0xA510]  }
0x422: {  	v4 =	vld [tilespmem:s2+$0xA510];
	[tilespmem:s21+$0x10480] =	vst v1  }
0x423: {  	v1 =	vld [tilespmem:s3+$0xA510];
	_ =	sdelay $0x1  }
0x424: {  	[tilespmem:s21+$0xEC90] =	vst v2  }
0x425: {  	v2 =	vld [tilespmem:s0+$0xACA0];
	[tilespmem:s21+$0xF490] =	vst v3  }
0x426: {  	[tilespmem:s21+$0xFC90] =	vst v4;
	v3 =	vld [tilespmem:s1+$0xA520]  }
0x427: {  	v4 =	vld [tilespmem:s2+$0xA520];
	[tilespmem:s21+$0x10490] =	vst v1  }
0x428: {  	v1 =	vld [tilespmem:s3+$0xA520];
	_ =	sdelay $0x1  }
0x429: {  	[tilespmem:s21+$0xECA0] =	vst v2  }
0x42a: {  	v2 =	vld [tilespmem:s0+$0xACB0];
	[tilespmem:s21+$0xF4A0] =	vst v3  }
0x42b: {  	[tilespmem:s21+$0xFCA0] =	vst v4;
	v3 =	vld [tilespmem:s1+$0xA530]  }
0x42c: {  	v4 =	vld [tilespmem:s2+$0xA530];
	[tilespmem:s21+$0x104A0] =	vst v1  }
0x42d: {  	p1 =	por p0, p0;
	v1 =	vld [tilespmem:s3+$0xA530]  }
.Ltmp1:
0x42e: {  	_ = 	snop;
	(pc) =	sbr.rel @p1 .LBB2_5-.Ltmp1, $4  }
0x42f: {  	[tilespmem:s21+$0xECB0] =	vst v2  }
0x430: {  	[tilespmem:s21+$0xF4B0] =	vst v3  }
0x431: {  	[tilespmem:s21+$0xFCB0] =	vst v4  }
0x432: {  	p0 =	por $0x0, $0x0;
	s0 =	simm.s32 $0x4;
	[tilespmem:s21+$0x104B0] =	vst v1  }
0x433: {  	s4 =	rddreg [dreg:$0x9]  }
0x434: {  	s4 =	sadd.s32 $0x1, s4  }
0x435: {  	s0 =	rddreg [dreg:$0xa];
	p0 =	sne.s32 s4, $0x64  }
.Ltmp2:
0x436: {  	s1 =	rddreg [dreg:$0x6];
	s0 =	sshll.u32 s0, $0xE;
	(pc) =	sbr.rel @p0 .LBB2_2-.Ltmp2, $4  }
0x437: {  	s0 =	sadd.s32 s1, s0  }
0x438: {  	s30 =	rddreg [dreg:$0x4];
	s0 =	sshrl.u32 s0, $0x3  }
0x439: {  	s31 =	simm.s32 $0x0;
	s2 =	simm.s32 $0xE500;
	s0 =	sadd.s32 s30, s0  }
0x43a: {  	[hbm4b:s0+s31] =	stream.linear.scatter [tilespmem:s2], [sflag:$0x3], $0x4000, $0x38;
	[tilespmem:$0x12500] =	vst v63  }
0x43b: {  	s1 =	simm.s32 $0x3  }
0x43c: {  	_ =	swait.ge [sflag:s1], $0x4000  }
0x43d: {  	s2 =	rddreg [dreg:$0x8]  }
0x43e: {  	s0 =	rddreg [dreg:$0x7];
	s2 =	sadd.s32 $0x1, s2  }
0x43f: {  	p0 =	sne.s32 s2, s0  }
.Ltmp3:
0x440: {  	_ = 	snop;
	(pc) =	sbr.rel @p0 .LBB2_1-.Ltmp3, $3  }
0x441: {  	_ =	sdelay $0x1  }
0x442: {  	[sflag:s1] =	ssyncset.done $0x0  }
0x443: {  	[sflag:s1] =	ssyncadd.s32 $0xFFFFC000  }
0x444: {  	_ =	sfence.sel $0x180000  }
0x445: {  	[bflag:$0x0] =	sbarrier.arrive $0xFFFF  }
0x446: {  	_ =	strace $0x90000047  }
0x447: {  	s0 =	stileid.u32;
	[bflag:$0x2] =	sbarrier.arrive $0xFFFF  }
0x448: {  	p0 =	sne.s32 s0, $0x0;
	s0 =	rddreg [dreg:$0x2]  }
0x449: {  	s0 =	sadd.s32 @!p0 $0x100000, s0  }
0x44a: {  	[sflag:s0] =	ssyncadd.tile.s32 @!p0 $0x1;
	_ =	shalt  }
.Lfunc_end2:
_tile_overlayer_lowered:
.L_overlay_start_2:
0x44b: {  	(tag) =	ssettag $0x2  }
0x44c: {  	s0 =	rddreg [dreg:$0x0];
	s2 =	stileid.u32  }
0x44d: {  	s1 =	rddreg [dreg:$0x1];
	p0 =	sne.s32 s2, $0x0  }
0x44e: {  	s3 =	rddreg [dreg:$0x2];
	[bflag:$0x3] =	sbarrier.arrive $0xFFFF;
	s2 =	simm.s32 @!p0 $0x1C04  }
0x44f: {  	[timem:s3], [sflag:s2] =	dma.local @!p0 [hbm:s0], s1  }
0x450: {  	s0 =	simm.s32 @!p0 $0x4  }
0x451: {  	_ =	swait.ge @!p0 [sflag:s0], s1  }
0x452: {  	s1 =	ssub.s32 @!p0 $0x0, s1;
	[sflag:s0] =	ssyncset.done @!p0 $0x0  }
0x453: {  	[sflag:s0] =	ssyncadd.s32 @!p0 s1  }
0x454: {  	[bflag:$0x3] =	sbarrier.arrive $0xFFFF  }
0x455: {  	_ =	shalt  }

// kernel: sparse-core-data-format-call.cloned.1.call-start
scs
called_computation_lowered:
.L_overlay_start_0:
0x0: {  	s2 =	sld [smem:$0x3FD9]  }
0x1: {  	s3 =	sld [smem:$0x3FFE];
	_ =	sdelay $0x1  }
0x2: {  	s1 =	srdreg.scid  }
0x3: {  	s0 =	sand.u32 $0x1, s1  }
0x4: {  	s18 =	sshll.u32 s0, $0xA;
	s2 =	sadd.s32 s3, s2  }
0x5: {  	s2 =	sadd.s32 s2, s18  }
0x6: {  	[smem:$0x3FC6] =	sst s2  }
0x7: {  	_ = 	snop  }
0x8: {  	s2 =	sld [smem:$0x3FD0];
	(tm) =	ssettm $0x1  }
0x9: {  	s19 =	sld [smem:$0x3FFB];
	_ =	sdelay $0x3  }
0xa: {  	_ =	strace s19  }
0xb: {  	s3 =	sld [smem:$0x3FFC];
	_ =	sdelay $0x3  }
0xc: {  	_ =	strace s3  }
0xd: {  	s3 =	sld [smem:$0x3FFD];
	_ =	sdelay $0x3  }
0xe: {  	_ =	strace s3  }
0xf: {  	_ =	strace $0x8FFFFFFF  }
0x10: {  	s20 =	sld [smem:$0x3FDB];
	_ =	sdelay $0x1  }
0x11: {  	s4 =	simm.s32 $_scs_section_size  }
0x12: {  	s5 =	simm.s32 $_size__tile_overlayer_lowered;
	s6 =	simm.s32 $_tile_overlayer_lowered  }
0x13: {  	s23 =	simm.s32 $0x1BFF;
	s22 =	sshll.u32 s6, $0x1;
	s3 =	sadd.s32 s4, s20  }
0x14: {  	s7 =	simm.s32 $0x0;
	s21 =	sshll.u32 s5, $0x1;
	s5 =	sadd.s32 s22, s3  }
0x15: {  	[timem:s7], [sflag:s23] =	dma.local [hbm:s5], s21  }
0x16: {  	_ =	swait.ge [sflag:s23], s21  }
0x17: {  	s4 =	ssub.s32 $0x0, s21;
	[sflag:s23] =	ssyncset.done $0x0  }
0x18: {  	[sflag:s23] =	ssyncadd.s32 s4;
	_ =	sdelay $0x1  }
0x19: {  	s24 =	simm.s32 $0x1B8B  }
0x1a: {  	_ =	swait.ge [sflag:s24], $0x1  }
0x1b: {  	[sflag:s24] =	ssyncset.done $0x0  }
0x1c: {  	s26 =	simm.s32 $0x1B8E;
	s25 =	sld [smem:$0x3FFE];
	[sflag:s24] =	ssyncadd.s32 $0xFFFFFFFF  }
0x1d: {  	s27 =	simm.s32 $execute0_lowered;
	[smem:$0x3FD2] =	sst s26  }
0x1e: {  	s5 =	sshll.u32 s27, $0x1;
	_ =	strace $0x80000049;
	[dreg:$0x1] =	wrdreg $0xFFFFFFFF  }
0x1f: {  	s28 =	simm.s32 $_size_execute0_lowered;
	s3 =	sadd.s32 s3, s5;
	[dreg:$0x0] =	wrdreg $0x0  }
0x20: {  	s5 =	sshll.u32 s28, $0x1;
	[dreg:$0x2] =	wrdreg s3  }
0x21: {  	[dreg:$0x3] =	wrdreg s5  }
0x22: {  	[dreg:$0x4] =	wrdreg $0xC0  }
0x23: {  	_ =	task [dreg:s7], $0x5FFFF  }
0x24: {  	[dreg:$0x1] =	wrdreg $0xFFFFFFFF  }
0x25: {  	[dreg:$0x0] =	wrdreg $0x60  }
0x26: {  	[dreg:$0x2] =	wrdreg s25  }
0x27: {  	[dreg:$0x3] =	wrdreg s2  }
0x28: {  	[dreg:$0x4] =	wrdreg $0x9  }
0x29: {  	_ =	task.clear_ibuf [dreg:s7], $0x5FFFF;
	_ =	strace $0x90000049  }
0x2a: {  	s29 =	simm.s32 $0x9;
	_ =	strace $0x8000004B  }
0x2b: {  	_ =	swait.ge [sflag:s29], $0x1  }
0x2c: {  	[sflag:s29] =	ssyncadd.s32 $0xFFFFFFFF  }
0x2d: {  	_ =	strace $0x9000004B  }
0x2e: {  	_ =	sfence  }
0x2f: {  	s30 =	sld [smem:$0x0];
	_ =	sdelay $0x2  }
0x30: {  	s31 =	sshll.u32 s1, $0xD;
	s1 =	sshrl.u32 s1, $0x2  }
0x31: {  	s3 =	sand.u32 $0x4000, s31;
	s1 =	sadd.s32 s1, s30  }
0x32: {  	s0 =	sor.u32 s3, s0;
	s1 =	sshll.u32 s1, $0x11  }
0x33: {  	s0 =	sor.u32 s1, s0  }
0x34: {  	s0 =	sadd.s32 $0x8F2B, s0  }
0x35: {  	[sflag:s0] =	ssyncadd.remote.s32 $0x1  }
0x36: {  	_ =	sfence.sel $0xFFFF  }
0x37: {  	[dreg:$0x0] =	wrdreg $0xFFFFFFFF;
	(pc) =	sbr.abs _section_cstart, $3  }
0x38: {  	[dreg:$0x1] =	wrdreg $0xFFFFFFFF  }
0x39: {  	_ =	task.clear_ibuf [dreg:s7], $0x2FFFF;
	_ =	strace $0x9FFFFFFF  }
0x3a: {  	(tm) =	ssettm $0x7FFFFFFF  }
0x3b: {  	_ =	shalt  }
tec
execute0_lowered:
.L_overlay_start_1:
0x0: {  	(tag) =	ssettag $0x1  }
0x1: {  	s0 =	srdreg.scid  }
0x2: {  	s1 =	sshll.u32 s0, $0x4  }
0x3: {  	s0 =	stileid.u32;
	s1 =	sand.u32 $0x10, s1  }
0x4: {  	s1 =	sor.u32 s0, s1  }
0x5: {  	s6 =	rddreg [dreg:$0x0];
	s4 =	simm.s32 $0x1;
	s2 =	sshll.u32 s1, $0x7  }
0x6: {  	s7 =	simm.s32 $0x2;
	s12 =	simm.s32 $0x0;
	s1 =	ssub.s32 $0x1000, s2  }
0x7: {  	s8 =	simm.s32 $0x8000;
	s13 =	simm.s32 $0x0;
	s3 =	sand.u32 $0xF80, s1  }
0x8: {  	s9 =	simm.s32 $0x0;
	s5 =	sshrl.u32 s1, $0xC;
	p0 =	sne.s32 s3, $0x0  }
.Ltmp0:
0x9: {  	s1 =	rddreg [dreg:$0x2];
	s4 =	simm.s32 @!p0 $0x0;
	(pc) =	sbr.rel .LBB1_1-.Ltmp0, $4  }
0xa: {  	s11 =	simm.s32 $0x0;
	s3 =	rddreg [dreg:$0x1];
	s5 =	sadd.s32 s4, s5  }
0xb: {  	_ =	strace $0x8000004A;
	s4 =	simm.s32 $0x1;
	s5 =	smul.u32 $0xC8, s5  }
0xc: {  	s6 =	sadd.s32 $0xA00, s6;
	s10 =	smov.u32 s2;
	[sflag:s4] =	ssyncpa.u1 $0x0  }
0xd: {  	p0 =	por $0x0, $0x0;
	[sflag:s7] =	ssyncpa.u1 $0x0;
	s7 =	sor.u32 $0x1, s5  }
.LBB1_4:
0xe: {  	s16 =	sshll.u32 s13, $0x3;
	s17 =	sand.u32 $0x78, s13  }
0xf: {  	s30 =	sand.u32 $0x7E00, s13;
	s12 =	sshll.u32 s12, $0xF;
	s16 =	sand.u32 $0xC00, s16  }
0x10: {  	[tilespmem:s15+$0x810 ss:$0x81] =	vst.msk $0xffff, v2;
	s31 =	sand.u32 $0x7, s13;
	s16 =	sor.u32 s17, s16;
	s17 =	sadd.s32 s3, s30  }
0x11: {  	[tilespmem:s15+$0x1020 ss:$0x81] =	vst.msk $0xffff, v0;
	s13 =	sshll.u32 s31, $0x12;
	s12 =	sadd.s32 s12, s17;
	s16 =	sshrl.u32 s16, $0x3  }
0x12: {  	[tilespmem:s15+$0x0 ss:$0x81] =	vst.msk $0xffff, v1;
	s13 =	sor.u32 $0x400, s13;
	s12 =	sadd.s32 s16, s12  }
0x13: {  	[hbm4b:s12+s13] =	stream.strided.scatter [tilespmem:s14], [sflag:$0x2], $0x2000, s8, s13, $0x20;
	[tilespmem:$0x8080] =	vst v63  }
.LBB1_5:
0x14: {  	s14 =	sadd.s32 $0x1, s9  }
0x15: {  	s12 =	sadd.s32 $0x1000, s10;
	s16 =	smov.u32 s10;
	p2 =	sgt.s32 s14, $0xC7  }
0x16: {  	s16 =	smov.u32 @p2 s12  }
0x17: {  	s14 =	simm.s32 @p2 $0x0;
	p2 =	sgt.s32 s16, $0xFFF  }
0x18: {  	s16 =	smov.u32 @p2 s2;
	p2 =	sne.s32 s11, s7  }
.Ltmp1:
0x19: {  	p1 =	slt.u32 s11, $0x2;
	(pc) =	sbr.rel @!p2 .LBB1_6-.Ltmp1, $4  }
0x1a: {  	s15 =	simm.s32 @!p1 $0x2  }
0x1b: {  	s13 =	smov.u32 s10;
	p0 =	por !p0, !p0;
	_ =	swait.ge @!p1 [sflag:s15], $0x2000  }
0x1c: {  	s12 =	smov.u32 s9;
	[sflag:s15] =	ssyncset.done @!p1 $0x0;
	s9 =	smov.u32 s14  }
0x1d: {  	s11 =	sadd.s32 $0x1, s11;
	[sflag:s15] =	ssyncadd.s32 @!p1 $0xFFFFE000;
	s10 =	smov.u32 s16  }
.LBB1_1:
0x1e: {  	p1 =	sge.u32 s11, s5  }
0x1f: {  	s14 =	sand.u32 @!p1 $0x1FFFFFF, s9  }
0x20: {  	s15 =	smulhi.u32 @!p1 $0x147AE15, s14;
	_ =	sdelay $0x1  }
0x21: {  	s15 =	smul.u32 @!p1 $0xC8, s15  }
0x22: {  	s16 =	sxor.u32 @!p1 $0xFFFFFFFF, s11;
	s17 =	smul.u32 @!p1 $0xC80, s10  }
0x23: {  	s31 =	sadd.s32 $0xFFFFFFFF, s11;
	s16 =	sshll.u32 @!p1 s16, $0xD;
	s14 =	ssub.s32 @!p1 s14, s15  }
0x24: {  	s15 =	sand.u32 @!p1 $0x2000, s16;
	s16 =	sadd.s32 @!p1 s6, s17;
	s14 =	sshll.u32 @!p1 s14, $0x4  }
0x25: {  	s17 =	simm.s32 @!p1 $0x6400;
	s14 =	sadd.s32 @!p1 s14, s16;
	s16 =	simm.s32 @!p1 $0x40  }
0x26: {  	[tilespmem:s15], [sflag:$0x1] =	stream.strided.gather @!p1 [hbm4b:s14+s16], $0x2000, s17, s16, $0x38;
	[tilespmem:$0x8080] =	vst v63  }
0x27: {  	p1 =	sge.u32 s31, s5  }
.Ltmp2:
0x28: {  	_ = 	snop;
	(pc) =	sbr.rel @p1 .LBB1_5-.Ltmp2, $1  }
0x29: {  	_ =	sdelay $0x3  }
0x2a: {  	s14 =	simm.s32 $0x1  }
0x2b: {  	_ =	swait.ge [sflag:s4], $0x2000;
	s14 =	simm.s32 @!p0 $0x0  }
0x2c: {  	[sflag:s4] =	ssyncset.done $0x0;
	s15 =	sshll.u32 s14, $0xD  }
0x2d: {  	[sflag:s4] =	ssyncadd.s32 $0xFFFFE000;
	s18 =	sor.u32 $0x20, s15  }
0x2e: {  	s14 =	smul.u32 $0x8100, s14;
	v3 =	vld [tilespmem:s18+$0x10]  }
0x2f: {  	s30 =	sand.u32 $0x1, s11;
	v2 =	vld [tilespmem:s18+$0xFFFFFFF0]  }
0x30: {  	s15 =	smul.u32 $0x8100, s30;
	s14 =	sshrl.u32 s14, $0x2;
	v0 =	vld [tilespmem:s18+$0x0]  }
0x31: {  	v1 =	vld [tilespmem:s18+$0xFFFFFFE0];
	s16 =	sor.u32 $0x4000, s14  }
0x32: {  	s31 =	sshrl.u32 s15, $0x2;
	s15 =	sadd.s32 $0x0, s16  }
0x33: {  	s17 =	simm.s32 $0x4;
	s18 =	sadd.s32 $0x40, s18;
	s14 =	sor.u32 $0x4000, s31;
	[tilespmem:s15+$0x1830 ss:$0x81] =	vst.msk $0xffff, v3  }
.LBB1_3:
0x34: {  	v3 =	vld [tilespmem:s18+$0x10];
	p1 =	sne.s32 s17, $0x1FC;
	[tilespmem:s15+$0x810 ss:$0x81] =	vst.msk $0xffff, v2;
	s19 =	smov.u32 s17;
	s17 =	sadd.s32 $0x4, s17  }
.Ltmp3:
0x35: {  	v2 =	vld [tilespmem:s18+$0xFFFFFFF0];
	[tilespmem:s15+$0x1020 ss:$0x81] =	vst.msk $0xffff, v0;
	(pc) =	sbr.rel @p1 .LBB1_3-.Ltmp3, $4  }
0x36: {  	v0 =	vld [tilespmem:s18+$0x0];
	[tilespmem:s15+$0x0 ss:$0x81] =	vst.msk $0xffff, v1  }
0x37: {  	s15 =	sshra.s32 s19, $0x2;
	v1 =	vld [tilespmem:s18+$0xFFFFFFE0]  }
0x38: {  	s15 =	sadd.s32 s15, s16  }
0x39: {  	s18 =	sadd.s32 $0x40, s18;
	[tilespmem:s15+$0x1830 ss:$0x81] =	vst.msk $0xffff, v3  }
.Ltmp4:
0x3a: {  	_ = 	snop;
	(pc) =	sbr.rel .LBB1_4-.Ltmp4, $1  }
0x3b: {  	_ =	sdelay $0x3  }
.LBB1_6:
0x3c: {  	_ =	sfence.sel $0x180000  }
0x3d: {  	s2 =	simm.s32 $0x1;
	[bflag:$0x0] =	sbarrier.arrive $0xFFFF  }
0x3e: {  	s31 =	simm.s32 $0x2;
	[sflag:s2] =	ssyncpa.u1 $0x1  }
0x3f: {  	[sflag:s31] =	ssyncpa.u1 $0x1  }
0x40: {  	p0 =	sne.s32 s0, $0x0;
	_ =	strace $0x9000004A  }
0x41: {  	s0 =	sadd.s32 @!p0 $0x100000, s1;
	[bflag:$0x2] =	sbarrier.arrive $0xFFFF  }
0x42: {  	[sflag:s0] =	ssyncadd.tile.s32 @!p0 $0x1;
	_ =	shalt  }
.Lfunc_end1:
_tile_overlayer_lowered:
.L_overlay_start_2:
0x43: {  	(tag) =	ssettag $0x2  }
0x44: {  	s0 =	rddreg [dreg:$0x0];
	s2 =	stileid.u32  }
0x45: {  	s1 =	rddreg [dreg:$0x1];
	p0 =	sne.s32 s2, $0x0  }
0x46: {  	s3 =	rddreg [dreg:$0x2];
	[bflag:$0x3] =	sbarrier.arrive $0xFFFF;
	s2 =	simm.s32 @!p0 $0x1C01  }
0x47: {  	[timem:s3], [sflag:s2] =	dma.local @!p0 [hbm:s0], s1  }
0x48: {  	s0 =	simm.s32 @!p0 $0x1  }
0x49: {  	_ =	swait.ge @!p0 [sflag:s0], s1  }
0x4a: {  	s1 =	ssub.s32 @!p0 $0x0, s1;
	[sflag:s0] =	ssyncset.done @!p0 $0x0  }
0x4b: {  	[sflag:s0] =	ssyncadd.s32 @!p0 s1  }
0x4c: {  	[bflag:$0x3] =	sbarrier.arrive $0xFFFF  }
0x4d: {  	_ =	shalt  }

</sc_bundles>
